<compile_context>
chip_gen: v7x
topology: tpu7x:2x2x1
jax: 0.10.2.dev20260603
libtpu: 0.0.44.dev20260713+nightly
codegen_flags: <defaults>
</compile_context>

<pallas_src>
import jax
import jax.numpy as jnp
from jax import lax
from jax.experimental import pallas as pl
from jax.experimental.pallas import tpu as pltpu
from jax.experimental.pallas import tpu_sc as plsc
from functools import partial

_N_TOKENS = 8192
_DIM = 4096
_E = 64
_EPS = 1e-06
_TILE = 1024
_LANES = 16
_NC = 2
_NS = 16
_NW = _NC * _NS
_ROWS_PER_W = _N_TOKENS // _NW
_GROUPS = _ROWS_PER_W // _LANES


def _logits_kernel(x_ref, wt_ref, b_ref, out_ref):
    out_ref[...] = jnp.dot(x_ref[...], wt_ref[...],
                           preferred_element_type=jnp.float32) + b_ref[...]


def _route_kernel(logits_hbm, val_hbm, arg_hbm, ltile, vtile, atile):
    wid = lax.axis_index("s") * _NC + lax.axis_index("c")
    base = wid * _ROWS_PER_W
    pltpu.sync_copy(logits_hbm.at[pl.ds(base * _E, _ROWS_PER_W * _E)], ltile)

    def group(g, _):
        lbase = (g * _LANES + lax.iota(jnp.int32, _LANES)) * _E
        m = jnp.full((_LANES,), -jnp.inf, jnp.float32)
        a = jnp.zeros((_LANES,), jnp.int32)
        for e in range(_E):
            v = plsc.load_gather(ltile, [lbase + e])
            gt = v > m
            m = jnp.where(gt, v, m)
            a = jnp.where(gt, jnp.full((_LANES,), e, jnp.int32), a)
        s = jnp.zeros((_LANES,), jnp.float32)
        for e in range(_E):
            v = plsc.load_gather(ltile, [lbase + e])
            s = s + jnp.exp(v - m)
        vtile[pl.ds(g * _LANES, _LANES)] = 1.0 / s
        atile[pl.ds(g * _LANES, _LANES)] = a
        return ()

    lax.fori_loop(0, _GROUPS, group, ())
    pltpu.sync_copy(vtile, val_hbm.at[pl.ds(base, _ROWS_PER_W)])
    pltpu.sync_copy(atile, arg_hbm.at[pl.ds(base, _ROWS_PER_W)])


def _assemble_kernel(val_ref, arg_ref, out_ref, colsum_ref, *, n_tiles, tile,
                     capacity):
    i = pl.program_id(0)
    iota = jax.lax.broadcasted_iota(jnp.int32, (tile, _E), 1)
    masked = jnp.where(iota == arg_ref[...], val_ref[...], 0.0)

    @pl.when(i == 0)
    def _init():
        colsum_ref[...] = jnp.zeros_like(colsum_ref)

    colsum_ref[...] += jnp.sum(masked, axis=0, keepdims=True)
    out_ref[pl.ds(i * tile, tile), :] = masked

    @pl.when(i == n_tiles - 1)
    def _normalize():
        scale = capacity / (colsum_ref[...] + _EPS)
        out_ref[...] = out_ref[...] * scale


def kernel(x, W, b):
    n_tiles = _N_TOKENS // _TILE
    wt = W.T
    b2 = b.reshape(1, _E)
    capacity = float(_N_TOKENS)

    logits = pl.pallas_call(
        _logits_kernel,
        grid=(n_tiles,),
        in_specs=[
            pl.BlockSpec((_TILE, _DIM), lambda i: (i, 0)),
            pl.BlockSpec((_DIM, _E), lambda i: (0, 0)),
            pl.BlockSpec((1, _E), lambda i: (0, 0)),
        ],
        out_specs=pl.BlockSpec((_TILE, _E), lambda i: (i, 0)),
        out_shape=jax.ShapeDtypeStruct((_N_TOKENS, _E), jnp.float32),
    )(x, wt, b2)

    mesh = plsc.VectorSubcoreMesh(core_axis_name="c", subcore_axis_name="s")
    val, arg = pl.kernel(
        _route_kernel,
        mesh=mesh,
        out_type=[
            jax.ShapeDtypeStruct((_N_TOKENS,), jnp.float32),
            jax.ShapeDtypeStruct((_N_TOKENS,), jnp.int32),
        ],
        scratch_types=[
            pltpu.VMEM((_ROWS_PER_W * _E,), jnp.float32),
            pltpu.VMEM((_ROWS_PER_W,), jnp.float32),
            pltpu.VMEM((_ROWS_PER_W,), jnp.int32),
        ],
        compiler_params=pltpu.CompilerParams(needs_layout_passes=False),
    )(logits.reshape(_N_TOKENS * _E))

    return pl.pallas_call(
        partial(_assemble_kernel, n_tiles=n_tiles, tile=_TILE,
                capacity=capacity),
        grid=(n_tiles,),
        in_specs=[
            pl.BlockSpec((_TILE, 1), lambda i: (i, 0)),
            pl.BlockSpec((_TILE, 1), lambda i: (i, 0)),
        ],
        out_specs=pl.BlockSpec((_N_TOKENS, _E), lambda i: (0, 0)),
        out_shape=jax.ShapeDtypeStruct((_N_TOKENS, _E), jnp.float32),
        scratch_shapes=[pltpu.VMEM((1, _E), jnp.float32)],
    )(val.reshape(_N_TOKENS, 1), arg.reshape(_N_TOKENS, 1))

# --- scband reference (transcript-rebuilt; emitter-appended) ---
"""Pipeline reference for scband-switch-gate-5832565588217 (READ-ONLY COPY).

The authoritative reference and input builder live on the scoring server;
editing this copy changes nothing except your own understanding.
"""

import jax, jax.numpy as jnp
import numpy as np

N_TOKENS = 8192
DIM = 4096
NUM_EXPERTS = 64
CAPACITY_FACTOR = 1.0
EPSILON = 1e-06


def setup_inputs(seed: int = 0) -> dict:
    key = jax.random.key(seed)
    k1, k2, k3 = jax.random.split(key, 3)
    x = jax.random.normal(k1, (N_TOKENS, DIM), dtype=jnp.float32)
    # nn.Linear(dim, num_experts): weight [num_experts, dim], bias [num_experts]
    bound = 1.0 / np.sqrt(DIM)
    W = jax.random.uniform(k2, (NUM_EXPERTS, DIM), dtype=jnp.float32, minval=-bound, maxval=bound)
    b = jax.random.uniform(k3, (NUM_EXPERTS,), dtype=jnp.float32, minval=-bound, maxval=bound)
    return {"x": x, "W": W, "b": b}


def reference(x, W, b):
    # gate_scores = softmax(w_gate(x), dim=-1)
    logits = x @ W.T + b
    gate_scores = jax.nn.softmax(logits, axis=-1)
    # capacity = int(capacity_factor * x.size(0))
    capacity = int(CAPACITY_FACTOR * x.shape[0])
    # top-1 over experts
    top_k_scores, top_k_indices = jax.lax.top_k(gate_scores, 1)
    # mask = zeros.scatter_(1, top_k_indices, 1)
    rows = jnp.arange(x.shape[0])[:, None]
    mask = jnp.zeros_like(gate_scores).at[rows, top_k_indices].set(1.0)
    masked_gate_scores = gate_scores * mask
    denominators = masked_gate_scores.sum(0, keepdims=True) + EPSILON
    out = masked_gate_scores / denominators * capacity
    # torch module returns (gate_scores, None); aux loss disabled by default
    return out

if __name__ == "__main__":
    import jax
    _d = setup_inputs()
    print(jax.jit(kernel)(*tuple(_d.values())))

</pallas_src>

<mosaic_0001>
#map = affine_map<(d0, d1) -> (0)>
module attributes {stable_mosaic.version = 14 : i64} {
  func.func @_route_kernel(%arg0: i32, %arg1: i32, %arg2: memref<524288xf32, #tpu.memory_space<hbm>>, %arg3: memref<8192xf32, #tpu.memory_space<hbm>>, %arg4: memref<8192xi32, #tpu.memory_space<hbm>>, %arg5: memref<16384xf32, #tpu.memory_space<vmem>>, %arg6: memref<256xf32, #tpu.memory_space<vmem>>, %arg7: memref<256xi32, #tpu.memory_space<vmem>>) attributes {dimension_semantics = [#tpu.dimension_semantics<core_parallel>, #tpu.dimension_semantics<subcore_parallel>], iteration_bounds = array<i64: 2, 16>, scalar_prefetch = 0 : i64, scratch_operands = 3 : i64, tpu.core_type = #tpu.core_type<sc_vector_subcore>, window_params = [{transform_indices = #map}, {transform_indices = #map}, {transform_indices = #map}]} {
    %mul3A = arith.constant 2 : i32
    %mul3A_0 = arith.muli %arg1, %mul3A : i32
    %add3A = arith.addi %mul3A_0, %arg0 : i32
    %mul3A_1 = arith.constant 256 : i32
    %mul3A_2 = arith.muli %add3A, %mul3A_1 : i32
    %mul3A_3 = arith.constant 64 : i32
    %mul3A_4 = arith.muli %mul3A_2, %mul3A_3 : i32
    "tpu.region"() ({
      %run_scoped3A = tpu.sem_alloc : memref<!tpu.dma_semaphore, #tpu.memory_space<semaphore_mem>>
      %dma_start3A = tpu.memref_slice %arg2[%mul3A_4] : memref<524288xf32, #tpu.memory_space<hbm>> -> memref<16384xf32, #tpu.memory_space<hbm>>
      %dma_start3A_9 = tpu.memref_slice %arg2[%mul3A_4] : memref<524288xf32, #tpu.memory_space<hbm>> -> memref<16384xf32, #tpu.memory_space<hbm>>
      tpu.enqueue_dma source(%dma_start3A_9 : memref<16384xf32, #tpu.memory_space<hbm>>) target(%arg5 : memref<16384xf32, #tpu.memory_space<vmem>>) target_semaphore(%run_scoped3A : memref<!tpu.dma_semaphore, #tpu.memory_space<semaphore_mem>>)
      %dma_wait3A = tpu.memref_slice %arg2[%mul3A_4] : memref<524288xf32, #tpu.memory_space<hbm>> -> memref<16384xf32, #tpu.memory_space<hbm>>
      %dma_wait3A_10 = tpu.memref_slice %arg2[%mul3A_4] : memref<524288xf32, #tpu.memory_space<hbm>> -> memref<16384xf32, #tpu.memory_space<hbm>>
      tpu.wait_dma2 semaphore(%run_scoped3A : memref<!tpu.dma_semaphore, #tpu.memory_space<semaphore_mem>>) src(%dma_wait3A_10 : memref<16384xf32, #tpu.memory_space<hbm>>) dst(%arg5 : memref<16384xf32, #tpu.memory_space<vmem>>)
      tpu.yield
    }) : () -> ()
    %scan3A = arith.constant 0 : i32
    %scan3A_5 = arith.constant 16 : i32
    %scan3A_6 = arith.addi %scan3A, %scan3A_5 : i32
    %scan3A_7 = arith.constant 1 : i32
    scf.for %scan3A_9 = %scan3A to %scan3A_6 step %scan3A_7  : i32 {
      %mul3A_10 = arith.constant 16 : i32
      %mul3A_11 = arith.muli %scan3A_9, %mul3A_10 : i32
      %iota3A = tpu.iota {dimensions = array<i32: 0>} : vector<16xi32>
      %add3A_12 = vector.broadcast %mul3A_11 : i32 to vector<16xi32>
      %add3A_13 = arith.addi %add3A_12, %iota3A : vector<16xi32>
      %mul3A_14 = arith.constant 64 : i32
      %mul3A_15 = vector.broadcast %mul3A_14 : i32 to vector<16xi32>
      %mul3A_16 = arith.muli %add3A_13, %mul3A_15 : vector<16xi32>
      %broadcast_in_dim3A = arith.constant 0xFF800000 : f32
      %broadcast_in_dim3A_17 = vector.broadcast %broadcast_in_dim3A : f32 to vector<16xf32>
      %broadcast_in_dim3A_18 = arith.constant 0 : i32
      %broadcast_in_dim3A_19 = vector.broadcast %broadcast_in_dim3A_18 : i32 to vector<16xi32>
      %add3A_20 = arith.constant 0 : i32
      %add3A_21 = vector.broadcast %add3A_20 : i32 to vector<16xi32>
      %add3A_22 = arith.addi %mul3A_16, %add3A_21 : vector<16xi32>
      %gather3A = tpu.vector_load_idx %arg5[%add3A_22] : memref<16384xf32, #tpu.memory_space<vmem>>[vector<16xi32>], vector<16xf32>,
      %gt3A = arith.cmpf ogt, %gather3A, %broadcast_in_dim3A_17 : vector<16xf32>
      %select_n3A = arith.select %gt3A, %gather3A, %broadcast_in_dim3A_17 : vector<16xi1>, vector<16xf32>
      %broadcast_in_dim3A_23 = arith.constant 0 : i32
      %broadcast_in_dim3A_24 = vector.broadcast %broadcast_in_dim3A_23 : i32 to vector<16xi32>
      %select_n3A_25 = arith.select %gt3A, %broadcast_in_dim3A_24, %broadcast_in_dim3A_19 : vector<16xi1>, vector<16xi32>
      %add3A_26 = arith.constant 1 : i32
      %add3A_27 = vector.broadcast %add3A_26 : i32 to vector<16xi32>
      %add3A_28 = arith.addi %mul3A_16, %add3A_27 : vector<16xi32>
      %gather3A_29 = tpu.vector_load_idx %arg5[%add3A_28] : memref<16384xf32, #tpu.memory_space<vmem>>[vector<16xi32>], vector<16xf32>,
      %gt3A_30 = arith.cmpf ogt, %gather3A_29, %select_n3A : vector<16xf32>
      %select_n3A_31 = arith.select %gt3A_30, %gather3A_29, %select_n3A : vector<16xi1>, vector<16xf32>
      %broadcast_in_dim3A_32 = arith.constant 1 : i32
      %broadcast_in_dim3A_33 = vector.broadcast %broadcast_in_dim3A_32 : i32 to vector<16xi32>
      %select_n3A_34 = arith.select %gt3A_30, %broadcast_in_dim3A_33, %select_n3A_25 : vector<16xi1>, vector<16xi32>
      %add3A_35 = arith.constant 2 : i32
      %add3A_36 = vector.broadcast %add3A_35 : i32 to vector<16xi32>
      %add3A_37 = arith.addi %mul3A_16, %add3A_36 : vector<16xi32>
      %gather3A_38 = tpu.vector_load_idx %arg5[%add3A_37] : memref<16384xf32, #tpu.memory_space<vmem>>[vector<16xi32>], vector<16xf32>,
      %gt3A_39 = arith.cmpf ogt, %gather3A_38, %select_n3A_31 : vector<16xf32>
      %select_n3A_40 = arith.select %gt3A_39, %gather3A_38, %select_n3A_31 : vector<16xi1>, vector<16xf32>
      %broadcast_in_dim3A_41 = arith.constant 2 : i32
      %broadcast_in_dim3A_42 = vector.broadcast %broadcast_in_dim3A_41 : i32 to vector<16xi32>
      %select_n3A_43 = arith.select %gt3A_39, %broadcast_in_dim3A_42, %select_n3A_34 : vector<16xi1>, vector<16xi32>
      %add3A_44 = arith.constant 3 : i32
      %add3A_45 = vector.broadcast %add3A_44 : i32 to vector<16xi32>
      %add3A_46 = arith.addi %mul3A_16, %add3A_45 : vector<16xi32>
      %gather3A_47 = tpu.vector_load_idx %arg5[%add3A_46] : memref<16384xf32, #tpu.memory_space<vmem>>[vector<16xi32>], vector<16xf32>,
      %gt3A_48 = arith.cmpf ogt, %gather3A_47, %select_n3A_40 : vector<16xf32>
      %select_n3A_49 = arith.select %gt3A_48, %gather3A_47, %select_n3A_40 : vector<16xi1>, vector<16xf32>
      %broadcast_in_dim3A_50 = arith.constant 3 : i32
      %broadcast_in_dim3A_51 = vector.broadcast %broadcast_in_dim3A_50 : i32 to vector<16xi32>
      %select_n3A_52 = arith.select %gt3A_48, %broadcast_in_dim3A_51, %select_n3A_43 : vector<16xi1>, vector<16xi32>
      %add3A_53 = arith.constant 4 : i32
      %add3A_54 = vector.broadcast %add3A_53 : i32 to vector<16xi32>
      %add3A_55 = arith.addi %mul3A_16, %add3A_54 : vector<16xi32>
      %gather3A_56 = tpu.vector_load_idx %arg5[%add3A_55] : memref<16384xf32, #tpu.memory_space<vmem>>[vector<16xi32>], vector<16xf32>,
      %gt3A_57 = arith.cmpf ogt, %gather3A_56, %select_n3A_49 : vector<16xf32>
      %select_n3A_58 = arith.select %gt3A_57, %gather3A_56, %select_n3A_49 : vector<16xi1>, vector<16xf32>
      %broadcast_in_dim3A_59 = arith.constant 4 : i32
      %broadcast_in_dim3A_60 = vector.broadcast %broadcast_in_dim3A_59 : i32 to vector<16xi32>
      %select_n3A_61 = arith.select %gt3A_57, %broadcast_in_dim3A_60, %select_n3A_52 : vector<16xi1>, vector<16xi32>
      %add3A_62 = arith.constant 5 : i32
      %add3A_63 = vector.broadcast %add3A_62 : i32 to vector<16xi32>
      %add3A_64 = arith.addi %mul3A_16, %add3A_63 : vector<16xi32>
      %gather3A_65 = tpu.vector_load_idx %arg5[%add3A_64] : memref<16384xf32, #tpu.memory_space<vmem>>[vector<16xi32>], vector<16xf32>,
      %gt3A_66 = arith.cmpf ogt, %gather3A_65, %select_n3A_58 : vector<16xf32>
      %select_n3A_67 = arith.select %gt3A_66, %gather3A_65, %select_n3A_58 : vector<16xi1>, vector<16xf32>
      %broadcast_in_dim3A_68 = arith.constant 5 : i32
      %broadcast_in_dim3A_69 = vector.broadcast %broadcast_in_dim3A_68 : i32 to vector<16xi32>
      %select_n3A_70 = arith.select %gt3A_66, %broadcast_in_dim3A_69, %select_n3A_61 : vector<16xi1>, vector<16xi32>
      %add3A_71 = arith.constant 6 : i32
      %add3A_72 = vector.broadcast %add3A_71 : i32 to vector<16xi32>
      %add3A_73 = arith.addi %mul3A_16, %add3A_72 : vector<16xi32>
      %gather3A_74 = tpu.vector_load_idx %arg5[%add3A_73] : memref<16384xf32, #tpu.memory_space<vmem>>[vector<16xi32>], vector<16xf32>,
      %gt3A_75 = arith.cmpf ogt, %gather3A_74, %select_n3A_67 : vector<16xf32>
      %select_n3A_76 = arith.select %gt3A_75, %gather3A_74, %select_n3A_67 : vector<16xi1>, vector<16xf32>
      %broadcast_in_dim3A_77 = arith.constant 6 : i32
      %broadcast_in_dim3A_78 = vector.broadcast %broadcast_in_dim3A_77 : i32 to vector<16xi32>
      %select_n3A_79 = arith.select %gt3A_75, %broadcast_in_dim3A_78, %select_n3A_70 : vector<16xi1>, vector<16xi32>
      %add3A_80 = arith.constant 7 : i32
      %add3A_81 = vector.broadcast %add3A_80 : i32 to vector<16xi32>
      %add3A_82 = arith.addi %mul3A_16, %add3A_81 : vector<16xi32>
      %gather3A_83 = tpu.vector_load_idx %arg5[%add3A_82] : memref<16384xf32, #tpu.memory_space<vmem>>[vector<16xi32>], vector<16xf32>,
      %gt3A_84 = arith.cmpf ogt, %gather3A_83, %select_n3A_76 : vector<16xf32>
      %select_n3A_85 = arith.select %gt3A_84, %gather3A_83, %select_n3A_76 : vector<16xi1>, vector<16xf32>
      %broadcast_in_dim3A_86 = arith.constant 7 : i32
      %broadcast_in_dim3A_87 = vector.broadcast %broadcast_in_dim3A_86 : i32 to vector<16xi32>
      %select_n3A_88 = arith.select %gt3A_84, %broadcast_in_dim3A_87, %select_n3A_79 : vector<16xi1>, vector<16xi32>
      %add3A_89 = arith.constant 8 : i32
      %add3A_90 = vector.broadcast %add3A_89 : i32 to vector<16xi32>
      %add3A_91 = arith.addi %mul3A_16, %add3A_90 : vector<16xi32>
      %gather3A_92 = tpu.vector_load_idx %arg5[%add3A_91] : memref<16384xf32, #tpu.memory_space<vmem>>[vector<16xi32>], vector<16xf32>,
      %gt3A_93 = arith.cmpf ogt, %gather3A_92, %select_n3A_85 : vector<16xf32>
      %select_n3A_94 = arith.select %gt3A_93, %gather3A_92, %select_n3A_85 : vector<16xi1>, vector<16xf32>
      %broadcast_in_dim3A_95 = arith.constant 8 : i32
      %broadcast_in_dim3A_96 = vector.broadcast %broadcast_in_dim3A_95 : i32 to vector<16xi32>
      %select_n3A_97 = arith.select %gt3A_93, %broadcast_in_dim3A_96, %select_n3A_88 : vector<16xi1>, vector<16xi32>
      %add3A_98 = arith.constant 9 : i32
      %add3A_99 = vector.broadcast %add3A_98 : i32 to vector<16xi32>
      %add3A_100 = arith.addi %mul3A_16, %add3A_99 : vector<16xi32>
      %gather3A_101 = tpu.vector_load_idx %arg5[%add3A_100] : memref<16384xf32, #tpu.memory_space<vmem>>[vector<16xi32>], vector<16xf32>,
      %gt3A_102 = arith.cmpf ogt, %gather3A_101, %select_n3A_94 : vector<16xf32>
      %select_n3A_103 = arith.select %gt3A_102, %gather3A_101, %select_n3A_94 : vector<16xi1>, vector<16xf32>
      %broadcast_in_dim3A_104 = arith.constant 9 : i32
      %broadcast_in_dim3A_105 = vector.broadcast %broadcast_in_dim3A_104 : i32 to vector<16xi32>
      %select_n3A_106 = arith.select %gt3A_102, %broadcast_in_dim3A_105, %select_n3A_97 : vector<16xi1>, vector<16xi32>
      %add3A_107 = arith.constant 10 : i32
      %add3A_108 = vector.broadcast %add3A_107 : i32 to vector<16xi32>
      %add3A_109 = arith.addi %mul3A_16, %add3A_108 : vector<16xi32>
      %gather3A_110 = tpu.vector_load_idx %arg5[%add3A_109] : memref<16384xf32, #tpu.memory_space<vmem>>[vector<16xi32>], vector<16xf32>,
      %gt3A_111 = arith.cmpf ogt, %gather3A_110, %select_n3A_103 : vector<16xf32>
      %select_n3A_112 = arith.select %gt3A_111, %gather3A_110, %select_n3A_103 : vector<16xi1>, vector<16xf32>
      %broadcast_in_dim3A_113 = arith.constant 10 : i32
      %broadcast_in_dim3A_114 = vector.broadcast %broadcast_in_dim3A_113 : i32 to vector<16xi32>
      %select_n3A_115 = arith.select %gt3A_111, %broadcast_in_dim3A_114, %select_n3A_106 : vector<16xi1>, vector<16xi32>
      %add3A_116 = arith.constant 11 : i32
      %add3A_117 = vector.broadcast %add3A_116 : i32 to vector<16xi32>
      %add3A_118 = arith.addi %mul3A_16, %add3A_117 : vector<16xi32>
      %gather3A_119 = tpu.vector_load_idx %arg5[%add3A_118] : memref<16384xf32, #tpu.memory_space<vmem>>[vector<16xi32>], vector<16xf32>,
      %gt3A_120 = arith.cmpf ogt, %gather3A_119, %select_n3A_112 : vector<16xf32>
      %select_n3A_121 = arith.select %gt3A_120, %gather3A_119, %select_n3A_112 : vector<16xi1>, vector<16xf32>
      %broadcast_in_dim3A_122 = arith.constant 11 : i32
      %broadcast_in_dim3A_123 = vector.broadcast %broadcast_in_dim3A_122 : i32 to vector<16xi32>
      %select_n3A_124 = arith.select %gt3A_120, %broadcast_in_dim3A_123, %select_n3A_115 : vector<16xi1>, vector<16xi32>
      %add3A_125 = arith.constant 12 : i32
      %add3A_126 = vector.broadcast %add3A_125 : i32 to vector<16xi32>
      %add3A_127 = arith.addi %mul3A_16, %add3A_126 : vector<16xi32>
      %gather3A_128 = tpu.vector_load_idx %arg5[%add3A_127] : memref<16384xf32, #tpu.memory_space<vmem>>[vector<16xi32>], vector<16xf32>,
      %gt3A_129 = arith.cmpf ogt, %gather3A_128, %select_n3A_121 : vector<16xf32>
      %select_n3A_130 = arith.select %gt3A_129, %gather3A_128, %select_n3A_121 : vector<16xi1>, vector<16xf32>
      %broadcast_in_dim3A_131 = arith.constant 12 : i32
      %broadcast_in_dim3A_132 = vector.broadcast %broadcast_in_dim3A_131 : i32 to vector<16xi32>
      %select_n3A_133 = arith.select %gt3A_129, %broadcast_in_dim3A_132, %select_n3A_124 : vector<16xi1>, vector<16xi32>
      %add3A_134 = arith.constant 13 : i32
      %add3A_135 = vector.broadcast %add3A_134 : i32 to vector<16xi32>
      %add3A_136 = arith.addi %mul3A_16, %add3A_135 : vector<16xi32>
      %gather3A_137 = tpu.vector_load_idx %arg5[%add3A_136] : memref<16384xf32, #tpu.memory_space<vmem>>[vector<16xi32>], vector<16xf32>,
      %gt3A_138 = arith.cmpf ogt, %gather3A_137, %select_n3A_130 : vector<16xf32>
      %select_n3A_139 = arith.select %gt3A_138, %gather3A_137, %select_n3A_130 : vector<16xi1>, vector<16xf32>
      %broadcast_in_dim3A_140 = arith.constant 13 : i32
      %broadcast_in_dim3A_141 = vector.broadcast %broadcast_in_dim3A_140 : i32 to vector<16xi32>
      %select_n3A_142 = arith.select %gt3A_138, %broadcast_in_dim3A_141, %select_n3A_133 : vector<16xi1>, vector<16xi32>
      %add3A_143 = arith.constant 14 : i32
      %add3A_144 = vector.broadcast %add3A_143 : i32 to vector<16xi32>
      %add3A_145 = arith.addi %mul3A_16, %add3A_144 : vector<16xi32>
      %gather3A_146 = tpu.vector_load_idx %arg5[%add3A_145] : memref<16384xf32, #tpu.memory_space<vmem>>[vector<16xi32>], vector<16xf32>,
      %gt3A_147 = arith.cmpf ogt, %gather3A_146, %select_n3A_139 : vector<16xf32>
      %select_n3A_148 = arith.select %gt3A_147, %gather3A_146, %select_n3A_139 : vector<16xi1>, vector<16xf32>
      %broadcast_in_dim3A_149 = arith.constant 14 : i32
      %broadcast_in_dim3A_150 = vector.broadcast %broadcast_in_dim3A_149 : i32 to vector<16xi32>
      %select_n3A_151 = arith.select %gt3A_147, %broadcast_in_dim3A_150, %select_n3A_142 : vector<16xi1>, vector<16xi32>
      %add3A_152 = arith.constant 15 : i32
      %add3A_153 = vector.broadcast %add3A_152 : i32 to vector<16xi32>
      %add3A_154 = arith.addi %mul3A_16, %add3A_153 : vector<16xi32>
      %gather3A_155 = tpu.vector_load_idx %arg5[%add3A_154] : memref<16384xf32, #tpu.memory_space<vmem>>[vector<16xi32>], vector<16xf32>,
      %gt3A_156 = arith.cmpf ogt, %gather3A_155, %select_n3A_148 : vector<16xf32>
      %select_n3A_157 = arith.select %gt3A_156, %gather3A_155, %select_n3A_148 : vector<16xi1>, vector<16xf32>
      %broadcast_in_dim3A_158 = arith.constant 15 : i32
      %broadcast_in_dim3A_159 = vector.broadcast %broadcast_in_dim3A_158 : i32 to vector<16xi32>
      %select_n3A_160 = arith.select %gt3A_156, %broadcast_in_dim3A_159, %select_n3A_151 : vector<16xi1>, vector<16xi32>
      %add3A_161 = arith.constant 16 : i32
      %add3A_162 = vector.broadcast %add3A_161 : i32 to vector<16xi32>
      %add3A_163 = arith.addi %mul3A_16, %add3A_162 : vector<16xi32>
      %gather3A_164 = tpu.vector_load_idx %arg5[%add3A_163] : memref<16384xf32, #tpu.memory_space<vmem>>[vector<16xi32>], vector<16xf32>,
      %gt3A_165 = arith.cmpf ogt, %gather3A_164, %select_n3A_157 : vector<16xf32>
      %select_n3A_166 = arith.select %gt3A_165, %gather3A_164, %select_n3A_157 : vector<16xi1>, vector<16xf32>
      %broadcast_in_dim3A_167 = arith.constant 16 : i32
      %broadcast_in_dim3A_168 = vector.broadcast %broadcast_in_dim3A_167 : i32 to vector<16xi32>
      %select_n3A_169 = arith.select %gt3A_165, %broadcast_in_dim3A_168, %select_n3A_160 : vector<16xi1>, vector<16xi32>
      %add3A_170 = arith.constant 17 : i32
      %add3A_171 = vector.broadcast %add3A_170 : i32 to vector<16xi32>
      %add3A_172 = arith.addi %mul3A_16, %add3A_171 : vector<16xi32>
      %gather3A_173 = tpu.vector_load_idx %arg5[%add3A_172] : memref<16384xf32, #tpu.memory_space<vmem>>[vector<16xi32>], vector<16xf32>,
      %gt3A_174 = arith.cmpf ogt, %gather3A_173, %select_n3A_166 : vector<16xf32>
      %select_n3A_175 = arith.select %gt3A_174, %gather3A_173, %select_n3A_166 : vector<16xi1>, vector<16xf32>
      %broadcast_in_dim3A_176 = arith.constant 17 : i32
      %broadcast_in_dim3A_177 = vector.broadcast %broadcast_in_dim3A_176 : i32 to vector<16xi32>
      %select_n3A_178 = arith.select %gt3A_174, %broadcast_in_dim3A_177, %select_n3A_169 : vector<16xi1>, vector<16xi32>
      %add3A_179 = arith.constant 18 : i32
      %add3A_180 = vector.broadcast %add3A_179 : i32 to vector<16xi32>
      %add3A_181 = arith.addi %mul3A_16, %add3A_180 : vector<16xi32>
      %gather3A_182 = tpu.vector_load_idx %arg5[%add3A_181] : memref<16384xf32, #tpu.memory_space<vmem>>[vector<16xi32>], vector<16xf32>,
      %gt3A_183 = arith.cmpf ogt, %gather3A_182, %select_n3A_175 : vector<16xf32>
      %select_n3A_184 = arith.select %gt3A_183, %gather3A_182, %select_n3A_175 : vector<16xi1>, vector<16xf32>
      %broadcast_in_dim3A_185 = arith.constant 18 : i32
      %broadcast_in_dim3A_186 = vector.broadcast %broadcast_in_dim3A_185 : i32 to vector<16xi32>
      %select_n3A_187 = arith.select %gt3A_183, %broadcast_in_dim3A_186, %select_n3A_178 : vector<16xi1>, vector<16xi32>
      %add3A_188 = arith.constant 19 : i32
      %add3A_189 = vector.broadcast %add3A_188 : i32 to vector<16xi32>
      %add3A_190 = arith.addi %mul3A_16, %add3A_189 : vector<16xi32>
      %gather3A_191 = tpu.vector_load_idx %arg5[%add3A_190] : memref<16384xf32, #tpu.memory_space<vmem>>[vector<16xi32>], vector<16xf32>,
      %gt3A_192 = arith.cmpf ogt, %gather3A_191, %select_n3A_184 : vector<16xf32>
      %select_n3A_193 = arith.select %gt3A_192, %gather3A_191, %select_n3A_184 : vector<16xi1>, vector<16xf32>
      %broadcast_in_dim3A_194 = arith.constant 19 : i32
      %broadcast_in_dim3A_195 = vector.broadcast %broadcast_in_dim3A_194 : i32 to vector<16xi32>
      %select_n3A_196 = arith.select %gt3A_192, %broadcast_in_dim3A_195, %select_n3A_187 : vector<16xi1>, vector<16xi32>
      %add3A_197 = arith.constant 20 : i32
      %add3A_198 = vector.broadcast %add3A_197 : i32 to vector<16xi32>
      %add3A_199 = arith.addi %mul3A_16, %add3A_198 : vector<16xi32>
      %gather3A_200 = tpu.vector_load_idx %arg5[%add3A_199] : memref<16384xf32, #tpu.memory_space<vmem>>[vector<16xi32>], vector<16xf32>,
      %gt3A_201 = arith.cmpf ogt, %gather3A_200, %select_n3A_193 : vector<16xf32>
      %select_n3A_202 = arith.select %gt3A_201, %gather3A_200, %select_n3A_193 : vector<16xi1>, vector<16xf32>
      %broadcast_in_dim3A_203 = arith.constant 20 : i32
      %broadcast_in_dim3A_204 = vector.broadcast %broadcast_in_dim3A_203 : i32 to vector<16xi32>
      %select_n3A_205 = arith.select %gt3A_201, %broadcast_in_dim3A_204, %select_n3A_196 : vector<16xi1>, vector<16xi32>
      %add3A_206 = arith.constant 21 : i32
      %add3A_207 = vector.broadcast %add3A_206 : i32 to vector<16xi32>
      %add3A_208 = arith.addi %mul3A_16, %add3A_207 : vector<16xi32>
      %gather3A_209 = tpu.vector_load_idx %arg5[%add3A_208] : memref<16384xf32, #tpu.memory_space<vmem>>[vector<16xi32>], vector<16xf32>,
      %gt3A_210 = arith.cmpf ogt, %gather3A_209, %select_n3A_202 : vector<16xf32>
      %select_n3A_211 = arith.select %gt3A_210, %gather3A_209, %select_n3A_202 : vector<16xi1>, vector<16xf32>
      %broadcast_in_dim3A_212 = arith.constant 21 : i32
      %broadcast_in_dim3A_213 = vector.broadcast %broadcast_in_dim3A_212 : i32 to vector<16xi32>
      %select_n3A_214 = arith.select %gt3A_210, %broadcast_in_dim3A_213, %select_n3A_205 : vector<16xi1>, vector<16xi32>
      %add3A_215 = arith.constant 22 : i32
      %add3A_216 = vector.broadcast %add3A_215 : i32 to vector<16xi32>
      %add3A_217 = arith.addi %mul3A_16, %add3A_216 : vector<16xi32>
      %gather3A_218 = tpu.vector_load_idx %arg5[%add3A_217] : memref<16384xf32, #tpu.memory_space<vmem>>[vector<16xi32>], vector<16xf32>,
      %gt3A_219 = arith.cmpf ogt, %gather3A_218, %select_n3A_211 : vector<16xf32>
      %select_n3A_220 = arith.select %gt3A_219, %gather3A_218, %select_n3A_211 : vector<16xi1>, vector<16xf32>
      %broadcast_in_dim3A_221 = arith.constant 22 : i32
      %broadcast_in_dim3A_222 = vector.broadcast %broadcast_in_dim3A_221 : i32 to vector<16xi32>
      %select_n3A_223 = arith.select %gt3A_219, %broadcast_in_dim3A_222, %select_n3A_214 : vector<16xi1>, vector<16xi32>
      %add3A_224 = arith.constant 23 : i32
      %add3A_225 = vector.broadcast %add3A_224 : i32 to vector<16xi32>
      %add3A_226 = arith.addi %mul3A_16, %add3A_225 : vector<16xi32>
      %gather3A_227 = tpu.vector_load_idx %arg5[%add3A_226] : memref<16384xf32, #tpu.memory_space<vmem>>[vector<16xi32>], vector<16xf32>,
      %gt3A_228 = arith.cmpf ogt, %gather3A_227, %select_n3A_220 : vector<16xf32>
      %select_n3A_229 = arith.select %gt3A_228, %gather3A_227, %select_n3A_220 : vector<16xi1>, vector<16xf32>
      %broadcast_in_dim3A_230 = arith.constant 23 : i32
      %broadcast_in_dim3A_231 = vector.broadcast %broadcast_in_dim3A_230 : i32 to vector<16xi32>
      %select_n3A_232 = arith.select %gt3A_228, %broadcast_in_dim3A_231, %select_n3A_223 : vector<16xi1>, vector<16xi32>
      %add3A_233 = arith.constant 24 : i32
      %add3A_234 = vector.broadcast %add3A_233 : i32 to vector<16xi32>
      %add3A_235 = arith.addi %mul3A_16, %add3A_234 : vector<16xi32>
      %gather3A_236 = tpu.vector_load_idx %arg5[%add3A_235] : memref<16384xf32, #tpu.memory_space<vmem>>[vector<16xi32>], vector<16xf32>,
      %gt3A_237 = arith.cmpf ogt, %gather3A_236, %select_n3A_229 : vector<16xf32>
      %select_n3A_238 = arith.select %gt3A_237, %gather3A_236, %select_n3A_229 : vector<16xi1>, vector<16xf32>
      %broadcast_in_dim3A_239 = arith.constant 24 : i32
      %broadcast_in_dim3A_240 = vector.broadcast %broadcast_in_dim3A_239 : i32 to vector<16xi32>
      %select_n3A_241 = arith.select %gt3A_237, %broadcast_in_dim3A_240, %select_n3A_232 : vector<16xi1>, vector<16xi32>
      %add3A_242 = arith.constant 25 : i32
      %add3A_243 = vector.broadcast %add3A_242 : i32 to vector<16xi32>
      %add3A_244 = arith.addi %mul3A_16, %add3A_243 : vector<16xi32>
      %gather3A_245 = tpu.vector_load_idx %arg5[%add3A_244] : memref<16384xf32, #tpu.memory_space<vmem>>[vector<16xi32>], vector<16xf32>,
      %gt3A_246 = arith.cmpf ogt, %gather3A_245, %select_n3A_238 : vector<16xf32>
      %select_n3A_247 = arith.select %gt3A_246, %gather3A_245, %select_n3A_238 : vector<16xi1>, vector<16xf32>
      %broadcast_in_dim3A_248 = arith.constant 25 : i32
      %broadcast_in_dim3A_249 = vector.broadcast %broadcast_in_dim3A_248 : i32 to vector<16xi32>
      %select_n3A_250 = arith.select %gt3A_246, %broadcast_in_dim3A_249, %select_n3A_241 : vector<16xi1>, vector<16xi32>
      %add3A_251 = arith.constant 26 : i32
      %add3A_252 = vector.broadcast %add3A_251 : i32 to vector<16xi32>
      %add3A_253 = arith.addi %mul3A_16, %add3A_252 : vector<16xi32>
      %gather3A_254 = tpu.vector_load_idx %arg5[%add3A_253] : memref<16384xf32, #tpu.memory_space<vmem>>[vector<16xi32>], vector<16xf32>,
      %gt3A_255 = arith.cmpf ogt, %gather3A_254, %select_n3A_247 : vector<16xf32>
      %select_n3A_256 = arith.select %gt3A_255, %gather3A_254, %select_n3A_247 : vector<16xi1>, vector<16xf32>
      %broadcast_in_dim3A_257 = arith.constant 26 : i32
      %broadcast_in_dim3A_258 = vector.broadcast %broadcast_in_dim3A_257 : i32 to vector<16xi32>
      %select_n3A_259 = arith.select %gt3A_255, %broadcast_in_dim3A_258, %select_n3A_250 : vector<16xi1>, vector<16xi32>
      %add3A_260 = arith.constant 27 : i32
      %add3A_261 = vector.broadcast %add3A_260 : i32 to vector<16xi32>
      %add3A_262 = arith.addi %mul3A_16, %add3A_261 : vector<16xi32>
      %gather3A_263 = tpu.vector_load_idx %arg5[%add3A_262] : memref<16384xf32, #tpu.memory_space<vmem>>[vector<16xi32>], vector<16xf32>,
      %gt3A_264 = arith.cmpf ogt, %gather3A_263, %select_n3A_256 : vector<16xf32>
      %select_n3A_265 = arith.select %gt3A_264, %gather3A_263, %select_n3A_256 : vector<16xi1>, vector<16xf32>
      %broadcast_in_dim3A_266 = arith.constant 27 : i32
      %broadcast_in_dim3A_267 = vector.broadcast %broadcast_in_dim3A_266 : i32 to vector<16xi32>
      %select_n3A_268 = arith.select %gt3A_264, %broadcast_in_dim3A_267, %select_n3A_259 : vector<16xi1>, vector<16xi32>
      %add3A_269 = arith.constant 28 : i32
      %add3A_270 = vector.broadcast %add3A_269 : i32 to vector<16xi32>
      %add3A_271 = arith.addi %mul3A_16, %add3A_270 : vector<16xi32>
      %gather3A_272 = tpu.vector_load_idx %arg5[%add3A_271] : memref<16384xf32, #tpu.memory_space<vmem>>[vector<16xi32>], vector<16xf32>,
      %gt3A_273 = arith.cmpf ogt, %gather3A_272, %select_n3A_265 : vector<16xf32>
      %select_n3A_274 = arith.select %gt3A_273, %gather3A_272, %select_n3A_265 : vector<16xi1>, vector<16xf32>
      %broadcast_in_dim3A_275 = arith.constant 28 : i32
      %broadcast_in_dim3A_276 = vector.broadcast %broadcast_in_dim3A_275 : i32 to vector<16xi32>
      %select_n3A_277 = arith.select %gt3A_273, %broadcast_in_dim3A_276, %select_n3A_268 : vector<16xi1>, vector<16xi32>
      %add3A_278 = arith.constant 29 : i32
      %add3A_279 = vector.broadcast %add3A_278 : i32 to vector<16xi32>
      %add3A_280 = arith.addi %mul3A_16, %add3A_279 : vector<16xi32>
      %gather3A_281 = tpu.vector_load_idx %arg5[%add3A_280] : memref<16384xf32, #tpu.memory_space<vmem>>[vector<16xi32>], vector<16xf32>,
      %gt3A_282 = arith.cmpf ogt, %gather3A_281, %select_n3A_274 : vector<16xf32>
      %select_n3A_283 = arith.select %gt3A_282, %gather3A_281, %select_n3A_274 : vector<16xi1>, vector<16xf32>
      %broadcast_in_dim3A_284 = arith.constant 29 : i32
      %broadcast_in_dim3A_285 = vector.broadcast %broadcast_in_dim3A_284 : i32 to vector<16xi32>
      %select_n3A_286 = arith.select %gt3A_282, %broadcast_in_dim3A_285, %select_n3A_277 : vector<16xi1>, vector<16xi32>
      %add3A_287 = arith.constant 30 : i32
      %add3A_288 = vector.broadcast %add3A_287 : i32 to vector<16xi32>
      %add3A_289 = arith.addi %mul3A_16, %add3A_288 : vector<16xi32>
      %gather3A_290 = tpu.vector_load_idx %arg5[%add3A_289] : memref<16384xf32, #tpu.memory_space<vmem>>[vector<16xi32>], vector<16xf32>,
      %gt3A_291 = arith.cmpf ogt, %gather3A_290, %select_n3A_283 : vector<16xf32>
      %select_n3A_292 = arith.select %gt3A_291, %gather3A_290, %select_n3A_283 : vector<16xi1>, vector<16xf32>
      %broadcast_in_dim3A_293 = arith.constant 30 : i32
      %broadcast_in_dim3A_294 = vector.broadcast %broadcast_in_dim3A_293 : i32 to vector<16xi32>
      %select_n3A_295 = arith.select %gt3A_291, %broadcast_in_dim3A_294, %select_n3A_286 : vector<16xi1>, vector<16xi32>
      %add3A_296 = arith.constant 31 : i32
      %add3A_297 = vector.broadcast %add3A_296 : i32 to vector<16xi32>
      %add3A_298 = arith.addi %mul3A_16, %add3A_297 : vector<16xi32>
      %gather3A_299 = tpu.vector_load_idx %arg5[%add3A_298] : memref<16384xf32, #tpu.memory_space<vmem>>[vector<16xi32>], vector<16xf32>,
      %gt3A_300 = arith.cmpf ogt, %gather3A_299, %select_n3A_292 : vector<16xf32>
      %select_n3A_301 = arith.select %gt3A_300, %gather3A_299, %select_n3A_292 : vector<16xi1>, vector<16xf32>
      %broadcast_in_dim3A_302 = arith.constant 31 : i32
      %broadcast_in_dim3A_303 = vector.broadcast %broadcast_in_dim3A_302 : i32 to vector<16xi32>
      %select_n3A_304 = arith.select %gt3A_300, %broadcast_in_dim3A_303, %select_n3A_295 : vector<16xi1>, vector<16xi32>
      %add3A_305 = arith.constant 32 : i32
      %add3A_306 = vector.broadcast %add3A_305 : i32 to vector<16xi32>
      %add3A_307 = arith.addi %mul3A_16, %add3A_306 : vector<16xi32>
      %gather3A_308 = tpu.vector_load_idx %arg5[%add3A_307] : memref<16384xf32, #tpu.memory_space<vmem>>[vector<16xi32>], vector<16xf32>,
      %gt3A_309 = arith.cmpf ogt, %gather3A_308, %select_n3A_301 : vector<16xf32>
      %select_n3A_310 = arith.select %gt3A_309, %gather3A_308, %select_n3A_301 : vector<16xi1>, vector<16xf32>
      %broadcast_in_dim3A_311 = arith.constant 32 : i32
      %broadcast_in_dim3A_312 = vector.broadcast %broadcast_in_dim3A_311 : i32 to vector<16xi32>
      %select_n3A_313 = arith.select %gt3A_309, %broadcast_in_dim3A_312, %select_n3A_304 : vector<16xi1>, vector<16xi32>
      %add3A_314 = arith.constant 33 : i32
      %add3A_315 = vector.broadcast %add3A_314 : i32 to vector<16xi32>
      %add3A_316 = arith.addi %mul3A_16, %add3A_315 : vector<16xi32>
      %gather3A_317 = tpu.vector_load_idx %arg5[%add3A_316] : memref<16384xf32, #tpu.memory_space<vmem>>[vector<16xi32>], vector<16xf32>,
      %gt3A_318 = arith.cmpf ogt, %gather3A_317, %select_n3A_310 : vector<16xf32>
      %select_n3A_319 = arith.select %gt3A_318, %gather3A_317, %select_n3A_310 : vector<16xi1>, vector<16xf32>
      %broadcast_in_dim3A_320 = arith.constant 33 : i32
      %broadcast_in_dim3A_321 = vector.broadcast %broadcast_in_dim3A_320 : i32 to vector<16xi32>
      %select_n3A_322 = arith.select %gt3A_318, %broadcast_in_dim3A_321, %select_n3A_313 : vector<16xi1>, vector<16xi32>
      %add3A_323 = arith.constant 34 : i32
      %add3A_324 = vector.broadcast %add3A_323 : i32 to vector<16xi32>
      %add3A_325 = arith.addi %mul3A_16, %add3A_324 : vector<16xi32>
      %gather3A_326 = tpu.vector_load_idx %arg5[%add3A_325] : memref<16384xf32, #tpu.memory_space<vmem>>[vector<16xi32>], vector<16xf32>,
      %gt3A_327 = arith.cmpf ogt, %gather3A_326, %select_n3A_319 : vector<16xf32>
      %select_n3A_328 = arith.select %gt3A_327, %gather3A_326, %select_n3A_319 : vector<16xi1>, vector<16xf32>
      %broadcast_in_dim3A_329 = arith.constant 34 : i32
      %broadcast_in_dim3A_330 = vector.broadcast %broadcast_in_dim3A_329 : i32 to vector<16xi32>
      %select_n3A_331 = arith.select %gt3A_327, %broadcast_in_dim3A_330, %select_n3A_322 : vector<16xi1>, vector<16xi32>
      %add3A_332 = arith.constant 35 : i32
      %add3A_333 = vector.broadcast %add3A_332 : i32 to vector<16xi32>
      %add3A_334 = arith.addi %mul3A_16, %add3A_333 : vector<16xi32>
      %gather3A_335 = tpu.vector_load_idx %arg5[%add3A_334] : memref<16384xf32, #tpu.memory_space<vmem>>[vector<16xi32>], vector<16xf32>,
      %gt3A_336 = arith.cmpf ogt, %gather3A_335, %select_n3A_328 : vector<16xf32>
      %select_n3A_337 = arith.select %gt3A_336, %gather3A_335, %select_n3A_328 : vector<16xi1>, vector<16xf32>
      %broadcast_in_dim3A_338 = arith.constant 35 : i32
      %broadcast_in_dim3A_339 = vector.broadcast %broadcast_in_dim3A_338 : i32 to vector<16xi32>
      %select_n3A_340 = arith.select %gt3A_336, %broadcast_in_dim3A_339, %select_n3A_331 : vector<16xi1>, vector<16xi32>
      %add3A_341 = arith.constant 36 : i32
      %add3A_342 = vector.broadcast %add3A_341 : i32 to vector<16xi32>
      %add3A_343 = arith.addi %mul3A_16, %add3A_342 : vector<16xi32>
      %gather3A_344 = tpu.vector_load_idx %arg5[%add3A_343] : memref<16384xf32, #tpu.memory_space<vmem>>[vector<16xi32>], vector<16xf32>,
      %gt3A_345 = arith.cmpf ogt, %gather3A_344, %select_n3A_337 : vector<16xf32>
      %select_n3A_346 = arith.select %gt3A_345, %gather3A_344, %select_n3A_337 : vector<16xi1>, vector<16xf32>
      %broadcast_in_dim3A_347 = arith.constant 36 : i32
      %broadcast_in_dim3A_348 = vector.broadcast %broadcast_in_dim3A_347 : i32 to vector<16xi32>
      %select_n3A_349 = arith.select %gt3A_345, %broadcast_in_dim3A_348, %select_n3A_340 : vector<16xi1>, vector<16xi32>
      %add3A_350 = arith.constant 37 : i32
      %add3A_351 = vector.broadcast %add3A_350 : i32 to vector<16xi32>
      %add3A_352 = arith.addi %mul3A_16, %add3A_351 : vector<16xi32>
      %gather3A_353 = tpu.vector_load_idx %arg5[%add3A_352] : memref<16384xf32, #tpu.memory_space<vmem>>[vector<16xi32>], vector<16xf32>,
      %gt3A_354 = arith.cmpf ogt, %gather3A_353, %select_n3A_346 : vector<16xf32>
      %select_n3A_355 = arith.select %gt3A_354, %gather3A_353, %select_n3A_346 : vector<16xi1>, vector<16xf32>
      %broadcast_in_dim3A_356 = arith.constant 37 : i32
      %broadcast_in_dim3A_357 = vector.broadcast %broadcast_in_dim3A_356 : i32 to vector<16xi32>
      %select_n3A_358 = arith.select %gt3A_354, %broadcast_in_dim3A_357, %select_n3A_349 : vector<16xi1>, vector<16xi32>
      %add3A_359 = arith.constant 38 : i32
      %add3A_360 = vector.broadcast %add3A_359 : i32 to vector<16xi32>
      %add3A_361 = arith.addi %mul3A_16, %add3A_360 : vector<16xi32>
      %gather3A_362 = tpu.vector_load_idx %arg5[%add3A_361] : memref<16384xf32, #tpu.memory_space<vmem>>[vector<16xi32>], vector<16xf32>,
      %gt3A_363 = arith.cmpf ogt, %gather3A_362, %select_n3A_355 : vector<16xf32>
      %select_n3A_364 = arith.select %gt3A_363, %gather3A_362, %select_n3A_355 : vector<16xi1>, vector<16xf32>
      %broadcast_in_dim3A_365 = arith.constant 38 : i32
      %broadcast_in_dim3A_366 = vector.broadcast %broadcast_in_dim3A_365 : i32 to vector<16xi32>
      %select_n3A_367 = arith.select %gt3A_363, %broadcast_in_dim3A_366, %select_n3A_358 : vector<16xi1>, vector<16xi32>
      %add3A_368 = arith.constant 39 : i32
      %add3A_369 = vector.broadcast %add3A_368 : i32 to vector<16xi32>
      %add3A_370 = arith.addi %mul3A_16, %add3A_369 : vector<16xi32>
      %gather3A_371 = tpu.vector_load_idx %arg5[%add3A_370] : memref<16384xf32, #tpu.memory_space<vmem>>[vector<16xi32>], vector<16xf32>,
      %gt3A_372 = arith.cmpf ogt, %gather3A_371, %select_n3A_364 : vector<16xf32>
      %select_n3A_373 = arith.select %gt3A_372, %gather3A_371, %select_n3A_364 : vector<16xi1>, vector<16xf32>
      %broadcast_in_dim3A_374 = arith.constant 39 : i32
      %broadcast_in_dim3A_375 = vector.broadcast %broadcast_in_dim3A_374 : i32 to vector<16xi32>
      %select_n3A_376 = arith.select %gt3A_372, %broadcast_in_dim3A_375, %select_n3A_367 : vector<16xi1>, vector<16xi32>
      %add3A_377 = arith.constant 40 : i32
      %add3A_378 = vector.broadcast %add3A_377 : i32 to vector<16xi32>
      %add3A_379 = arith.addi %mul3A_16, %add3A_378 : vector<16xi32>
      %gather3A_380 = tpu.vector_load_idx %arg5[%add3A_379] : memref<16384xf32, #tpu.memory_space<vmem>>[vector<16xi32>], vector<16xf32>,
      %gt3A_381 = arith.cmpf ogt, %gather3A_380, %select_n3A_373 : vector<16xf32>
      %select_n3A_382 = arith.select %gt3A_381, %gather3A_380, %select_n3A_373 : vector<16xi1>, vector<16xf32>
      %broadcast_in_dim3A_383 = arith.constant 40 : i32
      %broadcast_in_dim3A_384 = vector.broadcast %broadcast_in_dim3A_383 : i32 to vector<16xi32>
      %select_n3A_385 = arith.select %gt3A_381, %broadcast_in_dim3A_384, %select_n3A_376 : vector<16xi1>, vector<16xi32>
      %add3A_386 = arith.constant 41 : i32
      %add3A_387 = vector.broadcast %add3A_386 : i32 to vector<16xi32>
      %add3A_388 = arith.addi %mul3A_16, %add3A_387 : vector<16xi32>
      %gather3A_389 = tpu.vector_load_idx %arg5[%add3A_388] : memref<16384xf32, #tpu.memory_space<vmem>>[vector<16xi32>], vector<16xf32>,
      %gt3A_390 = arith.cmpf ogt, %gather3A_389, %select_n3A_382 : vector<16xf32>
      %select_n3A_391 = arith.select %gt3A_390, %gather3A_389, %select_n3A_382 : vector<16xi1>, vector<16xf32>
      %broadcast_in_dim3A_392 = arith.constant 41 : i32
      %broadcast_in_dim3A_393 = vector.broadcast %broadcast_in_dim3A_392 : i32 to vector<16xi32>
      %select_n3A_394 = arith.select %gt3A_390, %broadcast_in_dim3A_393, %select_n3A_385 : vector<16xi1>, vector<16xi32>
      %add3A_395 = arith.constant 42 : i32
      %add3A_396 = vector.broadcast %add3A_395 : i32 to vector<16xi32>
      %add3A_397 = arith.addi %mul3A_16, %add3A_396 : vector<16xi32>
      %gather3A_398 = tpu.vector_load_idx %arg5[%add3A_397] : memref<16384xf32, #tpu.memory_space<vmem>>[vector<16xi32>], vector<16xf32>,
      %gt3A_399 = arith.cmpf ogt, %gather3A_398, %select_n3A_391 : vector<16xf32>
      %select_n3A_400 = arith.select %gt3A_399, %gather3A_398, %select_n3A_391 : vector<16xi1>, vector<16xf32>
      %broadcast_in_dim3A_401 = arith.constant 42 : i32
      %broadcast_in_dim3A_402 = vector.broadcast %broadcast_in_dim3A_401 : i32 to vector<16xi32>
      %select_n3A_403 = arith.select %gt3A_399, %broadcast_in_dim3A_402, %select_n3A_394 : vector<16xi1>, vector<16xi32>
      %add3A_404 = arith.constant 43 : i32
      %add3A_405 = vector.broadcast %add3A_404 : i32 to vector<16xi32>
      %add3A_406 = arith.addi %mul3A_16, %add3A_405 : vector<16xi32>
      %gather3A_407 = tpu.vector_load_idx %arg5[%add3A_406] : memref<16384xf32, #tpu.memory_space<vmem>>[vector<16xi32>], vector<16xf32>,
      %gt3A_408 = arith.cmpf ogt, %gather3A_407, %select_n3A_400 : vector<16xf32>
      %select_n3A_409 = arith.select %gt3A_408, %gather3A_407, %select_n3A_400 : vector<16xi1>, vector<16xf32>
      %broadcast_in_dim3A_410 = arith.constant 43 : i32
      %broadcast_in_dim3A_411 = vector.broadcast %broadcast_in_dim3A_410 : i32 to vector<16xi32>
      %select_n3A_412 = arith.select %gt3A_408, %broadcast_in_dim3A_411, %select_n3A_403 : vector<16xi1>, vector<16xi32>
      %add3A_413 = arith.constant 44 : i32
      %add3A_414 = vector.broadcast %add3A_413 : i32 to vector<16xi32>
      %add3A_415 = arith.addi %mul3A_16, %add3A_414 : vector<16xi32>
      %gather3A_416 = tpu.vector_load_idx %arg5[%add3A_415] : memref<16384xf32, #tpu.memory_space<vmem>>[vector<16xi32>], vector<16xf32>,
      %gt3A_417 = arith.cmpf ogt, %gather3A_416, %select_n3A_409 : vector<16xf32>
      %select_n3A_418 = arith.select %gt3A_417, %gather3A_416, %select_n3A_409 : vector<16xi1>, vector<16xf32>
      %broadcast_in_dim3A_419 = arith.constant 44 : i32
      %broadcast_in_dim3A_420 = vector.broadcast %broadcast_in_dim3A_419 : i32 to vector<16xi32>
      %select_n3A_421 = arith.select %gt3A_417, %broadcast_in_dim3A_420, %select_n3A_412 : vector<16xi1>, vector<16xi32>
      %add3A_422 = arith.constant 45 : i32
      %add3A_423 = vector.broadcast %add3A_422 : i32 to vector<16xi32>
      %add3A_424 = arith.addi %mul3A_16, %add3A_423 : vector<16xi32>
      %gather3A_425 = tpu.vector_load_idx %arg5[%add3A_424] : memref<16384xf32, #tpu.memory_space<vmem>>[vector<16xi32>], vector<16xf32>,
      %gt3A_426 = arith.cmpf ogt, %gather3A_425, %select_n3A_418 : vector<16xf32>
      %select_n3A_427 = arith.select %gt3A_426, %gather3A_425, %select_n3A_418 : vector<16xi1>, vector<16xf32>
      %broadcast_in_dim3A_428 = arith.constant 45 : i32
      %broadcast_in_dim3A_429 = vector.broadcast %broadcast_in_dim3A_428 : i32 to vector<16xi32>
      %select_n3A_430 = arith.select %gt3A_426, %broadcast_in_dim3A_429, %select_n3A_421 : vector<16xi1>, vector<16xi32>
      %add3A_431 = arith.constant 46 : i32
      %add3A_432 = vector.broadcast %add3A_431 : i32 to vector<16xi32>
      %add3A_433 = arith.addi %mul3A_16, %add3A_432 : vector<16xi32>
      %gather3A_434 = tpu.vector_load_idx %arg5[%add3A_433] : memref<16384xf32, #tpu.memory_space<vmem>>[vector<16xi32>], vector<16xf32>,
      %gt3A_435 = arith.cmpf ogt, %gather3A_434, %select_n3A_427 : vector<16xf32>
      %select_n3A_436 = arith.select %gt3A_435, %gather3A_434, %select_n3A_427 : vector<16xi1>, vector<16xf32>
      %broadcast_in_dim3A_437 = arith.constant 46 : i32
      %broadcast_in_dim3A_438 = vector.broadcast %broadcast_in_dim3A_437 : i32 to vector<16xi32>
      %select_n3A_439 = arith.select %gt3A_435, %broadcast_in_dim3A_438, %select_n3A_430 : vector<16xi1>, vector<16xi32>
      %add3A_440 = arith.constant 47 : i32
      %add3A_441 = vector.broadcast %add3A_440 : i32 to vector<16xi32>
      %add3A_442 = arith.addi %mul3A_16, %add3A_441 : vector<16xi32>
      %gather3A_443 = tpu.vector_load_idx %arg5[%add3A_442] : memref<16384xf32, #tpu.memory_space<vmem>>[vector<16xi32>], vector<16xf32>,
      %gt3A_444 = arith.cmpf ogt, %gather3A_443, %select_n3A_436 : vector<16xf32>
      %select_n3A_445 = arith.select %gt3A_444, %gather3A_443, %select_n3A_436 : vector<16xi1>, vector<16xf32>
      %broadcast_in_dim3A_446 = arith.constant 47 : i32
      %broadcast_in_dim3A_447 = vector.broadcast %broadcast_in_dim3A_446 : i32 to vector<16xi32>
      %select_n3A_448 = arith.select %gt3A_444, %broadcast_in_dim3A_447, %select_n3A_439 : vector<16xi1>, vector<16xi32>
      %add3A_449 = arith.constant 48 : i32
      %add3A_450 = vector.broadcast %add3A_449 : i32 to vector<16xi32>
      %add3A_451 = arith.addi %mul3A_16, %add3A_450 : vector<16xi32>
      %gather3A_452 = tpu.vector_load_idx %arg5[%add3A_451] : memref<16384xf32, #tpu.memory_space<vmem>>[vector<16xi32>], vector<16xf32>,
      %gt3A_453 = arith.cmpf ogt, %gather3A_452, %select_n3A_445 : vector<16xf32>
      %select_n3A_454 = arith.select %gt3A_453, %gather3A_452, %select_n3A_445 : vector<16xi1>, vector<16xf32>
      %broadcast_in_dim3A_455 = arith.constant 48 : i32
      %broadcast_in_dim3A_456 = vector.broadcast %broadcast_in_dim3A_455 : i32 to vector<16xi32>
      %select_n3A_457 = arith.select %gt3A_453, %broadcast_in_dim3A_456, %select_n3A_448 : vector<16xi1>, vector<16xi32>
      %add3A_458 = arith.constant 49 : i32
      %add3A_459 = vector.broadcast %add3A_458 : i32 to vector<16xi32>
      %add3A_460 = arith.addi %mul3A_16, %add3A_459 : vector<16xi32>
      %gather3A_461 = tpu.vector_load_idx %arg5[%add3A_460] : memref<16384xf32, #tpu.memory_space<vmem>>[vector<16xi32>], vector<16xf32>,
      %gt3A_462 = arith.cmpf ogt, %gather3A_461, %select_n3A_454 : vector<16xf32>
      %select_n3A_463 = arith.select %gt3A_462, %gather3A_461, %select_n3A_454 : vector<16xi1>, vector<16xf32>
      %broadcast_in_dim3A_464 = arith.constant 49 : i32
      %broadcast_in_dim3A_465 = vector.broadcast %broadcast_in_dim3A_464 : i32 to vector<16xi32>
      %select_n3A_466 = arith.select %gt3A_462, %broadcast_in_dim3A_465, %select_n3A_457 : vector<16xi1>, vector<16xi32>
      %add3A_467 = arith.constant 50 : i32
      %add3A_468 = vector.broadcast %add3A_467 : i32 to vector<16xi32>
      %add3A_469 = arith.addi %mul3A_16, %add3A_468 : vector<16xi32>
      %gather3A_470 = tpu.vector_load_idx %arg5[%add3A_469] : memref<16384xf32, #tpu.memory_space<vmem>>[vector<16xi32>], vector<16xf32>,
      %gt3A_471 = arith.cmpf ogt, %gather3A_470, %select_n3A_463 : vector<16xf32>
      %select_n3A_472 = arith.select %gt3A_471, %gather3A_470, %select_n3A_463 : vector<16xi1>, vector<16xf32>
      %broadcast_in_dim3A_473 = arith.constant 50 : i32
      %broadcast_in_dim3A_474 = vector.broadcast %broadcast_in_dim3A_473 : i32 to vector<16xi32>
      %select_n3A_475 = arith.select %gt3A_471, %broadcast_in_dim3A_474, %select_n3A_466 : vector<16xi1>, vector<16xi32>
      %add3A_476 = arith.constant 51 : i32
      %add3A_477 = vector.broadcast %add3A_476 : i32 to vector<16xi32>
      %add3A_478 = arith.addi %mul3A_16, %add3A_477 : vector<16xi32>
      %gather3A_479 = tpu.vector_load_idx %arg5[%add3A_478] : memref<16384xf32, #tpu.memory_space<vmem>>[vector<16xi32>], vector<16xf32>,
      %gt3A_480 = arith.cmpf ogt, %gather3A_479, %select_n3A_472 : vector<16xf32>
      %select_n3A_481 = arith.select %gt3A_480, %gather3A_479, %select_n3A_472 : vector<16xi1>, vector<16xf32>
      %broadcast_in_dim3A_482 = arith.constant 51 : i32
      %broadcast_in_dim3A_483 = vector.broadcast %broadcast_in_dim3A_482 : i32 to vector<16xi32>
      %select_n3A_484 = arith.select %gt3A_480, %broadcast_in_dim3A_483, %select_n3A_475 : vector<16xi1>, vector<16xi32>
      %add3A_485 = arith.constant 52 : i32
      %add3A_486 = vector.broadcast %add3A_485 : i32 to vector<16xi32>
      %add3A_487 = arith.addi %mul3A_16, %add3A_486 : vector<16xi32>
      %gather3A_488 = tpu.vector_load_idx %arg5[%add3A_487] : memref<16384xf32, #tpu.memory_space<vmem>>[vector<16xi32>], vector<16xf32>,
      %gt3A_489 = arith.cmpf ogt, %gather3A_488, %select_n3A_481 : vector<16xf32>
      %select_n3A_490 = arith.select %gt3A_489, %gather3A_488, %select_n3A_481 : vector<16xi1>, vector<16xf32>
      %broadcast_in_dim3A_491 = arith.constant 52 : i32
      %broadcast_in_dim3A_492 = vector.broadcast %broadcast_in_dim3A_491 : i32 to vector<16xi32>
      %select_n3A_493 = arith.select %gt3A_489, %broadcast_in_dim3A_492, %select_n3A_484 : vector<16xi1>, vector<16xi32>
      %add3A_494 = arith.constant 53 : i32
      %add3A_495 = vector.broadcast %add3A_494 : i32 to vector<16xi32>
      %add3A_496 = arith.addi %mul3A_16, %add3A_495 : vector<16xi32>
      %gather3A_497 = tpu.vector_load_idx %arg5[%add3A_496] : memref<16384xf32, #tpu.memory_space<vmem>>[vector<16xi32>], vector<16xf32>,
      %gt3A_498 = arith.cmpf ogt, %gather3A_497, %select_n3A_490 : vector<16xf32>
      %select_n3A_499 = arith.select %gt3A_498, %gather3A_497, %select_n3A_490 : vector<16xi1>, vector<16xf32>
      %broadcast_in_dim3A_500 = arith.constant 53 : i32
      %broadcast_in_dim3A_501 = vector.broadcast %broadcast_in_dim3A_500 : i32 to vector<16xi32>
      %select_n3A_502 = arith.select %gt3A_498, %broadcast_in_dim3A_501, %select_n3A_493 : vector<16xi1>, vector<16xi32>
      %add3A_503 = arith.constant 54 : i32
      %add3A_504 = vector.broadcast %add3A_503 : i32 to vector<16xi32>
      %add3A_505 = arith.addi %mul3A_16, %add3A_504 : vector<16xi32>
      %gather3A_506 = tpu.vector_load_idx %arg5[%add3A_505] : memref<16384xf32, #tpu.memory_space<vmem>>[vector<16xi32>], vector<16xf32>,
      %gt3A_507 = arith.cmpf ogt, %gather3A_506, %select_n3A_499 : vector<16xf32>
      %select_n3A_508 = arith.select %gt3A_507, %gather3A_506, %select_n3A_499 : vector<16xi1>, vector<16xf32>
      %broadcast_in_dim3A_509 = arith.constant 54 : i32
      %broadcast_in_dim3A_510 = vector.broadcast %broadcast_in_dim3A_509 : i32 to vector<16xi32>
      %select_n3A_511 = arith.select %gt3A_507, %broadcast_in_dim3A_510, %select_n3A_502 : vector<16xi1>, vector<16xi32>
      %add3A_512 = arith.constant 55 : i32
      %add3A_513 = vector.broadcast %add3A_512 : i32 to vector<16xi32>
      %add3A_514 = arith.addi %mul3A_16, %add3A_513 : vector<16xi32>
      %gather3A_515 = tpu.vector_load_idx %arg5[%add3A_514] : memref<16384xf32, #tpu.memory_space<vmem>>[vector<16xi32>], vector<16xf32>,
      %gt3A_516 = arith.cmpf ogt, %gather3A_515, %select_n3A_508 : vector<16xf32>
      %select_n3A_517 = arith.select %gt3A_516, %gather3A_515, %select_n3A_508 : vector<16xi1>, vector<16xf32>
      %broadcast_in_dim3A_518 = arith.constant 55 : i32
      %broadcast_in_dim3A_519 = vector.broadcast %broadcast_in_dim3A_518 : i32 to vector<16xi32>
      %select_n3A_520 = arith.select %gt3A_516, %broadcast_in_dim3A_519, %select_n3A_511 : vector<16xi1>, vector<16xi32>
      %add3A_521 = arith.constant 56 : i32
      %add3A_522 = vector.broadcast %add3A_521 : i32 to vector<16xi32>
      %add3A_523 = arith.addi %mul3A_16, %add3A_522 : vector<16xi32>
      %gather3A_524 = tpu.vector_load_idx %arg5[%add3A_523] : memref<16384xf32, #tpu.memory_space<vmem>>[vector<16xi32>], vector<16xf32>,
      %gt3A_525 = arith.cmpf ogt, %gather3A_524, %select_n3A_517 : vector<16xf32>
      %select_n3A_526 = arith.select %gt3A_525, %gather3A_524, %select_n3A_517 : vector<16xi1>, vector<16xf32>
      %broadcast_in_dim3A_527 = arith.constant 56 : i32
      %broadcast_in_dim3A_528 = vector.broadcast %broadcast_in_dim3A_527 : i32 to vector<16xi32>
      %select_n3A_529 = arith.select %gt3A_525, %broadcast_in_dim3A_528, %select_n3A_520 : vector<16xi1>, vector<16xi32>
      %add3A_530 = arith.constant 57 : i32
      %add3A_531 = vector.broadcast %add3A_530 : i32 to vector<16xi32>
      %add3A_532 = arith.addi %mul3A_16, %add3A_531 : vector<16xi32>
      %gather3A_533 = tpu.vector_load_idx %arg5[%add3A_532] : memref<16384xf32, #tpu.memory_space<vmem>>[vector<16xi32>], vector<16xf32>,
      %gt3A_534 = arith.cmpf ogt, %gather3A_533, %select_n3A_526 : vector<16xf32>
      %select_n3A_535 = arith.select %gt3A_534, %gather3A_533, %select_n3A_526 : vector<16xi1>, vector<16xf32>
      %broadcast_in_dim3A_536 = arith.constant 57 : i32
      %broadcast_in_dim3A_537 = vector.broadcast %broadcast_in_dim3A_536 : i32 to vector<16xi32>
      %select_n3A_538 = arith.select %gt3A_534, %broadcast_in_dim3A_537, %select_n3A_529 : vector<16xi1>, vector<16xi32>
      %add3A_539 = arith.constant 58 : i32
      %add3A_540 = vector.broadcast %add3A_539 : i32 to vector<16xi32>
      %add3A_541 = arith.addi %mul3A_16, %add3A_540 : vector<16xi32>
      %gather3A_542 = tpu.vector_load_idx %arg5[%add3A_541] : memref<16384xf32, #tpu.memory_space<vmem>>[vector<16xi32>], vector<16xf32>,
      %gt3A_543 = arith.cmpf ogt, %gather3A_542, %select_n3A_535 : vector<16xf32>
      %select_n3A_544 = arith.select %gt3A_543, %gather3A_542, %select_n3A_535 : vector<16xi1>, vector<16xf32>
      %broadcast_in_dim3A_545 = arith.constant 58 : i32
      %broadcast_in_dim3A_546 = vector.broadcast %broadcast_in_dim3A_545 : i32 to vector<16xi32>
      %select_n3A_547 = arith.select %gt3A_543, %broadcast_in_dim3A_546, %select_n3A_538 : vector<16xi1>, vector<16xi32>
      %add3A_548 = arith.constant 59 : i32
      %add3A_549 = vector.broadcast %add3A_548 : i32 to vector<16xi32>
      %add3A_550 = arith.addi %mul3A_16, %add3A_549 : vector<16xi32>
      %gather3A_551 = tpu.vector_load_idx %arg5[%add3A_550] : memref<16384xf32, #tpu.memory_space<vmem>>[vector<16xi32>], vector<16xf32>,
      %gt3A_552 = arith.cmpf ogt, %gather3A_551, %select_n3A_544 : vector<16xf32>
      %select_n3A_553 = arith.select %gt3A_552, %gather3A_551, %select_n3A_544 : vector<16xi1>, vector<16xf32>
      %broadcast_in_dim3A_554 = arith.constant 59 : i32
      %broadcast_in_dim3A_555 = vector.broadcast %broadcast_in_dim3A_554 : i32 to vector<16xi32>
      %select_n3A_556 = arith.select %gt3A_552, %broadcast_in_dim3A_555, %select_n3A_547 : vector<16xi1>, vector<16xi32>
      %add3A_557 = arith.constant 60 : i32
      %add3A_558 = vector.broadcast %add3A_557 : i32 to vector<16xi32>
      %add3A_559 = arith.addi %mul3A_16, %add3A_558 : vector<16xi32>
      %gather3A_560 = tpu.vector_load_idx %arg5[%add3A_559] : memref<16384xf32, #tpu.memory_space<vmem>>[vector<16xi32>], vector<16xf32>,
      %gt3A_561 = arith.cmpf ogt, %gather3A_560, %select_n3A_553 : vector<16xf32>
      %select_n3A_562 = arith.select %gt3A_561, %gather3A_560, %select_n3A_553 : vector<16xi1>, vector<16xf32>
      %broadcast_in_dim3A_563 = arith.constant 60 : i32
      %broadcast_in_dim3A_564 = vector.broadcast %broadcast_in_dim3A_563 : i32 to vector<16xi32>
      %select_n3A_565 = arith.select %gt3A_561, %broadcast_in_dim3A_564, %select_n3A_556 : vector<16xi1>, vector<16xi32>
      %add3A_566 = arith.constant 61 : i32
      %add3A_567 = vector.broadcast %add3A_566 : i32 to vector<16xi32>
      %add3A_568 = arith.addi %mul3A_16, %add3A_567 : vector<16xi32>
      %gather3A_569 = tpu.vector_load_idx %arg5[%add3A_568] : memref<16384xf32, #tpu.memory_space<vmem>>[vector<16xi32>], vector<16xf32>,
      %gt3A_570 = arith.cmpf ogt, %gather3A_569, %select_n3A_562 : vector<16xf32>
      %select_n3A_571 = arith.select %gt3A_570, %gather3A_569, %select_n3A_562 : vector<16xi1>, vector<16xf32>
      %broadcast_in_dim3A_572 = arith.constant 61 : i32
      %broadcast_in_dim3A_573 = vector.broadcast %broadcast_in_dim3A_572 : i32 to vector<16xi32>
      %select_n3A_574 = arith.select %gt3A_570, %broadcast_in_dim3A_573, %select_n3A_565 : vector<16xi1>, vector<16xi32>
      %add3A_575 = arith.constant 62 : i32
      %add3A_576 = vector.broadcast %add3A_575 : i32 to vector<16xi32>
      %add3A_577 = arith.addi %mul3A_16, %add3A_576 : vector<16xi32>
      %gather3A_578 = tpu.vector_load_idx %arg5[%add3A_577] : memref<16384xf32, #tpu.memory_space<vmem>>[vector<16xi32>], vector<16xf32>,
      %gt3A_579 = arith.cmpf ogt, %gather3A_578, %select_n3A_571 : vector<16xf32>
      %select_n3A_580 = arith.select %gt3A_579, %gather3A_578, %select_n3A_571 : vector<16xi1>, vector<16xf32>
      %broadcast_in_dim3A_581 = arith.constant 62 : i32
      %broadcast_in_dim3A_582 = vector.broadcast %broadcast_in_dim3A_581 : i32 to vector<16xi32>
      %select_n3A_583 = arith.select %gt3A_579, %broadcast_in_dim3A_582, %select_n3A_574 : vector<16xi1>, vector<16xi32>
      %add3A_584 = arith.constant 63 : i32
      %add3A_585 = vector.broadcast %add3A_584 : i32 to vector<16xi32>
      %add3A_586 = arith.addi %mul3A_16, %add3A_585 : vector<16xi32>
      %gather3A_587 = tpu.vector_load_idx %arg5[%add3A_586] : memref<16384xf32, #tpu.memory_space<vmem>>[vector<16xi32>], vector<16xf32>,
      %gt3A_588 = arith.cmpf ogt, %gather3A_587, %select_n3A_580 : vector<16xf32>
      %select_n3A_589 = arith.select %gt3A_588, %gather3A_587, %select_n3A_580 : vector<16xi1>, vector<16xf32>
      %broadcast_in_dim3A_590 = arith.constant 63 : i32
      %broadcast_in_dim3A_591 = vector.broadcast %broadcast_in_dim3A_590 : i32 to vector<16xi32>
      %select_n3A_592 = arith.select %gt3A_588, %broadcast_in_dim3A_591, %select_n3A_583 : vector<16xi1>, vector<16xi32>
      %broadcast_in_dim3A_593 = arith.constant 0.000000e+00 : f32
      %broadcast_in_dim3A_594 = vector.broadcast %broadcast_in_dim3A_593 : f32 to vector<16xf32>
      %add3A_595 = arith.constant 0 : i32
      %add3A_596 = vector.broadcast %add3A_595 : i32 to vector<16xi32>
      %add3A_597 = arith.addi %mul3A_16, %add3A_596 : vector<16xi32>
      %gather3A_598 = tpu.vector_load_idx %arg5[%add3A_597] : memref<16384xf32, #tpu.memory_space<vmem>>[vector<16xi32>], vector<16xf32>,
      %sub3A = arith.subf %gather3A_598, %select_n3A_589 : vector<16xf32>
      %exp3A = math.exp %sub3A : vector<16xf32>
      %add3A_599 = arith.addf %broadcast_in_dim3A_594, %exp3A : vector<16xf32>
      %add3A_600 = arith.constant 1 : i32
      %add3A_601 = vector.broadcast %add3A_600 : i32 to vector<16xi32>
      %add3A_602 = arith.addi %mul3A_16, %add3A_601 : vector<16xi32>
      %gather3A_603 = tpu.vector_load_idx %arg5[%add3A_602] : memref<16384xf32, #tpu.memory_space<vmem>>[vector<16xi32>], vector<16xf32>,
      %sub3A_604 = arith.subf %gather3A_603, %select_n3A_589 : vector<16xf32>
      %exp3A_605 = math.exp %sub3A_604 : vector<16xf32>
      %add3A_606 = arith.addf %add3A_599, %exp3A_605 : vector<16xf32>
      %add3A_607 = arith.constant 2 : i32
      %add3A_608 = vector.broadcast %add3A_607 : i32 to vector<16xi32>
      %add3A_609 = arith.addi %mul3A_16, %add3A_608 : vector<16xi32>
      %gather3A_610 = tpu.vector_load_idx %arg5[%add3A_609] : memref<16384xf32, #tpu.memory_space<vmem>>[vector<16xi32>], vector<16xf32>,
      %sub3A_611 = arith.subf %gather3A_610, %select_n3A_589 : vector<16xf32>
      %exp3A_612 = math.exp %sub3A_611 : vector<16xf32>
      %add3A_613 = arith.addf %add3A_606, %exp3A_612 : vector<16xf32>
      %add3A_614 = arith.constant 3 : i32
      %add3A_615 = vector.broadcast %add3A_614 : i32 to vector<16xi32>
      %add3A_616 = arith.addi %mul3A_16, %add3A_615 : vector<16xi32>
      %gather3A_617 = tpu.vector_load_idx %arg5[%add3A_616] : memref<16384xf32, #tpu.memory_space<vmem>>[vector<16xi32>], vector<16xf32>,
      %sub3A_618 = arith.subf %gather3A_617, %select_n3A_589 : vector<16xf32>
      %exp3A_619 = math.exp %sub3A_618 : vector<16xf32>
      %add3A_620 = arith.addf %add3A_613, %exp3A_619 : vector<16xf32>
      %add3A_621 = arith.constant 4 : i32
      %add3A_622 = vector.broadcast %add3A_621 : i32 to vector<16xi32>
      %add3A_623 = arith.addi %mul3A_16, %add3A_622 : vector<16xi32>
      %gather3A_624 = tpu.vector_load_idx %arg5[%add3A_623] : memref<16384xf32, #tpu.memory_space<vmem>>[vector<16xi32>], vector<16xf32>,
      %sub3A_625 = arith.subf %gather3A_624, %select_n3A_589 : vector<16xf32>
      %exp3A_626 = math.exp %sub3A_625 : vector<16xf32>
      %add3A_627 = arith.addf %add3A_620, %exp3A_626 : vector<16xf32>
      %add3A_628 = arith.constant 5 : i32
      %add3A_629 = vector.broadcast %add3A_628 : i32 to vector<16xi32>
      %add3A_630 = arith.addi %mul3A_16, %add3A_629 : vector<16xi32>
      %gather3A_631 = tpu.vector_load_idx %arg5[%add3A_630] : memref<16384xf32, #tpu.memory_space<vmem>>[vector<16xi32>], vector<16xf32>,
      %sub3A_632 = arith.subf %gather3A_631, %select_n3A_589 : vector<16xf32>
      %exp3A_633 = math.exp %sub3A_632 : vector<16xf32>
      %add3A_634 = arith.addf %add3A_627, %exp3A_633 : vector<16xf32>
      %add3A_635 = arith.constant 6 : i32
      %add3A_636 = vector.broadcast %add3A_635 : i32 to vector<16xi32>
      %add3A_637 = arith.addi %mul3A_16, %add3A_636 : vector<16xi32>
      %gather3A_638 = tpu.vector_load_idx %arg5[%add3A_637] : memref<16384xf32, #tpu.memory_space<vmem>>[vector<16xi32>], vector<16xf32>,
      %sub3A_639 = arith.subf %gather3A_638, %select_n3A_589 : vector<16xf32>
      %exp3A_640 = math.exp %sub3A_639 : vector<16xf32>
      %add3A_641 = arith.addf %add3A_634, %exp3A_640 : vector<16xf32>
      %add3A_642 = arith.constant 7 : i32
      %add3A_643 = vector.broadcast %add3A_642 : i32 to vector<16xi32>
      %add3A_644 = arith.addi %mul3A_16, %add3A_643 : vector<16xi32>
      %gather3A_645 = tpu.vector_load_idx %arg5[%add3A_644] : memref<16384xf32, #tpu.memory_space<vmem>>[vector<16xi32>], vector<16xf32>,
      %sub3A_646 = arith.subf %gather3A_645, %select_n3A_589 : vector<16xf32>
      %exp3A_647 = math.exp %sub3A_646 : vector<16xf32>
      %add3A_648 = arith.addf %add3A_641, %exp3A_647 : vector<16xf32>
      %add3A_649 = arith.constant 8 : i32
      %add3A_650 = vector.broadcast %add3A_649 : i32 to vector<16xi32>
      %add3A_651 = arith.addi %mul3A_16, %add3A_650 : vector<16xi32>
      %gather3A_652 = tpu.vector_load_idx %arg5[%add3A_651] : memref<16384xf32, #tpu.memory_space<vmem>>[vector<16xi32>], vector<16xf32>,
      %sub3A_653 = arith.subf %gather3A_652, %select_n3A_589 : vector<16xf32>
      %exp3A_654 = math.exp %sub3A_653 : vector<16xf32>
      %add3A_655 = arith.addf %add3A_648, %exp3A_654 : vector<16xf32>
      %add3A_656 = arith.constant 9 : i32
      %add3A_657 = vector.broadcast %add3A_656 : i32 to vector<16xi32>
      %add3A_658 = arith.addi %mul3A_16, %add3A_657 : vector<16xi32>
      %gather3A_659 = tpu.vector_load_idx %arg5[%add3A_658] : memref<16384xf32, #tpu.memory_space<vmem>>[vector<16xi32>], vector<16xf32>,
      %sub3A_660 = arith.subf %gather3A_659, %select_n3A_589 : vector<16xf32>
      %exp3A_661 = math.exp %sub3A_660 : vector<16xf32>
      %add3A_662 = arith.addf %add3A_655, %exp3A_661 : vector<16xf32>
      %add3A_663 = arith.constant 10 : i32
      %add3A_664 = vector.broadcast %add3A_663 : i32 to vector<16xi32>
      %add3A_665 = arith.addi %mul3A_16, %add3A_664 : vector<16xi32>
      %gather3A_666 = tpu.vector_load_idx %arg5[%add3A_665] : memref<16384xf32, #tpu.memory_space<vmem>>[vector<16xi32>], vector<16xf32>,
      %sub3A_667 = arith.subf %gather3A_666, %select_n3A_589 : vector<16xf32>
      %exp3A_668 = math.exp %sub3A_667 : vector<16xf32>
      %add3A_669 = arith.addf %add3A_662, %exp3A_668 : vector<16xf32>
      %add3A_670 = arith.constant 11 : i32
      %add3A_671 = vector.broadcast %add3A_670 : i32 to vector<16xi32>
      %add3A_672 = arith.addi %mul3A_16, %add3A_671 : vector<16xi32>
      %gather3A_673 = tpu.vector_load_idx %arg5[%add3A_672] : memref<16384xf32, #tpu.memory_space<vmem>>[vector<16xi32>], vector<16xf32>,
      %sub3A_674 = arith.subf %gather3A_673, %select_n3A_589 : vector<16xf32>
      %exp3A_675 = math.exp %sub3A_674 : vector<16xf32>
      %add3A_676 = arith.addf %add3A_669, %exp3A_675 : vector<16xf32>
      %add3A_677 = arith.constant 12 : i32
      %add3A_678 = vector.broadcast %add3A_677 : i32 to vector<16xi32>
      %add3A_679 = arith.addi %mul3A_16, %add3A_678 : vector<16xi32>
      %gather3A_680 = tpu.vector_load_idx %arg5[%add3A_679] : memref<16384xf32, #tpu.memory_space<vmem>>[vector<16xi32>], vector<16xf32>,
      %sub3A_681 = arith.subf %gather3A_680, %select_n3A_589 : vector<16xf32>
      %exp3A_682 = math.exp %sub3A_681 : vector<16xf32>
      %add3A_683 = arith.addf %add3A_676, %exp3A_682 : vector<16xf32>
      %add3A_684 = arith.constant 13 : i32
      %add3A_685 = vector.broadcast %add3A_684 : i32 to vector<16xi32>
      %add3A_686 = arith.addi %mul3A_16, %add3A_685 : vector<16xi32>
      %gather3A_687 = tpu.vector_load_idx %arg5[%add3A_686] : memref<16384xf32, #tpu.memory_space<vmem>>[vector<16xi32>], vector<16xf32>,
      %sub3A_688 = arith.subf %gather3A_687, %select_n3A_589 : vector<16xf32>
      %exp3A_689 = math.exp %sub3A_688 : vector<16xf32>
      %add3A_690 = arith.addf %add3A_683, %exp3A_689 : vector<16xf32>
      %add3A_691 = arith.constant 14 : i32
      %add3A_692 = vector.broadcast %add3A_691 : i32 to vector<16xi32>
      %add3A_693 = arith.addi %mul3A_16, %add3A_692 : vector<16xi32>
      %gather3A_694 = tpu.vector_load_idx %arg5[%add3A_693] : memref<16384xf32, #tpu.memory_space<vmem>>[vector<16xi32>], vector<16xf32>,
      %sub3A_695 = arith.subf %gather3A_694, %select_n3A_589 : vector<16xf32>
      %exp3A_696 = math.exp %sub3A_695 : vector<16xf32>
      %add3A_697 = arith.addf %add3A_690, %exp3A_696 : vector<16xf32>
      %add3A_698 = arith.constant 15 : i32
      %add3A_699 = vector.broadcast %add3A_698 : i32 to vector<16xi32>
      %add3A_700 = arith.addi %mul3A_16, %add3A_699 : vector<16xi32>
      %gather3A_701 = tpu.vector_load_idx %arg5[%add3A_700] : memref<16384xf32, #tpu.memory_space<vmem>>[vector<16xi32>], vector<16xf32>,
      %sub3A_702 = arith.subf %gather3A_701, %select_n3A_589 : vector<16xf32>
      %exp3A_703 = math.exp %sub3A_702 : vector<16xf32>
      %add3A_704 = arith.addf %add3A_697, %exp3A_703 : vector<16xf32>
      %add3A_705 = arith.constant 16 : i32
      %add3A_706 = vector.broadcast %add3A_705 : i32 to vector<16xi32>
      %add3A_707 = arith.addi %mul3A_16, %add3A_706 : vector<16xi32>
      %gather3A_708 = tpu.vector_load_idx %arg5[%add3A_707] : memref<16384xf32, #tpu.memory_space<vmem>>[vector<16xi32>], vector<16xf32>,
      %sub3A_709 = arith.subf %gather3A_708, %select_n3A_589 : vector<16xf32>
      %exp3A_710 = math.exp %sub3A_709 : vector<16xf32>
      %add3A_711 = arith.addf %add3A_704, %exp3A_710 : vector<16xf32>
      %add3A_712 = arith.constant 17 : i32
      %add3A_713 = vector.broadcast %add3A_712 : i32 to vector<16xi32>
      %add3A_714 = arith.addi %mul3A_16, %add3A_713 : vector<16xi32>
      %gather3A_715 = tpu.vector_load_idx %arg5[%add3A_714] : memref<16384xf32, #tpu.memory_space<vmem>>[vector<16xi32>], vector<16xf32>,
      %sub3A_716 = arith.subf %gather3A_715, %select_n3A_589 : vector<16xf32>
      %exp3A_717 = math.exp %sub3A_716 : vector<16xf32>
      %add3A_718 = arith.addf %add3A_711, %exp3A_717 : vector<16xf32>
      %add3A_719 = arith.constant 18 : i32
      %add3A_720 = vector.broadcast %add3A_719 : i32 to vector<16xi32>
      %add3A_721 = arith.addi %mul3A_16, %add3A_720 : vector<16xi32>
      %gather3A_722 = tpu.vector_load_idx %arg5[%add3A_721] : memref<16384xf32, #tpu.memory_space<vmem>>[vector<16xi32>], vector<16xf32>,
      %sub3A_723 = arith.subf %gather3A_722, %select_n3A_589 : vector<16xf32>
      %exp3A_724 = math.exp %sub3A_723 : vector<16xf32>
      %add3A_725 = arith.addf %add3A_718, %exp3A_724 : vector<16xf32>
      %add3A_726 = arith.constant 19 : i32
      %add3A_727 = vector.broadcast %add3A_726 : i32 to vector<16xi32>
      %add3A_728 = arith.addi %mul3A_16, %add3A_727 : vector<16xi32>
      %gather3A_729 = tpu.vector_load_idx %arg5[%add3A_728] : memref<16384xf32, #tpu.memory_space<vmem>>[vector<16xi32>], vector<16xf32>,
      %sub3A_730 = arith.subf %gather3A_729, %select_n3A_589 : vector<16xf32>
      %exp3A_731 = math.exp %sub3A_730 : vector<16xf32>
      %add3A_732 = arith.addf %add3A_725, %exp3A_731 : vector<16xf32>
      %add3A_733 = arith.constant 20 : i32
      %add3A_734 = vector.broadcast %add3A_733 : i32 to vector<16xi32>
      %add3A_735 = arith.addi %mul3A_16, %add3A_734 : vector<16xi32>
      %gather3A_736 = tpu.vector_load_idx %arg5[%add3A_735] : memref<16384xf32, #tpu.memory_space<vmem>>[vector<16xi32>], vector<16xf32>,
      %sub3A_737 = arith.subf %gather3A_736, %select_n3A_589 : vector<16xf32>
      %exp3A_738 = math.exp %sub3A_737 : vector<16xf32>
      %add3A_739 = arith.addf %add3A_732, %exp3A_738 : vector<16xf32>
      %add3A_740 = arith.constant 21 : i32
      %add3A_741 = vector.broadcast %add3A_740 : i32 to vector<16xi32>
      %add3A_742 = arith.addi %mul3A_16, %add3A_741 : vector<16xi32>
      %gather3A_743 = tpu.vector_load_idx %arg5[%add3A_742] : memref<16384xf32, #tpu.memory_space<vmem>>[vector<16xi32>], vector<16xf32>,
      %sub3A_744 = arith.subf %gather3A_743, %select_n3A_589 : vector<16xf32>
      %exp3A_745 = math.exp %sub3A_744 : vector<16xf32>
      %add3A_746 = arith.addf %add3A_739, %exp3A_745 : vector<16xf32>
      %add3A_747 = arith.constant 22 : i32
      %add3A_748 = vector.broadcast %add3A_747 : i32 to vector<16xi32>
      %add3A_749 = arith.addi %mul3A_16, %add3A_748 : vector<16xi32>
      %gather3A_750 = tpu.vector_load_idx %arg5[%add3A_749] : memref<16384xf32, #tpu.memory_space<vmem>>[vector<16xi32>], vector<16xf32>,
      %sub3A_751 = arith.subf %gather3A_750, %select_n3A_589 : vector<16xf32>
      %exp3A_752 = math.exp %sub3A_751 : vector<16xf32>
      %add3A_753 = arith.addf %add3A_746, %exp3A_752 : vector<16xf32>
      %add3A_754 = arith.constant 23 : i32
      %add3A_755 = vector.broadcast %add3A_754 : i32 to vector<16xi32>
      %add3A_756 = arith.addi %mul3A_16, %add3A_755 : vector<16xi32>
      %gather3A_757 = tpu.vector_load_idx %arg5[%add3A_756] : memref<16384xf32, #tpu.memory_space<vmem>>[vector<16xi32>], vector<16xf32>,
      %sub3A_758 = arith.subf %gather3A_757, %select_n3A_589 : vector<16xf32>
      %exp3A_759 = math.exp %sub3A_758 : vector<16xf32>
      %add3A_760 = arith.addf %add3A_753, %exp3A_759 : vector<16xf32>
      %add3A_761 = arith.constant 24 : i32
      %add3A_762 = vector.broadcast %add3A_761 : i32 to vector<16xi32>
      %add3A_763 = arith.addi %mul3A_16, %add3A_762 : vector<16xi32>
      %gather3A_764 = tpu.vector_load_idx %arg5[%add3A_763] : memref<16384xf32, #tpu.memory_space<vmem>>[vector<16xi32>], vector<16xf32>,
      %sub3A_765 = arith.subf %gather3A_764, %select_n3A_589 : vector<16xf32>
      %exp3A_766 = math.exp %sub3A_765 : vector<16xf32>
      %add3A_767 = arith.addf %add3A_760, %exp3A_766 : vector<16xf32>
      %add3A_768 = arith.constant 25 : i32
      %add3A_769 = vector.broadcast %add3A_768 : i32 to vector<16xi32>
      %add3A_770 = arith.addi %mul3A_16, %add3A_769 : vector<16xi32>
      %gather3A_771 = tpu.vector_load_idx %arg5[%add3A_770] : memref<16384xf32, #tpu.memory_space<vmem>>[vector<16xi32>], vector<16xf32>,
      %sub3A_772 = arith.subf %gather3A_771, %select_n3A_589 : vector<16xf32>
      %exp3A_773 = math.exp %sub3A_772 : vector<16xf32>
      %add3A_774 = arith.addf %add3A_767, %exp3A_773 : vector<16xf32>
      %add3A_775 = arith.constant 26 : i32
      %add3A_776 = vector.broadcast %add3A_775 : i32 to vector<16xi32>
      %add3A_777 = arith.addi %mul3A_16, %add3A_776 : vector<16xi32>
      %gather3A_778 = tpu.vector_load_idx %arg5[%add3A_777] : memref<16384xf32, #tpu.memory_space<vmem>>[vector<16xi32>], vector<16xf32>,
      %sub3A_779 = arith.subf %gather3A_778, %select_n3A_589 : vector<16xf32>
      %exp3A_780 = math.exp %sub3A_779 : vector<16xf32>
      %add3A_781 = arith.addf %add3A_774, %exp3A_780 : vector<16xf32>
      %add3A_782 = arith.constant 27 : i32
      %add3A_783 = vector.broadcast %add3A_782 : i32 to vector<16xi32>
      %add3A_784 = arith.addi %mul3A_16, %add3A_783 : vector<16xi32>
      %gather3A_785 = tpu.vector_load_idx %arg5[%add3A_784] : memref<16384xf32, #tpu.memory_space<vmem>>[vector<16xi32>], vector<16xf32>,
      %sub3A_786 = arith.subf %gather3A_785, %select_n3A_589 : vector<16xf32>
      %exp3A_787 = math.exp %sub3A_786 : vector<16xf32>
      %add3A_788 = arith.addf %add3A_781, %exp3A_787 : vector<16xf32>
      %add3A_789 = arith.constant 28 : i32
      %add3A_790 = vector.broadcast %add3A_789 : i32 to vector<16xi32>
      %add3A_791 = arith.addi %mul3A_16, %add3A_790 : vector<16xi32>
      %gather3A_792 = tpu.vector_load_idx %arg5[%add3A_791] : memref<16384xf32, #tpu.memory_space<vmem>>[vector<16xi32>], vector<16xf32>,
      %sub3A_793 = arith.subf %gather3A_792, %select_n3A_589 : vector<16xf32>
      %exp3A_794 = math.exp %sub3A_793 : vector<16xf32>
      %add3A_795 = arith.addf %add3A_788, %exp3A_794 : vector<16xf32>
      %add3A_796 = arith.constant 29 : i32
      %add3A_797 = vector.broadcast %add3A_796 : i32 to vector<16xi32>
      %add3A_798 = arith.addi %mul3A_16, %add3A_797 : vector<16xi32>
      %gather3A_799 = tpu.vector_load_idx %arg5[%add3A_798] : memref<16384xf32, #tpu.memory_space<vmem>>[vector<16xi32>], vector<16xf32>,
      %sub3A_800 = arith.subf %gather3A_799, %select_n3A_589 : vector<16xf32>
      %exp3A_801 = math.exp %sub3A_800 : vector<16xf32>
      %add3A_802 = arith.addf %add3A_795, %exp3A_801 : vector<16xf32>
      %add3A_803 = arith.constant 30 : i32
      %add3A_804 = vector.broadcast %add3A_803 : i32 to vector<16xi32>
      %add3A_805 = arith.addi %mul3A_16, %add3A_804 : vector<16xi32>
      %gather3A_806 = tpu.vector_load_idx %arg5[%add3A_805] : memref<16384xf32, #tpu.memory_space<vmem>>[vector<16xi32>], vector<16xf32>,
      %sub3A_807 = arith.subf %gather3A_806, %select_n3A_589 : vector<16xf32>
      %exp3A_808 = math.exp %sub3A_807 : vector<16xf32>
      %add3A_809 = arith.addf %add3A_802, %exp3A_808 : vector<16xf32>
      %add3A_810 = arith.constant 31 : i32
      %add3A_811 = vector.broadcast %add3A_810 : i32 to vector<16xi32>
      %add3A_812 = arith.addi %mul3A_16, %add3A_811 : vector<16xi32>
      %gather3A_813 = tpu.vector_load_idx %arg5[%add3A_812] : memref<16384xf32, #tpu.memory_space<vmem>>[vector<16xi32>], vector<16xf32>,
      %sub3A_814 = arith.subf %gather3A_813, %select_n3A_589 : vector<16xf32>
      %exp3A_815 = math.exp %sub3A_814 : vector<16xf32>
      %add3A_816 = arith.addf %add3A_809, %exp3A_815 : vector<16xf32>
      %add3A_817 = arith.constant 32 : i32
      %add3A_818 = vector.broadcast %add3A_817 : i32 to vector<16xi32>
      %add3A_819 = arith.addi %mul3A_16, %add3A_818 : vector<16xi32>
      %gather3A_820 = tpu.vector_load_idx %arg5[%add3A_819] : memref<16384xf32, #tpu.memory_space<vmem>>[vector<16xi32>], vector<16xf32>,
      %sub3A_821 = arith.subf %gather3A_820, %select_n3A_589 : vector<16xf32>
      %exp3A_822 = math.exp %sub3A_821 : vector<16xf32>
      %add3A_823 = arith.addf %add3A_816, %exp3A_822 : vector<16xf32>
      %add3A_824 = arith.constant 33 : i32
      %add3A_825 = vector.broadcast %add3A_824 : i32 to vector<16xi32>
      %add3A_826 = arith.addi %mul3A_16, %add3A_825 : vector<16xi32>
      %gather3A_827 = tpu.vector_load_idx %arg5[%add3A_826] : memref<16384xf32, #tpu.memory_space<vmem>>[vector<16xi32>], vector<16xf32>,
      %sub3A_828 = arith.subf %gather3A_827, %select_n3A_589 : vector<16xf32>
      %exp3A_829 = math.exp %sub3A_828 : vector<16xf32>
      %add3A_830 = arith.addf %add3A_823, %exp3A_829 : vector<16xf32>
      %add3A_831 = arith.constant 34 : i32
      %add3A_832 = vector.broadcast %add3A_831 : i32 to vector<16xi32>
      %add3A_833 = arith.addi %mul3A_16, %add3A_832 : vector<16xi32>
      %gather3A_834 = tpu.vector_load_idx %arg5[%add3A_833] : memref<16384xf32, #tpu.memory_space<vmem>>[vector<16xi32>], vector<16xf32>,
      %sub3A_835 = arith.subf %gather3A_834, %select_n3A_589 : vector<16xf32>
      %exp3A_836 = math.exp %sub3A_835 : vector<16xf32>
      %add3A_837 = arith.addf %add3A_830, %exp3A_836 : vector<16xf32>
      %add3A_838 = arith.constant 35 : i32
      %add3A_839 = vector.broadcast %add3A_838 : i32 to vector<16xi32>
      %add3A_840 = arith.addi %mul3A_16, %add3A_839 : vector<16xi32>
      %gather3A_841 = tpu.vector_load_idx %arg5[%add3A_840] : memref<16384xf32, #tpu.memory_space<vmem>>[vector<16xi32>], vector<16xf32>,
      %sub3A_842 = arith.subf %gather3A_841, %select_n3A_589 : vector<16xf32>
      %exp3A_843 = math.exp %sub3A_842 : vector<16xf32>
      %add3A_844 = arith.addf %add3A_837, %exp3A_843 : vector<16xf32>
      %add3A_845 = arith.constant 36 : i32
      %add3A_846 = vector.broadcast %add3A_845 : i32 to vector<16xi32>
      %add3A_847 = arith.addi %mul3A_16, %add3A_846 : vector<16xi32>
      %gather3A_848 = tpu.vector_load_idx %arg5[%add3A_847] : memref<16384xf32, #tpu.memory_space<vmem>>[vector<16xi32>], vector<16xf32>,
      %sub3A_849 = arith.subf %gather3A_848, %select_n3A_589 : vector<16xf32>
      %exp3A_850 = math.exp %sub3A_849 : vector<16xf32>
      %add3A_851 = arith.addf %add3A_844, %exp3A_850 : vector<16xf32>
      %add3A_852 = arith.constant 37 : i32
      %add3A_853 = vector.broadcast %add3A_852 : i32 to vector<16xi32>
      %add3A_854 = arith.addi %mul3A_16, %add3A_853 : vector<16xi32>
      %gather3A_855 = tpu.vector_load_idx %arg5[%add3A_854] : memref<16384xf32, #tpu.memory_space<vmem>>[vector<16xi32>], vector<16xf32>,
      %sub3A_856 = arith.subf %gather3A_855, %select_n3A_589 : vector<16xf32>
      %exp3A_857 = math.exp %sub3A_856 : vector<16xf32>
      %add3A_858 = arith.addf %add3A_851, %exp3A_857 : vector<16xf32>
      %add3A_859 = arith.constant 38 : i32
      %add3A_860 = vector.broadcast %add3A_859 : i32 to vector<16xi32>
      %add3A_861 = arith.addi %mul3A_16, %add3A_860 : vector<16xi32>
      %gather3A_862 = tpu.vector_load_idx %arg5[%add3A_861] : memref<16384xf32, #tpu.memory_space<vmem>>[vector<16xi32>], vector<16xf32>,
      %sub3A_863 = arith.subf %gather3A_862, %select_n3A_589 : vector<16xf32>
      %exp3A_864 = math.exp %sub3A_863 : vector<16xf32>
      %add3A_865 = arith.addf %add3A_858, %exp3A_864 : vector<16xf32>
      %add3A_866 = arith.constant 39 : i32
      %add3A_867 = vector.broadcast %add3A_866 : i32 to vector<16xi32>
      %add3A_868 = arith.addi %mul3A_16, %add3A_867 : vector<16xi32>
      %gather3A_869 = tpu.vector_load_idx %arg5[%add3A_868] : memref<16384xf32, #tpu.memory_space<vmem>>[vector<16xi32>], vector<16xf32>,
      %sub3A_870 = arith.subf %gather3A_869, %select_n3A_589 : vector<16xf32>
      %exp3A_871 = math.exp %sub3A_870 : vector<16xf32>
      %add3A_872 = arith.addf %add3A_865, %exp3A_871 : vector<16xf32>
      %add3A_873 = arith.constant 40 : i32
      %add3A_874 = vector.broadcast %add3A_873 : i32 to vector<16xi32>
      %add3A_875 = arith.addi %mul3A_16, %add3A_874 : vector<16xi32>
      %gather3A_876 = tpu.vector_load_idx %arg5[%add3A_875] : memref<16384xf32, #tpu.memory_space<vmem>>[vector<16xi32>], vector<16xf32>,
      %sub3A_877 = arith.subf %gather3A_876, %select_n3A_589 : vector<16xf32>
      %exp3A_878 = math.exp %sub3A_877 : vector<16xf32>
      %add3A_879 = arith.addf %add3A_872, %exp3A_878 : vector<16xf32>
      %add3A_880 = arith.constant 41 : i32
      %add3A_881 = vector.broadcast %add3A_880 : i32 to vector<16xi32>
      %add3A_882 = arith.addi %mul3A_16, %add3A_881 : vector<16xi32>
      %gather3A_883 = tpu.vector_load_idx %arg5[%add3A_882] : memref<16384xf32, #tpu.memory_space<vmem>>[vector<16xi32>], vector<16xf32>,
      %sub3A_884 = arith.subf %gather3A_883, %select_n3A_589 : vector<16xf32>
      %exp3A_885 = math.exp %sub3A_884 : vector<16xf32>
      %add3A_886 = arith.addf %add3A_879, %exp3A_885 : vector<16xf32>
      %add3A_887 = arith.constant 42 : i32
      %add3A_888 = vector.broadcast %add3A_887 : i32 to vector<16xi32>
      %add3A_889 = arith.addi %mul3A_16, %add3A_888 : vector<16xi32>
      %gather3A_890 = tpu.vector_load_idx %arg5[%add3A_889] : memref<16384xf32, #tpu.memory_space<vmem>>[vector<16xi32>], vector<16xf32>,
      %sub3A_891 = arith.subf %gather3A_890, %select_n3A_589 : vector<16xf32>
      %exp3A_892 = math.exp %sub3A_891 : vector<16xf32>
      %add3A_893 = arith.addf %add3A_886, %exp3A_892 : vector<16xf32>
      %add3A_894 = arith.constant 43 : i32
      %add3A_895 = vector.broadcast %add3A_894 : i32 to vector<16xi32>
      %add3A_896 = arith.addi %mul3A_16, %add3A_895 : vector<16xi32>
      %gather3A_897 = tpu.vector_load_idx %arg5[%add3A_896] : memref<16384xf32, #tpu.memory_space<vmem>>[vector<16xi32>], vector<16xf32>,
      %sub3A_898 = arith.subf %gather3A_897, %select_n3A_589 : vector<16xf32>
      %exp3A_899 = math.exp %sub3A_898 : vector<16xf32>
      %add3A_900 = arith.addf %add3A_893, %exp3A_899 : vector<16xf32>
      %add3A_901 = arith.constant 44 : i32
      %add3A_902 = vector.broadcast %add3A_901 : i32 to vector<16xi32>
      %add3A_903 = arith.addi %mul3A_16, %add3A_902 : vector<16xi32>
      %gather3A_904 = tpu.vector_load_idx %arg5[%add3A_903] : memref<16384xf32, #tpu.memory_space<vmem>>[vector<16xi32>], vector<16xf32>,
      %sub3A_905 = arith.subf %gather3A_904, %select_n3A_589 : vector<16xf32>
      %exp3A_906 = math.exp %sub3A_905 : vector<16xf32>
      %add3A_907 = arith.addf %add3A_900, %exp3A_906 : vector<16xf32>
      %add3A_908 = arith.constant 45 : i32
      %add3A_909 = vector.broadcast %add3A_908 : i32 to vector<16xi32>
      %add3A_910 = arith.addi %mul3A_16, %add3A_909 : vector<16xi32>
      %gather3A_911 = tpu.vector_load_idx %arg5[%add3A_910] : memref<16384xf32, #tpu.memory_space<vmem>>[vector<16xi32>], vector<16xf32>,
      %sub3A_912 = arith.subf %gather3A_911, %select_n3A_589 : vector<16xf32>
      %exp3A_913 = math.exp %sub3A_912 : vector<16xf32>
      %add3A_914 = arith.addf %add3A_907, %exp3A_913 : vector<16xf32>
      %add3A_915 = arith.constant 46 : i32
      %add3A_916 = vector.broadcast %add3A_915 : i32 to vector<16xi32>
      %add3A_917 = arith.addi %mul3A_16, %add3A_916 : vector<16xi32>
      %gather3A_918 = tpu.vector_load_idx %arg5[%add3A_917] : memref<16384xf32, #tpu.memory_space<vmem>>[vector<16xi32>], vector<16xf32>,
      %sub3A_919 = arith.subf %gather3A_918, %select_n3A_589 : vector<16xf32>
      %exp3A_920 = math.exp %sub3A_919 : vector<16xf32>
      %add3A_921 = arith.addf %add3A_914, %exp3A_920 : vector<16xf32>
      %add3A_922 = arith.constant 47 : i32
      %add3A_923 = vector.broadcast %add3A_922 : i32 to vector<16xi32>
      %add3A_924 = arith.addi %mul3A_16, %add3A_923 : vector<16xi32>
      %gather3A_925 = tpu.vector_load_idx %arg5[%add3A_924] : memref<16384xf32, #tpu.memory_space<vmem>>[vector<16xi32>], vector<16xf32>,
      %sub3A_926 = arith.subf %gather3A_925, %select_n3A_589 : vector<16xf32>
      %exp3A_927 = math.exp %sub3A_926 : vector<16xf32>
      %add3A_928 = arith.addf %add3A_921, %exp3A_927 : vector<16xf32>
      %add3A_929 = arith.constant 48 : i32
      %add3A_930 = vector.broadcast %add3A_929 : i32 to vector<16xi32>
      %add3A_931 = arith.addi %mul3A_16, %add3A_930 : vector<16xi32>
      %gather3A_932 = tpu.vector_load_idx %arg5[%add3A_931] : memref<16384xf32, #tpu.memory_space<vmem>>[vector<16xi32>], vector<16xf32>,
      %sub3A_933 = arith.subf %gather3A_932, %select_n3A_589 : vector<16xf32>
      %exp3A_934 = math.exp %sub3A_933 : vector<16xf32>
      %add3A_935 = arith.addf %add3A_928, %exp3A_934 : vector<16xf32>
      %add3A_936 = arith.constant 49 : i32
      %add3A_937 = vector.broadcast %add3A_936 : i32 to vector<16xi32>
      %add3A_938 = arith.addi %mul3A_16, %add3A_937 : vector<16xi32>
      %gather3A_939 = tpu.vector_load_idx %arg5[%add3A_938] : memref<16384xf32, #tpu.memory_space<vmem>>[vector<16xi32>], vector<16xf32>,
      %sub3A_940 = arith.subf %gather3A_939, %select_n3A_589 : vector<16xf32>
      %exp3A_941 = math.exp %sub3A_940 : vector<16xf32>
      %add3A_942 = arith.addf %add3A_935, %exp3A_941 : vector<16xf32>
      %add3A_943 = arith.constant 50 : i32
      %add3A_944 = vector.broadcast %add3A_943 : i32 to vector<16xi32>
      %add3A_945 = arith.addi %mul3A_16, %add3A_944 : vector<16xi32>
      %gather3A_946 = tpu.vector_load_idx %arg5[%add3A_945] : memref<16384xf32, #tpu.memory_space<vmem>>[vector<16xi32>], vector<16xf32>,
      %sub3A_947 = arith.subf %gather3A_946, %select_n3A_589 : vector<16xf32>
      %exp3A_948 = math.exp %sub3A_947 : vector<16xf32>
      %add3A_949 = arith.addf %add3A_942, %exp3A_948 : vector<16xf32>
      %add3A_950 = arith.constant 51 : i32
      %add3A_951 = vector.broadcast %add3A_950 : i32 to vector<16xi32>
      %add3A_952 = arith.addi %mul3A_16, %add3A_951 : vector<16xi32>
      %gather3A_953 = tpu.vector_load_idx %arg5[%add3A_952] : memref<16384xf32, #tpu.memory_space<vmem>>[vector<16xi32>], vector<16xf32>,
      %sub3A_954 = arith.subf %gather3A_953, %select_n3A_589 : vector<16xf32>
      %exp3A_955 = math.exp %sub3A_954 : vector<16xf32>
      %add3A_956 = arith.addf %add3A_949, %exp3A_955 : vector<16xf32>
      %add3A_957 = arith.constant 52 : i32
      %add3A_958 = vector.broadcast %add3A_957 : i32 to vector<16xi32>
      %add3A_959 = arith.addi %mul3A_16, %add3A_958 : vector<16xi32>
      %gather3A_960 = tpu.vector_load_idx %arg5[%add3A_959] : memref<16384xf32, #tpu.memory_space<vmem>>[vector<16xi32>], vector<16xf32>,
      %sub3A_961 = arith.subf %gather3A_960, %select_n3A_589 : vector<16xf32>
      %exp3A_962 = math.exp %sub3A_961 : vector<16xf32>
      %add3A_963 = arith.addf %add3A_956, %exp3A_962 : vector<16xf32>
      %add3A_964 = arith.constant 53 : i32
      %add3A_965 = vector.broadcast %add3A_964 : i32 to vector<16xi32>
      %add3A_966 = arith.addi %mul3A_16, %add3A_965 : vector<16xi32>
      %gather3A_967 = tpu.vector_load_idx %arg5[%add3A_966] : memref<16384xf32, #tpu.memory_space<vmem>>[vector<16xi32>], vector<16xf32>,
      %sub3A_968 = arith.subf %gather3A_967, %select_n3A_589 : vector<16xf32>
      %exp3A_969 = math.exp %sub3A_968 : vector<16xf32>
      %add3A_970 = arith.addf %add3A_963, %exp3A_969 : vector<16xf32>
      %add3A_971 = arith.constant 54 : i32
      %add3A_972 = vector.broadcast %add3A_971 : i32 to vector<16xi32>
      %add3A_973 = arith.addi %mul3A_16, %add3A_972 : vector<16xi32>
      %gather3A_974 = tpu.vector_load_idx %arg5[%add3A_973] : memref<16384xf32, #tpu.memory_space<vmem>>[vector<16xi32>], vector<16xf32>,
      %sub3A_975 = arith.subf %gather3A_974, %select_n3A_589 : vector<16xf32>
      %exp3A_976 = math.exp %sub3A_975 : vector<16xf32>
      %add3A_977 = arith.addf %add3A_970, %exp3A_976 : vector<16xf32>
      %add3A_978 = arith.constant 55 : i32
      %add3A_979 = vector.broadcast %add3A_978 : i32 to vector<16xi32>
      %add3A_980 = arith.addi %mul3A_16, %add3A_979 : vector<16xi32>
      %gather3A_981 = tpu.vector_load_idx %arg5[%add3A_980] : memref<16384xf32, #tpu.memory_space<vmem>>[vector<16xi32>], vector<16xf32>,
      %sub3A_982 = arith.subf %gather3A_981, %select_n3A_589 : vector<16xf32>
      %exp3A_983 = math.exp %sub3A_982 : vector<16xf32>
      %add3A_984 = arith.addf %add3A_977, %exp3A_983 : vector<16xf32>
      %add3A_985 = arith.constant 56 : i32
      %add3A_986 = vector.broadcast %add3A_985 : i32 to vector<16xi32>
      %add3A_987 = arith.addi %mul3A_16, %add3A_986 : vector<16xi32>
      %gather3A_988 = tpu.vector_load_idx %arg5[%add3A_987] : memref<16384xf32, #tpu.memory_space<vmem>>[vector<16xi32>], vector<16xf32>,
      %sub3A_989 = arith.subf %gather3A_988, %select_n3A_589 : vector<16xf32>
      %exp3A_990 = math.exp %sub3A_989 : vector<16xf32>
      %add3A_991 = arith.addf %add3A_984, %exp3A_990 : vector<16xf32>
      %add3A_992 = arith.constant 57 : i32
      %add3A_993 = vector.broadcast %add3A_992 : i32 to vector<16xi32>
      %add3A_994 = arith.addi %mul3A_16, %add3A_993 : vector<16xi32>
      %gather3A_995 = tpu.vector_load_idx %arg5[%add3A_994] : memref<16384xf32, #tpu.memory_space<vmem>>[vector<16xi32>], vector<16xf32>,
      %sub3A_996 = arith.subf %gather3A_995, %select_n3A_589 : vector<16xf32>
      %exp3A_997 = math.exp %sub3A_996 : vector<16xf32>
      %add3A_998 = arith.addf %add3A_991, %exp3A_997 : vector<16xf32>
      %add3A_999 = arith.constant 58 : i32
      %add3A_1000 = vector.broadcast %add3A_999 : i32 to vector<16xi32>
      %add3A_1001 = arith.addi %mul3A_16, %add3A_1000 : vector<16xi32>
      %gather3A_1002 = tpu.vector_load_idx %arg5[%add3A_1001] : memref<16384xf32, #tpu.memory_space<vmem>>[vector<16xi32>], vector<16xf32>,
      %sub3A_1003 = arith.subf %gather3A_1002, %select_n3A_589 : vector<16xf32>
      %exp3A_1004 = math.exp %sub3A_1003 : vector<16xf32>
      %add3A_1005 = arith.addf %add3A_998, %exp3A_1004 : vector<16xf32>
      %add3A_1006 = arith.constant 59 : i32
      %add3A_1007 = vector.broadcast %add3A_1006 : i32 to vector<16xi32>
      %add3A_1008 = arith.addi %mul3A_16, %add3A_1007 : vector<16xi32>
      %gather3A_1009 = tpu.vector_load_idx %arg5[%add3A_1008] : memref<16384xf32, #tpu.memory_space<vmem>>[vector<16xi32>], vector<16xf32>,
      %sub3A_1010 = arith.subf %gather3A_1009, %select_n3A_589 : vector<16xf32>
      %exp3A_1011 = math.exp %sub3A_1010 : vector<16xf32>
      %add3A_1012 = arith.addf %add3A_1005, %exp3A_1011 : vector<16xf32>
      %add3A_1013 = arith.constant 60 : i32
      %add3A_1014 = vector.broadcast %add3A_1013 : i32 to vector<16xi32>
      %add3A_1015 = arith.addi %mul3A_16, %add3A_1014 : vector<16xi32>
      %gather3A_1016 = tpu.vector_load_idx %arg5[%add3A_1015] : memref<16384xf32, #tpu.memory_space<vmem>>[vector<16xi32>], vector<16xf32>,
      %sub3A_1017 = arith.subf %gather3A_1016, %select_n3A_589 : vector<16xf32>
      %exp3A_1018 = math.exp %sub3A_1017 : vector<16xf32>
      %add3A_1019 = arith.addf %add3A_1012, %exp3A_1018 : vector<16xf32>
      %add3A_1020 = arith.constant 61 : i32
      %add3A_1021 = vector.broadcast %add3A_1020 : i32 to vector<16xi32>
      %add3A_1022 = arith.addi %mul3A_16, %add3A_1021 : vector<16xi32>
      %gather3A_1023 = tpu.vector_load_idx %arg5[%add3A_1022] : memref<16384xf32, #tpu.memory_space<vmem>>[vector<16xi32>], vector<16xf32>,
      %sub3A_1024 = arith.subf %gather3A_1023, %select_n3A_589 : vector<16xf32>
      %exp3A_1025 = math.exp %sub3A_1024 : vector<16xf32>
      %add3A_1026 = arith.addf %add3A_1019, %exp3A_1025 : vector<16xf32>
      %add3A_1027 = arith.constant 62 : i32
      %add3A_1028 = vector.broadcast %add3A_1027 : i32 to vector<16xi32>
      %add3A_1029 = arith.addi %mul3A_16, %add3A_1028 : vector<16xi32>
      %gather3A_1030 = tpu.vector_load_idx %arg5[%add3A_1029] : memref<16384xf32, #tpu.memory_space<vmem>>[vector<16xi32>], vector<16xf32>,
      %sub3A_1031 = arith.subf %gather3A_1030, %select_n3A_589 : vector<16xf32>
      %exp3A_1032 = math.exp %sub3A_1031 : vector<16xf32>
      %add3A_1033 = arith.addf %add3A_1026, %exp3A_1032 : vector<16xf32>
      %add3A_1034 = arith.constant 63 : i32
      %add3A_1035 = vector.broadcast %add3A_1034 : i32 to vector<16xi32>
      %add3A_1036 = arith.addi %mul3A_16, %add3A_1035 : vector<16xi32>
      %gather3A_1037 = tpu.vector_load_idx %arg5[%add3A_1036] : memref<16384xf32, #tpu.memory_space<vmem>>[vector<16xi32>], vector<16xf32>,
      %sub3A_1038 = arith.subf %gather3A_1037, %select_n3A_589 : vector<16xf32>
      %exp3A_1039 = math.exp %sub3A_1038 : vector<16xf32>
      %add3A_1040 = arith.addf %add3A_1033, %exp3A_1039 : vector<16xf32>
      %div3A = arith.constant 1.000000e+00 : f32
      %div3A_1041 = vector.broadcast %div3A : f32 to vector<16xf32>
      %div3A_1042 = arith.divf %div3A_1041, %add3A_1040 : vector<16xf32>
      %mul3A_1043 = arith.constant 16 : i32
      %mul3A_1044 = arith.muli %scan3A_9, %mul3A_1043 : i32
      %swap3A = arith.index_cast %mul3A_1044 : i32 to index
      %swap3A_1045 = tpu.vector_load %arg6[%swap3A] {strides = array<i32>} : memref<256xf32, #tpu.memory_space<vmem>>, vector<16xf32>,
      tpu.vector_store %arg6[%swap3A], %div3A_1042 {strides = array<i32>} : memref<256xf32, #tpu.memory_space<vmem>>, vector<16xf32>,
      %mul3A_1046 = arith.constant 16 : i32
      %mul3A_1047 = arith.muli %scan3A_9, %mul3A_1046 : i32
      %swap3A_1048 = arith.index_cast %mul3A_1047 : i32 to index
      %swap3A_1049 = tpu.vector_load %arg7[%swap3A_1048] {strides = array<i32>} : memref<256xi32, #tpu.memory_space<vmem>>, vector<16xi32>,
      tpu.vector_store %arg7[%swap3A_1048], %select_n3A_592 {strides = array<i32>} : memref<256xi32, #tpu.memory_space<vmem>>, vector<16xi32>,
    }
    %scan3A_8 = arith.constant 16 : i32
    "tpu.region"() ({
      %run_scoped3A = tpu.sem_alloc : memref<!tpu.dma_semaphore, #tpu.memory_space<semaphore_mem>>
      %dma_start3A = tpu.memref_slice %arg3[%mul3A_2] : memref<8192xf32, #tpu.memory_space<hbm>> -> memref<256xf32, #tpu.memory_space<hbm>>
      %dma_start3A_9 = tpu.memref_slice %arg3[%mul3A_2] : memref<8192xf32, #tpu.memory_space<hbm>> -> memref<256xf32, #tpu.memory_space<hbm>>
      tpu.enqueue_dma source(%arg6 : memref<256xf32, #tpu.memory_space<vmem>>) target(%dma_start3A_9 : memref<256xf32, #tpu.memory_space<hbm>>) target_semaphore(%run_scoped3A : memref<!tpu.dma_semaphore, #tpu.memory_space<semaphore_mem>>)
      %dma_wait3A = tpu.memref_slice %arg3[%mul3A_2] : memref<8192xf32, #tpu.memory_space<hbm>> -> memref<256xf32, #tpu.memory_space<hbm>>
      %dma_wait3A_10 = tpu.memref_slice %arg3[%mul3A_2] : memref<8192xf32, #tpu.memory_space<hbm>> -> memref<256xf32, #tpu.memory_space<hbm>>
      tpu.wait_dma2 semaphore(%run_scoped3A : memref<!tpu.dma_semaphore, #tpu.memory_space<semaphore_mem>>) src(%arg6 : memref<256xf32, #tpu.memory_space<vmem>>) dst(%dma_wait3A_10 : memref<256xf32, #tpu.memory_space<hbm>>)
      tpu.yield
    }) : () -> ()
    "tpu.region"() ({
      %run_scoped3A = tpu.sem_alloc : memref<!tpu.dma_semaphore, #tpu.memory_space<semaphore_mem>>
      %dma_start3A = tpu.memref_slice %arg4[%mul3A_2] : memref<8192xi32, #tpu.memory_space<hbm>> -> memref<256xi32, #tpu.memory_space<hbm>>
      %dma_start3A_9 = tpu.memref_slice %arg4[%mul3A_2] : memref<8192xi32, #tpu.memory_space<hbm>> -> memref<256xi32, #tpu.memory_space<hbm>>
      tpu.enqueue_dma source(%arg7 : memref<256xi32, #tpu.memory_space<vmem>>) target(%dma_start3A_9 : memref<256xi32, #tpu.memory_space<hbm>>) target_semaphore(%run_scoped3A : memref<!tpu.dma_semaphore, #tpu.memory_space<semaphore_mem>>)
      %dma_wait3A = tpu.memref_slice %arg4[%mul3A_2] : memref<8192xi32, #tpu.memory_space<hbm>> -> memref<256xi32, #tpu.memory_space<hbm>>
      %dma_wait3A_10 = tpu.memref_slice %arg4[%mul3A_2] : memref<8192xi32, #tpu.memory_space<hbm>> -> memref<256xi32, #tpu.memory_space<hbm>>
      tpu.wait_dma2 semaphore(%run_scoped3A : memref<!tpu.dma_semaphore, #tpu.memory_space<semaphore_mem>>) src(%arg7 : memref<256xi32, #tpu.memory_space<vmem>>) dst(%dma_wait3A_10 : memref<256xi32, #tpu.memory_space<hbm>>)
      tpu.yield
    }) : () -> ()
    return
  }
}

module attributes {stable_mosaic.version = 14 : i64} {
  func.func @_logits_kernel(%arg0: i32, %arg1: memref<1024x4096xf32, #tpu.memory_space<vmem>>, %arg2: memref<4096x64xf32, #tpu.memory_space<vmem>>, %arg3: memref<1x64xf32, #tpu.memory_space<vmem>>, %arg4: memref<1024x64xf32, #tpu.memory_space<vmem>>) attributes {dimension_semantics = [#tpu.dimension_semantics<arbitrary>], iteration_bounds = array<i64: 8>, scalar_prefetch = 0 : i64, scratch_operands = 0 : i64, tpu.core_type = #tpu.core_type<tc>, window_params = [{transform_indices = @transform_0, window_bounds = array<i64: 1024, 4096>}, {pipeline_mode = #tpu.pipeline_mode<synchronous>, transform_indices = @transform_1, window_bounds = array<i64: 4096, 64>}, {pipeline_mode = #tpu.pipeline_mode<synchronous>, transform_indices = @transform_2, window_bounds = array<i64: 1, 64>}, {transform_indices = @transform_3, window_bounds = array<i64: 1024, 64>}]} {
    %get3A = arith.constant 0 : index
    %get3A_0 = arith.constant 0 : index
    %get3A_1 = vector.load %arg1[%get3A, %get3A_0] : memref<1024x4096xf32, #tpu.memory_space<vmem>>, vector<1024x4096xf32>
    %get3A_2 = arith.constant 0 : index
    %get3A_3 = arith.constant 0 : index
    %get3A_4 = vector.load %arg2[%get3A_2, %get3A_3] : memref<4096x64xf32, #tpu.memory_space<vmem>>, vector<4096x64xf32>
    %dot_general3A = arith.constant dense<0.000000e+00> : vector<1024x64xf32>
    %dot_general3A_5 = tpu.matmul %get3A_1, %get3A_4, %dot_general3A {dimension_numbers = #tpu.dot_dimension_numbers<[1], [0], [0], [1], [0, 0, 1, 1], [], []>, transpose_lhs_hint = false} : vector<1024x4096xf32>, vector<4096x64xf32>, vector<1024x64xf32> -> vector<1024x64xf32>
    %get3A_6 = arith.constant 0 : index
    %get3A_7 = arith.constant 0 : index
    %get3A_8 = vector.load %arg3[%get3A_6, %get3A_7] : memref<1x64xf32, #tpu.memory_space<vmem>>, vector<1x64xf32>
    %add3A = vector.broadcast %get3A_8 : vector<1x64xf32> to vector<1024x64xf32>
    %add3A_9 = arith.addf %dot_general3A_5, %add3A : vector<1024x64xf32>
    %swap3A = arith.constant 0 : index
    %swap3A_10 = arith.constant 0 : index
    %swap3A_11 = vector.load %arg4[%swap3A, %swap3A_10] : memref<1024x64xf32, #tpu.memory_space<vmem>>, vector<1024x64xf32>
    tpu.vector_store %arg4[%swap3A, %swap3A_10], %add3A_9 {strides = array<i32>} : memref<1024x64xf32, #tpu.memory_space<vmem>>, vector<1024x64xf32>,
    return
  }
  func.func @transform_0(%arg0: i32) -> (i32, i32) {
    %c0_i32 = arith.constant 0 : i32
    %c0_i32_0 = arith.constant 0 : i32
    return %arg0, %c0_i32 : i32, i32
  }
  func.func @transform_1(%arg0: i32) -> (i32, i32) {
    %c0_i32 = arith.constant 0 : i32
    %c0_i32_0 = arith.constant 0 : i32
    %c0_i32_1 = arith.constant 0 : i32
    return %c0_i32, %c0_i32_0 : i32, i32
  }
  func.func @transform_2(%arg0: i32) -> (i32, i32) {
    %c0_i32 = arith.constant 0 : i32
    %c0_i32_0 = arith.constant 0 : i32
    %c0_i32_1 = arith.constant 0 : i32
    return %c0_i32, %c0_i32_0 : i32, i32
  }
  func.func @transform_3(%arg0: i32) -> (i32, i32) {
    %c0_i32 = arith.constant 0 : i32
    %c0_i32_0 = arith.constant 0 : i32
    return %arg0, %c0_i32 : i32, i32
  }
}

module attributes {stable_mosaic.version = 14 : i64} {
  func.func @_assemble_kernel(%arg0: i32, %arg1: memref<1024x1xf32, #tpu.memory_space<vmem>>, %arg2: memref<1024x1xi32, #tpu.memory_space<vmem>>, %arg3: memref<8192x64xf32, #tpu.memory_space<vmem>>, %arg4: memref<1x64xf32, #tpu.memory_space<vmem>>) attributes {dimension_semantics = [#tpu.dimension_semantics<arbitrary>], iteration_bounds = array<i64: 8>, scalar_prefetch = 0 : i64, scratch_operands = 1 : i64, tpu.core_type = #tpu.core_type<tc>, window_params = [{transform_indices = @transform_0, window_bounds = array<i64: 1024, 1>}, {transform_indices = @transform_1, window_bounds = array<i64: 1024, 1>}, {pipeline_mode = #tpu.pipeline_mode<synchronous>, transform_indices = @transform_2, window_bounds = array<i64: 8192, 64>}]} {
    %iota3A = tpu.iota {dimensions = array<i32: 1>} : vector<1024x64xi32>
    %get3A = arith.constant 0 : index
    %get3A_0 = arith.constant 0 : index
    %get3A_1 = vector.load %arg2[%get3A, %get3A_0] : memref<1024x1xi32, #tpu.memory_space<vmem>>, vector<1024x1xi32>
    %eq3A = vector.broadcast %get3A_1 : vector<1024x1xi32> to vector<1024x64xi32>
    %eq3A_2 = arith.cmpi eq, %iota3A, %eq3A : vector<1024x64xi32>
    %get3A_3 = arith.constant 0 : index
    %get3A_4 = arith.constant 0 : index
    %get3A_5 = vector.load %arg1[%get3A_3, %get3A_4] : memref<1024x1xf32, #tpu.memory_space<vmem>>, vector<1024x1xf32>
    %jit3A = arith.constant 0.000000e+00 : f32
    %broadcast_in_dim3A = vector.shape_cast %get3A_5 : vector<1024x1xf32> to vector<1024x1xf32>
    %broadcast_in_dim3A_6 = vector.broadcast %broadcast_in_dim3A : vector<1024x1xf32> to vector<1024x64xf32>
    %broadcast_in_dim3A_7 = vector.broadcast %jit3A : f32 to vector<1024x64xf32>
    %select_n3A = arith.select %eq3A_2, %broadcast_in_dim3A_6, %broadcast_in_dim3A_7 : vector<1024x64xi1>, vector<1024x64xf32>
    %eq3A_8 = arith.constant 0 : i32
    %eq3A_9 = arith.cmpi eq, %arg0, %eq3A_8 : i32
    %convert_element_type3A = arith.extui %eq3A_9 : i1 to i32
    %cond3A = arith.constant 0 : i32
    %cond3A_10 = arith.cmpi ne, %convert_element_type3A, %cond3A : i32
    scf.if %cond3A_10 {
      %broadcast_in_dim3A_27 = arith.constant 0.000000e+00 : f32
      %broadcast_in_dim3A_28 = vector.broadcast %broadcast_in_dim3A_27 : f32 to vector<1x64xf32>
      %swap3A_29 = arith.constant 0 : index
      %swap3A_30 = arith.constant 0 : index
      %swap3A_31 = vector.load %arg4[%swap3A_29, %swap3A_30] : memref<1x64xf32, #tpu.memory_space<vmem>>, vector<1x64xf32>
      tpu.vector_store %arg4[%swap3A_29, %swap3A_30], %broadcast_in_dim3A_28 {strides = array<i32>} : memref<1x64xf32, #tpu.memory_space<vmem>>, vector<1x64xf32>,
    } else {
    }
    %get3A_11 = arith.constant 0 : index
    %get3A_12 = arith.constant 0 : index
    %get3A_13 = vector.load %arg4[%get3A_11, %get3A_12] : memref<1x64xf32, #tpu.memory_space<vmem>>, vector<1x64xf32>
    %reduce_sum3A = arith.constant dense<0.000000e+00> : vector<64xf32>
    %reduce_sum3A_14 = vector.multi_reduction <add>, %select_n3A, %reduce_sum3A [0] : vector<1024x64xf32> to vector<64xf32>
    %broadcast_in_dim3A_15 = vector.shape_cast %reduce_sum3A_14 : vector<64xf32> to vector<1x64xf32>
    %add3A = arith.addf %get3A_13, %broadcast_in_dim3A_15 : vector<1x64xf32>
    %swap3A = arith.constant 0 : index
    %swap3A_16 = arith.constant 0 : index
    %swap3A_17 = vector.load %arg4[%swap3A, %swap3A_16] : memref<1x64xf32, #tpu.memory_space<vmem>>, vector<1x64xf32>
    tpu.vector_store %arg4[%swap3A, %swap3A_16], %add3A {strides = array<i32>} : memref<1x64xf32, #tpu.memory_space<vmem>>, vector<1x64xf32>,
    %mul3A = arith.constant 1024 : i32
    %mul3A_18 = arith.muli %arg0, %mul3A : i32
    %swap3A_19 = arith.index_cast %mul3A_18 : i32 to index
    %swap3A_20 = arith.constant 0 : index
    %swap3A_21 = vector.load %arg3[%swap3A_19, %swap3A_20] : memref<8192x64xf32, #tpu.memory_space<vmem>>, vector<1024x64xf32>
    tpu.vector_store %arg3[%swap3A_19, %swap3A_20], %select_n3A {strides = array<i32>} : memref<8192x64xf32, #tpu.memory_space<vmem>>, vector<1024x64xf32>,
    %eq3A_22 = arith.constant 7 : i32
    %eq3A_23 = arith.cmpi eq, %arg0, %eq3A_22 : i32
    %convert_element_type3A_24 = arith.extui %eq3A_23 : i1 to i32
    %cond3A_25 = arith.constant 0 : i32
    %cond3A_26 = arith.cmpi ne, %convert_element_type3A_24, %cond3A_25 : i32
    scf.if %cond3A_26 {
      %get3A_27 = arith.constant 0 : index
      %get3A_28 = arith.constant 0 : index
      %get3A_29 = vector.load %arg4[%get3A_27, %get3A_28] : memref<1x64xf32, #tpu.memory_space<vmem>>, vector<1x64xf32>
      %add3A_30 = arith.constant 9.99999997E-7 : f32
      %add3A_31 = vector.broadcast %add3A_30 : f32 to vector<1x64xf32>
      %add3A_32 = arith.addf %get3A_29, %add3A_31 : vector<1x64xf32>
      %div3A = arith.constant 8.192000e+03 : f32
      %div3A_33 = vector.broadcast %div3A : f32 to vector<1x64xf32>
      %div3A_34 = arith.divf %div3A_33, %add3A_32 : vector<1x64xf32>
      %get3A_35 = arith.constant 0 : index
      %get3A_36 = arith.constant 0 : index
      %get3A_37 = vector.load %arg3[%get3A_35, %get3A_36] : memref<8192x64xf32, #tpu.memory_space<vmem>>, vector<8192x64xf32>
      %mul3A_38 = vector.broadcast %div3A_34 : vector<1x64xf32> to vector<8192x64xf32>
      %mul3A_39 = arith.mulf %get3A_37, %mul3A_38 : vector<8192x64xf32>
      %swap3A_40 = arith.constant 0 : index
      %swap3A_41 = arith.constant 0 : index
      %swap3A_42 = vector.load %arg3[%swap3A_40, %swap3A_41] : memref<8192x64xf32, #tpu.memory_space<vmem>>, vector<8192x64xf32>
      tpu.vector_store %arg3[%swap3A_40, %swap3A_41], %mul3A_39 {strides = array<i32>} : memref<8192x64xf32, #tpu.memory_space<vmem>>, vector<8192x64xf32>,
    } else {
    }
    return
  }
  func.func @transform_0(%arg0: i32) -> (i32, i32) {
    %c0_i32 = arith.constant 0 : i32
    %c0_i32_0 = arith.constant 0 : i32
    return %arg0, %c0_i32 : i32, i32
  }
  func.func @transform_1(%arg0: i32) -> (i32, i32) {
    %c0_i32 = arith.constant 0 : i32
    %c0_i32_0 = arith.constant 0 : i32
    return %arg0, %c0_i32 : i32, i32
  }
  func.func @transform_2(%arg0: i32) -> (i32, i32) {
    %c0_i32 = arith.constant 0 : i32
    %c0_i32_0 = arith.constant 0 : i32
    %c0_i32_1 = arith.constant 0 : i32
    return %c0_i32, %c0_i32_0 : i32, i32
  }
}

</mosaic_0001>

<sc_bundles>
// kernel: kernel.5.cloned.1.call-start
scs
__scs_entry_jumppad:
0x0: {  	(pc) =	sbr.rel $0x88, $3  }
0x1: {  	(tag) =	ssettag $0x0;
	lr =	simm.s32 $0x1  }
0x2: {  	[smem:$0x3F9E] =	sst lr;
	_ =	strace $0xD0000000  }
0x3: {  	_ = 	snop  }
0x4: {  	_ = 	snop  }
0x5: {  	_ = 	snop  }
0x6: {  	_ = 	snop  }
0x7: {  	_ = 	snop  }
__scs_overlays_trampoline_lowered:
0x8: {  	[smem:$0x3FAD] =	sst s0  }
0x9: {  	[smem:$0x3FAE] =	sst s1  }
0xa: {  	[smem:$0x3FAF] =	sst s2  }
0xb: {  	[smem:$0x3FB0] =	sst s3  }
0xc: {  	[smem:$0x3FB1] =	sst s4  }
0xd: {  	[smem:$0x3FB2] =	sst s5  }
0xe: {  	[smem:$0x3FB3] =	sst s6  }
0xf: {  	[smem:$0x3FB4] =	sst s7  }
0x10: {  	[smem:$0x3FB5] =	sst s8  }
0x11: {  	[smem:$0x3FB6] =	sst s9;
	s0 =	simm.s32 @!p0 $0x0  }
0x12: {  	s1 =	sld [smem:$0x3F9C];
	s0 =	simm.s32 @p0 $0x1  }
0x13: {  	[smem:$0x3FB7] =	sst s0;
	s0 =	simm.s32 @!p1 $0x0  }
0x14: {  	s2 =	sld [smem:$0x3F9B];
	s0 =	simm.s32 @p1 $0x1  }
0x15: {  	[smem:$0x3FB8] =	sst s0;
	s0 =	simm.s32 @!p2 $0x0  }
0x16: {  	s3 =	sld [smem:$0x3FDB];
	s0 =	simm.s32 @p2 $0x1  }
0x17: {  	s4 =	simm.s32 $0x1BF5;
	[smem:$0x3FBA] =	sst s0  }
0x18: {  	s0 =	sld [smem:$0x3F9D];
	_ =	swait.ge [sflag:s4], $0x0  }
0x19: {  	s7 =	sld [smem:$0x3F9E]  }
0x1a: {  	s8 =	sadd.s32 $0xFFFFE003, lr  }
0x1b: {  	s9 =	sadd.s32 $0xFFFFFEF7, lr;
	s5 =	simm.s32 $0xFFFFFFFF;
	p2 =	slt.u32 s8, $0xFFFFF086  }
0x1c: {  	p1 =	slt.u32 s9, $0xF7A;
	s5 =	simm.s32 @!p2 $0x0  }
0x1d: {  	s5 =	simm.s32 @p1 $0x1;
	p0 =	seq.s32 s7, s2  }
0x1e: {  	s7 =	smul.u32 @!p0 $0xF7A, s2;
	p2 =	seq.s32 @!p0 s5, $0x0  }
0x1f: {  	s9 =	smul.u32 $0xF7A, s1;
	s8 =	simm.s32 @!p0 $0x1BF5;
	p2 =	por !p2, p0  }
0x20: {  	[sflag:s8] =	ssyncset.s32 @!p0 $0xFFFFF086;
	s6 =	sadd.s32 @!p0 s3, s7;
	s7 =	simm.s32 @!p0 $0x108  }
0x21: {  	s3 =	sadd.s32 s3, s9;
	s6 =	sadd.s32 @!p0 $0x88, s6;
	s7 =	simm.s32 @p2 $0x1082  }
0x22: {  	[simem:s7], [sflag:s8] =	dma.local @!p0 [hbm:s6], $0xF7A  }
0x23: {  	s9 =	sor.u32 $0xD0000000, s2;
	s6 =	simm.s32 $0x108;
	_ =	swait.ge @!p0 [sflag:s8], $0x0  }
0x24: {  	s3 =	sadd.s32 $0x88, s3;
	s6 =	simm.s32 @!p1 $0x1082;
	[sflag:s4] =	ssyncset.s32 $0xFFFFF086  }
0x25: {  	[simem:s6], [sflag:s4] =	dma.local [hbm:s3], $0xF7A  }
0x26: {  	[smem:$0x3F9E] =	sst s1;
	(tag) =	ssettag s2;
	_ =	strace s9  }
0x27: {  	s1 =	sld [smem:$0x3FAE]  }
0x28: {  	s2 =	sld [smem:$0x3FAF]  }
0x29: {  	s4 =	sld [smem:$0x3FB1]  }
0x2a: {  	p0 =	seq.s32 s5, $0x0;
	s5 =	sld [smem:$0x3FB2]  }
0x2b: {  	s6 =	sld [smem:$0x3FB3]  }
0x2c: {  	s7 =	sld [smem:$0x3FB4]  }
0x2d: {  	s3 =	simm.s32 $0x108;
	s8 =	sld [smem:$0x3FB5]  }
0x2e: {  	s3 =	simm.s32 @!p0 $0x1082;
	s9 =	sld [smem:$0x3FB6]  }
0x2f: {  	lr =	sadd.s32 s0, s3;
	s0 =	sld [smem:$0x3FAD]  }
0x30: {  	s3 =	sld [smem:$0x3FB0]  }
0x31: {  	[smem:$0x3FB9] =	sst s10  }
0x32: {  	s10 =	sld [smem:$0x3FB7];
	_ =	sdelay $0x3  }
0x33: {  	p0 =	seq.s32 s10, $0x1;
	s10 =	sld [smem:$0x3FB9];
	_ =	sdelay $0x3  }
0x34: {  	[smem:$0x3FB9] =	sst s10  }
0x35: {  	s10 =	sld [smem:$0x3FB8];
	_ =	sdelay $0x3  }
0x36: {  	p1 =	seq.s32 s10, $0x1;
	s10 =	sld [smem:$0x3FB9];
	_ =	sdelay $0x3  }
0x37: {  	[smem:$0x3FB9] =	sst s10  }
0x38: {  	s10 =	sld [smem:$0x3FBA]  }
0x39: {  	_ = 	snop;
	(pc) =	sbr.ind lr, $3  }
0x3a: {  	_ = 	snop  }
0x3b: {  	_ = 	snop  }
0x3c: {  	p2 =	seq.s32 s10, $0x1;
	s10 =	sld [smem:$0x3FB9]  }
0x3d: {  	_ =	shalt  }
0x3e: {  	_ =	shalt  }
0x3f: {  	_ =	shalt  }
0x40: {  	_ =	shalt  }
0x41: {  	_ =	shalt  }
0x42: {  	_ =	shalt  }
0x43: {  	_ =	shalt  }
0x44: {  	_ =	shalt  }
0x45: {  	_ =	shalt  }
0x46: {  	_ =	shalt  }
0x47: {  	_ =	shalt  }
0x48: {  	_ =	shalt  }
0x49: {  	_ =	shalt  }
0x4a: {  	_ =	shalt  }
0x4b: {  	_ =	shalt  }
0x4c: {  	_ =	shalt  }
0x4d: {  	_ =	shalt  }
0x4e: {  	_ =	shalt  }
0x4f: {  	_ =	shalt  }
0x50: {  	_ =	shalt  }
0x51: {  	_ =	shalt  }
0x52: {  	_ =	shalt  }
0x53: {  	_ =	shalt  }
0x54: {  	_ =	shalt  }
0x55: {  	_ =	shalt  }
0x56: {  	_ =	shalt  }
0x57: {  	_ =	shalt  }
0x58: {  	_ =	shalt  }
0x59: {  	_ =	shalt  }
0x5a: {  	_ =	shalt  }
0x5b: {  	_ =	shalt  }
0x5c: {  	_ =	shalt  }
0x5d: {  	_ =	shalt  }
0x5e: {  	_ =	shalt  }
0x5f: {  	_ =	shalt  }
0x60: {  	_ =	shalt  }
0x61: {  	_ =	shalt  }
0x62: {  	_ =	shalt  }
0x63: {  	_ =	shalt  }
0x64: {  	_ =	shalt  }
0x65: {  	_ =	shalt  }
0x66: {  	_ =	shalt  }
0x67: {  	_ =	shalt  }
0x68: {  	_ =	shalt  }
0x69: {  	_ =	shalt  }
0x6a: {  	_ =	shalt  }
0x6b: {  	_ =	shalt  }
0x6c: {  	_ =	shalt  }
0x6d: {  	_ =	shalt  }
0x6e: {  	_ =	shalt  }
0x6f: {  	_ =	shalt  }
0x70: {  	_ =	shalt  }
0x71: {  	_ =	shalt  }
0x72: {  	_ =	shalt  }
0x73: {  	_ =	shalt  }
0x74: {  	_ =	shalt  }
0x75: {  	_ =	shalt  }
0x76: {  	_ =	shalt  }
0x77: {  	_ =	shalt  }
0x78: {  	_ =	shalt  }
0x79: {  	_ =	shalt  }
0x7a: {  	_ =	shalt  }
0x7b: {  	_ =	shalt  }
0x7c: {  	_ =	shalt  }
0x7d: {  	_ =	shalt  }
0x7e: {  	_ =	shalt  }
0x7f: {  	_ =	shalt  }
0x80: {  	_ =	shalt  }
0x81: {  	_ =	shalt  }
0x82: {  	_ =	shalt  }
0x83: {  	_ =	shalt  }
0x84: {  	_ =	shalt  }
0x85: {  	_ =	shalt  }
0x86: {  	_ =	shalt  }
0x87: {  	_ =	shalt  }
.Lfunc_end0:
.L_simem_size_0:
called_computation_lowered:
.L_overlay_start_0:
0x88: {  	s2 =	sld [smem:$0x3FD9]  }
0x89: {  	s3 =	sld [smem:$0x3FFE];
	_ =	sdelay $0x1  }
0x8a: {  	s1 =	srdreg.scid  }
0x8b: {  	s0 =	sand.u32 $0x1, s1  }
0x8c: {  	s17 =	sshll.u32 s0, $0xA;
	s2 =	sadd.s32 s3, s2  }
0x8d: {  	s2 =	sadd.s32 s2, s17  }
0x8e: {  	[smem:$0x3FC5] =	sst s2  }
0x8f: {  	_ = 	snop  }
0x90: {  	s2 =	sld [smem:$0x3FD0];
	(tm) =	ssettm $0x1  }
0x91: {  	s18 =	sld [smem:$0x3FFB];
	_ =	sdelay $0x3  }
0x92: {  	_ =	strace s18  }
0x93: {  	s3 =	sld [smem:$0x3FFC];
	_ =	sdelay $0x3  }
0x94: {  	_ =	strace s3  }
0x95: {  	s3 =	sld [smem:$0x3FFD];
	_ =	sdelay $0x3  }
0x96: {  	_ =	strace s3  }
0x97: {  	_ =	strace $0x8FFFFFFF  }
0x98: {  	s19 =	sld [smem:$0x3FDB];
	_ =	sdelay $0x1  }
0x99: {  	s4 =	simm.s32 $_scs_section_size  }
0x9a: {  	s5 =	simm.s32 $_size__tile_overlayer_lowered;
	s6 =	simm.s32 $_tile_overlayer_lowered  }
0x9b: {  	s22 =	simm.s32 $0x1BFF;
	s21 =	sshll.u32 s6, $0x1;
	s3 =	sadd.s32 s4, s19  }
0x9c: {  	s7 =	simm.s32 $0x0;
	s20 =	sshll.u32 s5, $0x1;
	s5 =	sadd.s32 s21, s3  }
0x9d: {  	[timem:s7], [sflag:s22] =	dma.local [hbm:s5], s20  }
0x9e: {  	_ =	swait.ge [sflag:s22], s20  }
0x9f: {  	s4 =	ssub.s32 $0x0, s20;
	[sflag:s22] =	ssyncset.done $0x0  }
0xa0: {  	[sflag:s22] =	ssyncadd.s32 s4;
	_ =	sdelay $0x1  }
0xa1: {  	s23 =	simm.s32 $0x1B8B  }
0xa2: {  	_ =	swait.ge [sflag:s23], $0x1  }
0xa3: {  	[sflag:s23] =	ssyncset.done $0x0  }
0xa4: {  	s25 =	simm.s32 $0x1B8E;
	s24 =	sld [smem:$0x3FFE];
	[sflag:s23] =	ssyncadd.s32 $0xFFFFFFFF  }
0xa5: {  	s26 =	simm.s32 $execute0_lowered;
	[smem:$0x3FD2] =	sst s25  }
0xa6: {  	s5 =	sshll.u32 s26, $0x1;
	_ =	strace $0x80000046;
	[dreg:$0x1] =	wrdreg $0xFFFFFFFF  }
0xa7: {  	s28 =	simm.s32 $_size_execute0_lowered;
	s3 =	sadd.s32 s3, s5;
	[dreg:$0x0] =	wrdreg $0x0  }
0xa8: {  	s5 =	sshll.u32 s28, $0x1;
	[dreg:$0x2] =	wrdreg s3  }
0xa9: {  	[dreg:$0x3] =	wrdreg s5  }
0xaa: {  	[dreg:$0x4] =	wrdreg $0xC0  }
0xab: {  	_ =	task [dreg:s7], $0x5FFFF  }
0xac: {  	[dreg:$0x1] =	wrdreg $0xFFFFFFFF  }
0xad: {  	[dreg:$0x0] =	wrdreg $0x60  }
0xae: {  	[dreg:$0x2] =	wrdreg s2  }
0xaf: {  	[dreg:$0x3] =	wrdreg s24  }
0xb0: {  	[dreg:$0x4] =	wrdreg $0x9  }
0xb1: {  	_ =	task.clear_ibuf [dreg:s7], $0x5FFFF;
	_ =	strace $0x90000046  }
0xb2: {  	s29 =	simm.s32 $0x9;
	_ =	strace $0x80000048  }
0xb3: {  	_ =	swait.ge [sflag:s29], $0x1  }
0xb4: {  	[sflag:s29] =	ssyncadd.s32 $0xFFFFFFFF  }
0xb5: {  	_ =	strace $0x90000048  }
0xb6: {  	_ =	sfence  }
0xb7: {  	s30 =	sld [smem:$0x0];
	_ =	sdelay $0x2  }
0xb8: {  	s31 =	sshll.u32 s1, $0xD;
	s1 =	sshrl.u32 s1, $0x2  }
0xb9: {  	s3 =	sand.u32 $0x4000, s31;
	s1 =	sadd.s32 s1, s30  }
0xba: {  	s0 =	sor.u32 s3, s0;
	s1 =	sshll.u32 s1, $0x11  }
0xbb: {  	s0 =	sor.u32 s1, s0  }
0xbc: {  	s0 =	sadd.s32 $0x8F2B, s0  }
0xbd: {  	[sflag:s0] =	ssyncadd.remote.s32 $0x1  }
0xbe: {  	_ =	sfence.sel $0xFFFF  }
0xbf: {  	[dreg:$0x0] =	wrdreg $0xFFFFFFFF;
	(pc) =	sbr.abs _section_cstart, $3  }
0xc0: {  	[dreg:$0x1] =	wrdreg $0xFFFFFFFF  }
0xc1: {  	_ =	task.clear_ibuf [dreg:s7], $0x2FFFF;
	_ =	strace $0x9FFFFFFF  }
0xc2: {  	(tm) =	ssettm $0x7FFFFFFF  }
0xc3: {  	_ =	shalt  }
tec
execute0_lowered:
.L_overlay_start_1:
0x0: {  	(tag) =	ssettag $0x1  }
0x1: {  	s3 =	rddreg [dreg:$0x0]  }
0x2: {  	s4 =	rddreg [dreg:$0x1]  }
0x3: {  	s0 =	rddreg [dreg:$0x2];
	s5 =	srdreg.scid  }
0x4: {  	s1 =	stileid.u32;
	s2 =	simm.s32 $0x0;
	s9 =	simm.s32 $0x4100  }
0x5: {  	s10 =	simm.s32 $0x0;
	s5 =	sand.u32 $0x1, s5;
	s6 =	sshll.u32 s1, $0x1  }
0x6: {  	[smem:$0x7FF] =	sst s2;
	s6 =	sor.u32 s5, s6;
	s5 =	ssub.s32 $0x2, s5  }
0x7: {  	v0 =	vlaneseq.u32;
	_ =	strace $0x80000047;
	s7 =	sshll.u32 s6, $0x5;
	s31 =	sshrl.u32 s5, $0x1  }
0x8: {  	v1 =	vmul.u32 $0x40, v0;
	s6 =	sshll.u32 s6, $0xB;
	s7 =	sadd.s32 s7, s4;
	s8 =	ssub.s32 s5, s31  }
0x9: {  	s3 =	sadd.s32 s3, s6;
	s4 =	sadd.s32 $0x1000, s7;
	s5 =	sadd.s32 $0xC00, s7  }
0xa: {  	[tilespmem:$0x1FFF0] =	vst v1;
	s6 =	smax.u32 s8, $0x1;
	s7 =	simm.s32 $0x1;
	s8 =	simm.s32 $0x4000  }
.LBB2_1:
0xb: {  	v0 =	vmov s2  }
0xc: {  	v0 =	vshll.u32 v0, $0x6  }
0xd: {  	v3 =	vor.u32 v1, v0  }
0xe: {  	[tilespmem:s2], [sflag:$0x1] =	stream.linear.gather [hbm4b:s3+s2], $0x4000, $0x38;
	[tilespmem:$0x4200] =	vst v63  }
0xf: {  	_ =	swait.ge [sflag:s7], $0x4000;
	v0 =	vor.u32 $0x1, v3  }
0x10: {  	[sflag:s7] =	ssyncset.done $0x0  }
0x11: {  	[sflag:s7] =	ssyncadd.s32 $0xFFFFC000;
	v1 =	vor.u32 $0x2, v3  }
0x12: {  	v55 =	vld.idx.msk [tilespmem:v3+s2+$0x0], $0xffff  }
0x13: {  	v2 =	vor.u32 $0x3, v3  }
0x14: {  	v59 =	vld.idx.msk [tilespmem:v0+s2+$0x0], $0xffff  }
0x15: {  	v0 =	vor.u32 $0x4, v3  }
0x16: {  	v56 =	vld.idx.msk [tilespmem:v1+s2+$0x0], $0xffff  }
0x17: {  	v1 =	vor.u32 $0x5, v3;
	vm0 =	vgt.f32 v55, $-Inf  }
0x18: {  	v57 =	vld.idx.msk [tilespmem:v2+s2+$0x0], $0xffff;
	v2 =	vnsel vm0, $0xFF800000, v55  }
0x19: {  	v4 =	vor.u32 $0x6, v3;
	vm0 =	vgt.f32 v59, v2  }
0x1a: {  	v60 =	vld.idx.msk [tilespmem:v0+s2+$0x0], $0xffff;
	v0 =	vsel vm0, v59, v2  }
0x1b: {  	v2 =	vor.u32 $0x7, v3;
	vm1 =	vgt.f32 v56, v0  }
0x1c: {  	v63 =	vld.idx.msk [tilespmem:v1+s2+$0x0], $0xffff;
	v1 =	vsel vm1, v56, v0  }
0x1d: {  	v5 =	vor.u32 $0x8, v3;
	vm2 =	vgt.f32 v57, v1  }
0x1e: {  	v9 =	vld.idx.msk [tilespmem:v4+s2+$0x0], $0xffff;
	v1 =	vsel vm2, v57, v1  }
0x1f: {  	v4 =	vor.u32 $0x9, v3;
	vm6 =	vgt.f32 v60, v1  }
0x20: {  	v61 =	vld.idx.msk [tilespmem:v2+s2+$0x0], $0xffff;
	v1 =	vsel vm6, v60, v1  }
0x21: {  	v2 =	vor.u32 $0xA, v3;
	vm9 =	vgt.f32 v63, v1  }
0x22: {  	v62 =	vld.idx.msk [tilespmem:v5+s2+$0x0], $0xffff;
	v1 =	vsel vm9, v63, v1  }
0x23: {  	v5 =	vor.u32 $0xB, v3;
	vm12 =	vgt.f32 v9, v1  }
0x24: {  	v58 =	vld.idx.msk [tilespmem:v4+s2+$0x0], $0xffff;
	v1 =	vsel vm12, v9, v1  }
0x25: {  	v4 =	vor.u32 $0xC, v3;
	vm10 =	vgt.f32 v61, v1  }
0x26: {  	v54 =	vld.idx.msk [tilespmem:v2+s2+$0x0], $0xffff;
	v1 =	vsel vm10, v61, v1  }
0x27: {  	v2 =	vor.u32 $0xD, v3;
	vm7 =	vgt.f32 v62, v1  }
0x28: {  	v53 =	vld.idx.msk [tilespmem:v5+s2+$0x0], $0xffff;
	v1 =	vsel vm7, v62, v1  }
0x29: {  	v5 =	vor.u32 $0xE, v3;
	vm8 =	vgt.f32 v58, v1  }
0x2a: {  	v52 =	vld.idx.msk [tilespmem:v4+s2+$0x0], $0xffff;
	v1 =	vsel vm8, v58, v1  }
0x2b: {  	v4 =	vor.u32 $0xF, v3;
	vm13 =	vgt.f32 v54, v1  }
0x2c: {  	v51 =	vld.idx.msk [tilespmem:v2+s2+$0x0], $0xffff;
	v1 =	vsel vm13, v54, v1  }
0x2d: {  	v2 =	vor.u32 $0x10, v3;
	vm15 =	vgt.f32 v53, v1  }
0x2e: {  	v49 =	vld.idx.msk [tilespmem:v5+s2+$0x0], $0xffff;
	v1 =	vsel vm15, v53, v1  }
0x2f: {  	v0 =	vimm.s32 $0x0;
	v5 =	vor.u32 $0x11, v3;
	vm3 =	vgt.f32 v52, v1  }
0x30: {  	v50 =	vld.idx.msk [tilespmem:v4+s2+$0x0], $0xffff;
	v0 =	vsel vm3, $0xFFFFFFFF, v0;
	v1 =	vsel vm3, v52, v1  }
0x31: {  	v4 =	vor.u32 $0x12, v3;
	[tilespmem:$0x1FCB0] =	vst v0;
	vm3 =	vgt.f32 v51, v1;
	v0 =	vimm.s32 $0x0  }
0x32: {  	v48 =	vld.idx.msk [tilespmem:v2+s2+$0x0], $0xffff;
	v0 =	vsel vm3, $0xFFFFFFFF, v0;
	v1 =	vsel vm3, v51, v1  }
0x33: {  	v2 =	vor.u32 $0x13, v3;
	[tilespmem:$0x1FCC0] =	vst v0;
	vm3 =	vgt.f32 v49, v1;
	v0 =	vimm.s32 $0x0  }
0x34: {  	v47 =	vld.idx.msk [tilespmem:v5+s2+$0x0], $0xffff;
	v0 =	vsel vm3, $0xFFFFFFFF, v0;
	v1 =	vsel vm3, v49, v1  }
0x35: {  	v5 =	vor.u32 $0x14, v3;
	[tilespmem:$0x1FCD0] =	vst v0;
	vm3 =	vgt.f32 v50, v1;
	v0 =	vimm.s32 $0x0  }
0x36: {  	v46 =	vld.idx.msk [tilespmem:v4+s2+$0x0], $0xffff;
	v0 =	vsel vm3, $0xFFFFFFFF, v0;
	v1 =	vsel vm3, v50, v1  }
0x37: {  	v4 =	vor.u32 $0x15, v3;
	[tilespmem:$0x1FCE0] =	vst v0;
	vm3 =	vgt.f32 v48, v1;
	v0 =	vimm.s32 $0x0  }
0x38: {  	v44 =	vld.idx.msk [tilespmem:v2+s2+$0x0], $0xffff;
	v0 =	vsel vm3, $0xFFFFFFFF, v0;
	v1 =	vsel vm3, v48, v1  }
0x39: {  	v2 =	vor.u32 $0x16, v3;
	[tilespmem:$0x1FCF0] =	vst v0;
	vm3 =	vgt.f32 v47, v1;
	v0 =	vimm.s32 $0x0  }
0x3a: {  	v45 =	vld.idx.msk [tilespmem:v5+s2+$0x0], $0xffff;
	v0 =	vsel vm3, $0xFFFFFFFF, v0;
	v1 =	vsel vm3, v47, v1  }
0x3b: {  	v5 =	vor.u32 $0x17, v3;
	[tilespmem:$0x1FD00] =	vst v0;
	vm3 =	vgt.f32 v46, v1;
	v0 =	vimm.s32 $0x0  }
0x3c: {  	v42 =	vld.idx.msk [tilespmem:v4+s2+$0x0], $0xffff;
	v0 =	vsel vm3, $0xFFFFFFFF, v0;
	v1 =	vsel vm3, v46, v1  }
0x3d: {  	v4 =	vor.u32 $0x18, v3;
	[tilespmem:$0x1FD10] =	vst v0;
	vm3 =	vgt.f32 v44, v1;
	v0 =	vimm.s32 $0x0  }
0x3e: {  	v43 =	vld.idx.msk [tilespmem:v2+s2+$0x0], $0xffff;
	v0 =	vsel vm3, $0xFFFFFFFF, v0;
	v1 =	vsel vm3, v44, v1  }
0x3f: {  	v2 =	vor.u32 $0x19, v3;
	[tilespmem:$0x1FD20] =	vst v0;
	vm3 =	vgt.f32 v45, v1;
	v0 =	vimm.s32 $0x0  }
0x40: {  	v40 =	vld.idx.msk [tilespmem:v5+s2+$0x0], $0xffff;
	v0 =	vsel vm3, $0xFFFFFFFF, v0;
	v1 =	vsel vm3, v45, v1  }
0x41: {  	v5 =	vor.u32 $0x1A, v3;
	[tilespmem:$0x1FD30] =	vst v0;
	vm3 =	vgt.f32 v42, v1;
	v0 =	vimm.s32 $0x0  }
0x42: {  	v41 =	vld.idx.msk [tilespmem:v4+s2+$0x0], $0xffff;
	v0 =	vsel vm3, $0xFFFFFFFF, v0;
	v1 =	vsel vm3, v42, v1  }
0x43: {  	v4 =	vor.u32 $0x1B, v3;
	[tilespmem:$0x1FD40] =	vst v0;
	vm3 =	vgt.f32 v43, v1;
	v0 =	vimm.s32 $0x0  }
0x44: {  	v39 =	vld.idx.msk [tilespmem:v2+s2+$0x0], $0xffff;
	v0 =	vsel vm3, $0xFFFFFFFF, v0;
	v2 =	vsel vm3, v43, v1  }
0x45: {  	v6 =	vor.u32 $0x1C, v3;
	[tilespmem:$0x1FD50] =	vst v0;
	vm3 =	vgt.f32 v40, v2;
	v0 =	vimm.s32 $0x0  }
0x46: {  	v10 =	vld.idx.msk [tilespmem:v5+s2+$0x0], $0xffff;
	v0 =	vsel vm3, $0xFFFFFFFF, v0;
	v2 =	vsel vm3, v40, v2  }
0x47: {  	v5 =	vor.u32 $0x1D, v3;
	[tilespmem:$0x1FD60] =	vst v0;
	vm3 =	vgt.f32 v41, v2;
	v0 =	vimm.s32 $0x0  }
0x48: {  	v38 =	vld.idx.msk [tilespmem:v4+s2+$0x0], $0xffff;
	v0 =	vsel vm3, $0xFFFFFFFF, v0;
	v4 =	vsel vm3, v41, v2  }
0x49: {  	v7 =	vor.u32 $0x1E, v3;
	[tilespmem:$0x1FD70] =	vst v0;
	vm3 =	vgt.f32 v39, v4;
	v0 =	vimm.s32 $0x0  }
0x4a: {  	v11 =	vld.idx.msk [tilespmem:v6+s2+$0x0], $0xffff;
	v0 =	vsel vm3, $0xFFFFFFFF, v0;
	v4 =	vsel vm3, v39, v4  }
0x4b: {  	v6 =	vor.u32 $0x1F, v3;
	[tilespmem:$0x1FD80] =	vst v0;
	vm3 =	vgt.f32 v10, v4;
	v0 =	vimm.s32 $0x0  }
0x4c: {  	v37 =	vld.idx.msk [tilespmem:v5+s2+$0x0], $0xffff;
	v0 =	vsel vm3, $0xFFFFFFFF, v0;
	v4 =	vsel vm3, v10, v4  }
0x4d: {  	v5 =	vor.u32 $0x20, v3;
	[tilespmem:$0x1FD90] =	vst v0;
	vm3 =	vgt.f32 v38, v4;
	v0 =	vimm.s32 $0x0  }
0x4e: {  	v36 =	vld.idx.msk [tilespmem:v7+s2+$0x0], $0xffff;
	v0 =	vsel vm3, $0xFFFFFFFF, v0;
	v4 =	vsel vm3, v38, v4  }
0x4f: {  	v7 =	vor.u32 $0x21, v3;
	[tilespmem:$0x1FDA0] =	vst v0;
	vm3 =	vgt.f32 v11, v4;
	v0 =	vimm.s32 $0x0  }
0x50: {  	v35 =	vld.idx.msk [tilespmem:v6+s2+$0x0], $0xffff;
	v0 =	vsel vm3, $0xFFFFFFFF, v0;
	v4 =	vsel vm3, v11, v4  }
0x51: {  	v6 =	vor.u32 $0x22, v3;
	[tilespmem:$0x1FDB0] =	vst v0;
	vm3 =	vgt.f32 v37, v4;
	v0 =	vimm.s32 $0x0  }
0x52: {  	v34 =	vld.idx.msk [tilespmem:v5+s2+$0x0], $0xffff;
	v0 =	vsel vm3, $0xFFFFFFFF, v0;
	v4 =	vsel vm3, v37, v4  }
0x53: {  	v5 =	vor.u32 $0x23, v3;
	[tilespmem:$0x1FDC0] =	vst v0;
	vm3 =	vgt.f32 v36, v4;
	v0 =	vimm.s32 $0x0  }
0x54: {  	v33 =	vld.idx.msk [tilespmem:v7+s2+$0x0], $0xffff;
	v0 =	vsel vm3, $0xFFFFFFFF, v0;
	v4 =	vsel vm3, v36, v4  }
0x55: {  	v7 =	vor.u32 $0x24, v3;
	[tilespmem:$0x1FDD0] =	vst v0;
	vm3 =	vgt.f32 v35, v4;
	v0 =	vimm.s32 $0x0  }
0x56: {  	v32 =	vld.idx.msk [tilespmem:v6+s2+$0x0], $0xffff;
	v0 =	vsel vm3, $0xFFFFFFFF, v0;
	v4 =	vsel vm3, v35, v4  }
0x57: {  	v6 =	vor.u32 $0x25, v3;
	[tilespmem:$0x1FDE0] =	vst v0;
	vm3 =	vgt.f32 v34, v4;
	v0 =	vimm.s32 $0x0  }
0x58: {  	v31 =	vld.idx.msk [tilespmem:v5+s2+$0x0], $0xffff;
	v0 =	vsel vm3, $0xFFFFFFFF, v0;
	v4 =	vsel vm3, v34, v4  }
0x59: {  	v5 =	vor.u32 $0x26, v3;
	[tilespmem:$0x1FE00] =	vst v0;
	vm3 =	vgt.f32 v33, v4;
	v0 =	vimm.s32 $0x0  }
0x5a: {  	v30 =	vld.idx.msk [tilespmem:v7+s2+$0x0], $0xffff;
	v0 =	vsel vm3, $0xFFFFFFFF, v0;
	v4 =	vsel vm3, v33, v4  }
0x5b: {  	v7 =	vor.u32 $0x27, v3;
	[tilespmem:$0x1FE10] =	vst v0;
	vm3 =	vgt.f32 v32, v4;
	v0 =	vimm.s32 $0x0  }
0x5c: {  	v29 =	vld.idx.msk [tilespmem:v6+s2+$0x0], $0xffff;
	v0 =	vsel vm3, $0xFFFFFFFF, v0;
	v4 =	vsel vm3, v32, v4  }
0x5d: {  	v6 =	vor.u32 $0x28, v3;
	[tilespmem:$0x1FE30] =	vst v0;
	vm3 =	vgt.f32 v31, v4;
	v0 =	vimm.s32 $0x0  }
0x5e: {  	v28 =	vld.idx.msk [tilespmem:v5+s2+$0x0], $0xffff;
	v0 =	vsel vm3, $0xFFFFFFFF, v0;
	v4 =	vsel vm3, v31, v4  }
0x5f: {  	v5 =	vor.u32 $0x29, v3;
	[tilespmem:$0x1FE40] =	vst v0;
	vm3 =	vgt.f32 v30, v4;
	v0 =	vimm.s32 $0x0  }
0x60: {  	v27 =	vld.idx.msk [tilespmem:v7+s2+$0x0], $0xffff;
	v0 =	vsel vm3, $0xFFFFFFFF, v0;
	v4 =	vsel vm3, v30, v4  }
0x61: {  	v7 =	vor.u32 $0x2A, v3;
	[tilespmem:$0x1FE60] =	vst v0;
	vm3 =	vgt.f32 v29, v4;
	v0 =	vimm.s32 $0x0  }
0x62: {  	v26 =	vld.idx.msk [tilespmem:v6+s2+$0x0], $0xffff;
	v0 =	vsel vm3, $0xFFFFFFFF, v0;
	v4 =	vsel vm3, v29, v4  }
0x63: {  	v6 =	vor.u32 $0x2B, v3;
	[tilespmem:$0x1FE80] =	vst v0;
	vm3 =	vgt.f32 v28, v4;
	v0 =	vimm.s32 $0x0  }
0x64: {  	v25 =	vld.idx.msk [tilespmem:v5+s2+$0x0], $0xffff;
	v0 =	vsel vm3, $0xFFFFFFFF, v0;
	v4 =	vsel vm3, v28, v4  }
0x65: {  	v5 =	vor.u32 $0x2C, v3;
	[tilespmem:$0x1FE90] =	vst v0;
	vm3 =	vgt.f32 v27, v4;
	v0 =	vimm.s32 $0x0  }
0x66: {  	v24 =	vld.idx.msk [tilespmem:v7+s2+$0x0], $0xffff;
	v0 =	vsel vm3, $0xFFFFFFFF, v0;
	v4 =	vsel vm3, v27, v4  }
0x67: {  	v7 =	vor.u32 $0x2D, v3;
	[tilespmem:$0x1FEA0] =	vst v0;
	vm3 =	vgt.f32 v26, v4;
	v0 =	vimm.s32 $0x0  }
0x68: {  	v22 =	vld.idx.msk [tilespmem:v6+s2+$0x0], $0xffff;
	v0 =	vsel vm3, $0xFFFFFFFF, v0;
	v4 =	vsel vm3, v26, v4  }
0x69: {  	v6 =	vor.u32 $0x2E, v3;
	[tilespmem:$0x1FEB0] =	vst v0;
	vm3 =	vgt.f32 v25, v4;
	v0 =	vimm.s32 $0x0  }
0x6a: {  	v23 =	vld.idx.msk [tilespmem:v5+s2+$0x0], $0xffff;
	v0 =	vsel vm3, $0xFFFFFFFF, v0;
	v4 =	vsel vm3, v25, v4  }
0x6b: {  	v5 =	vor.u32 $0x2F, v3;
	[tilespmem:$0x1FED0] =	vst v0;
	vm3 =	vgt.f32 v24, v4;
	v0 =	vimm.s32 $0x0  }
0x6c: {  	v21 =	vld.idx.msk [tilespmem:v7+s2+$0x0], $0xffff;
	v0 =	vsel vm3, $0xFFFFFFFF, v0;
	v4 =	vsel vm3, v24, v4  }
0x6d: {  	v7 =	vor.u32 $0x30, v3;
	[tilespmem:$0x1FEE0] =	vst v0;
	vm3 =	vgt.f32 v22, v4;
	v0 =	vimm.s32 $0x0  }
0x6e: {  	v20 =	vld.idx.msk [tilespmem:v6+s2+$0x0], $0xffff;
	v0 =	vsel vm3, $0xFFFFFFFF, v0;
	v4 =	vsel vm3, v22, v4  }
0x6f: {  	v6 =	vor.u32 $0x31, v3;
	[tilespmem:$0x1FEF0] =	vst v0;
	vm3 =	vgt.f32 v23, v4;
	v0 =	vimm.s32 $0x0  }
0x70: {  	v19 =	vld.idx.msk [tilespmem:v5+s2+$0x0], $0xffff;
	v0 =	vsel vm3, $0xFFFFFFFF, v0;
	v4 =	vsel vm3, v23, v4  }
0x71: {  	v5 =	vor.u32 $0x32, v3;
	[tilespmem:$0x1FF00] =	vst v0;
	vm3 =	vgt.f32 v21, v4;
	v0 =	vimm.s32 $0x0  }
0x72: {  	v18 =	vld.idx.msk [tilespmem:v7+s2+$0x0], $0xffff;
	v0 =	vsel vm3, $0xFFFFFFFF, v0;
	v4 =	vsel vm3, v21, v4  }
0x73: {  	v7 =	vor.u32 $0x33, v3;
	[tilespmem:$0x1FF10] =	vst v0;
	vm3 =	vgt.f32 v20, v4;
	v0 =	vimm.s32 $0x0  }
0x74: {  	v17 =	vld.idx.msk [tilespmem:v6+s2+$0x0], $0xffff;
	v0 =	vsel vm3, $0xFFFFFFFF, v0;
	v4 =	vsel vm3, v20, v4  }
0x75: {  	v6 =	vor.u32 $0x34, v3;
	[tilespmem:$0x1FF20] =	vst v0;
	vm3 =	vgt.f32 v19, v4;
	v0 =	vimm.s32 $0x0  }
0x76: {  	v16 =	vld.idx.msk [tilespmem:v5+s2+$0x0], $0xffff;
	v0 =	vsel vm3, $0xFFFFFFFF, v0;
	v4 =	vsel vm3, v19, v4  }
0x77: {  	v5 =	vor.u32 $0x35, v3;
	[tilespmem:$0x1FF30] =	vst v0;
	vm3 =	vgt.f32 v18, v4;
	v0 =	vimm.s32 $0x0  }
0x78: {  	v15 =	vld.idx.msk [tilespmem:v7+s2+$0x0], $0xffff;
	v0 =	vsel vm3, $0xFFFFFFFF, v0;
	v4 =	vsel vm3, v18, v4  }
0x79: {  	v7 =	vor.u32 $0x36, v3;
	[tilespmem:$0x1FF40] =	vst v0;
	vm3 =	vgt.f32 v17, v4;
	v0 =	vimm.s32 $0x0  }
0x7a: {  	v14 =	vld.idx.msk [tilespmem:v6+s2+$0x0], $0xffff;
	v0 =	vsel vm3, $0xFFFFFFFF, v0;
	v4 =	vsel vm3, v17, v4  }
0x7b: {  	v6 =	vor.u32 $0x37, v3;
	[tilespmem:$0x1FF50] =	vst v0;
	vm3 =	vgt.f32 v16, v4;
	v0 =	vimm.s32 $0x0  }
0x7c: {  	v13 =	vld.idx.msk [tilespmem:v5+s2+$0x0], $0xffff;
	v0 =	vsel vm3, $0xFFFFFFFF, v0;
	v4 =	vsel vm3, v16, v4  }
0x7d: {  	v5 =	vor.u32 $0x38, v3;
	[tilespmem:$0x1FF60] =	vst v0;
	vm3 =	vgt.f32 v15, v4;
	v0 =	vimm.s32 $0x0  }
0x7e: {  	v12 =	vld.idx.msk [tilespmem:v7+s2+$0x0], $0xffff;
	v0 =	vsel vm3, $0xFFFFFFFF, v0;
	v4 =	vsel vm3, v15, v4  }
0x7f: {  	[tilespmem:$0x1FF70] =	vst v0;
	vm3 =	vgt.f32 v14, v4;
	v0 =	vimm.s32 $0x0  }
0x80: {  	v7 =	vor.u32 $0x39, v3;
	v2 =	vld.idx.msk [tilespmem:v6+s2+$0x0], $0xffff;
	v0 =	vsel vm3, $0xFFFFFFFF, v0;
	v4 =	vsel vm3, v14, v4  }
0x81: {  	[tilespmem:$0x1FF80] =	vst v0;
	vm3 =	vgt.f32 v13, v4;
	v0 =	vimm.s32 $0x0  }
0x82: {  	v1 =	vor.u32 $0x3A, v3;
	v6 =	vld.idx.msk [tilespmem:v5+s2+$0x0], $0xffff;
	v0 =	vsel vm3, $0xFFFFFFFF, v0;
	v4 =	vsel vm3, v13, v4  }
0x83: {  	[tilespmem:$0x1FF90] =	vst v0;
	vm3 =	vgt.f32 v12, v4;
	v0 =	vimm.s32 $0x0  }
0x84: {  	v0 =	vsel vm3, $0xFFFFFFFF, v0;
	v4 =	vsel vm3, v12, v4  }
0x85: {  	v8 =	vimm.s32 $0x0;
	[tilespmem:$0x1FFA0] =	vst v0;
	v0 =	vld.idx.msk [tilespmem:v7+s2+$0x0], $0xffff;
	vm3 =	vgt.f32 v2, v4  }
0x86: {  	v5 =	vor.u32 $0x3B, v3;
	v8 =	vsel vm3, $0xFFFFFFFF, v8;
	v4 =	vsel vm3, v2, v4  }
0x87: {  	v7 =	vor.u32 $0x3C, v3;
	[tilespmem:$0x1FFB0] =	vst v8;
	v8 =	vld.idx.msk [tilespmem:v1+s2+$0x0], $0xffff;
	vm3 =	vgt.f32 v6, v4;
	v1 =	vimm.s32 $0x0  }
0x88: {  	v1 =	vsel vm3, $0xFFFFFFFF, v1  }
0x89: {  	[tilespmem:$0x1FFC0] =	vst v1;
	v1 =	vsel vm3, v6, v4  }
0x8a: {  	[tilespmem:$0x1FDF0] =	vst v2;
	v2 =	vor.u32 $0x3D, v3;
	v4 =	vimm.s32 $0x0;
	vm3 =	vgt.f32 v0, v1  }
0x8b: {  	[tilespmem:$0x1FE20] =	vst v6;
	v5 =	vld.idx.msk [tilespmem:v5+s2+$0x0], $0xffff;
	v4 =	vsel vm3, $0xFFFFFFFF, v4  }
0x8c: {  	v6 =	vor.u32 $0x3E, v3;
	[tilespmem:$0x1FFD0] =	vst v4;
	v4 =	vld.idx.msk [tilespmem:v7+s2+$0x0], $0xffff;
	v7 =	vsel vm3, v0, v1  }
0x8d: {  	[tilespmem:$0x1FE50] =	vst v0;
	v0 =	vimm.s32 $0x0;
	vm3 =	vgt.f32 v8, v7  }
0x8e: {  	v3 =	vor.u32 $0x3F, v3;
	v0 =	vsel vm3, $0xFFFFFFFF, v0  }
0x8f: {  	[tilespmem:$0x1FFE0] =	vst v0;
	v0 =	vld.idx.msk [tilespmem:v2+s2+$0x0], $0xffff;
	v2 =	vsel vm3, v8, v7  }
0x90: {  	vm14 =	vgt.f32 v5, v2  }
0x91: {  	v7 =	vld.idx.msk [tilespmem:v6+s2+$0x0], $0xffff;
	v1 =	vsel vm14, v5, v2  }
0x92: {  	vm11 =	vgt.f32 v4, v1  }
0x93: {  	v3 =	vld.idx.msk [tilespmem:v3+s2+$0x0], $0xffff;
	v1 =	vsel vm11, v4, v1  }
0x94: {  	vm3 =	vgt.f32 v0, v1  }
0x95: {  	v1 =	vsel vm3, v0, v1  }
0x96: {  	vm4 =	vgt.f32 v7, v1  }
0x97: {  	v1 =	vsel vm4, v7, v1  }
0x98: {  	vm5 =	vgt.f32 v3, v1  }
0x99: {  	[tilespmem:$0x1FEC0] =	vst v7;
	v7 =	vsel vm5, v3, v1  }
0x9a: {  	v1 =	vsub.f32 v55, v7  }
0x9b: {  	v2 =	vsub.f32 v59, v7  }
0x9c: {  	v1 =	vmul.f32 $1.442695020e+00, v1  }
0x9d: {  	v2 =	vmul.f32 $1.442695020e+00, v2  }
0x9e: {  	(erf) = vpow2.f32 v1;
	v1 =	vsub.f32 v56, v7  }
0x9f: {  	(erf) = vpow2.f32 v2;
	v2 =	vsub.f32 v57, v7  }
0xa0: {  	v1 =	vmul.f32 $1.442695020e+00, v1  }
0xa1: {  	v2 =	vmul.f32 $1.442695020e+00, v2  }
0xa2: {  	(erf) = vpow2.f32 v1;
	v1 =	vsub.f32 v60, v7  }
0xa3: {  	(erf) = vpow2.f32 v2;
	v2 =	vsub.f32 v63, v7  }
0xa4: {  	v1 =	vmul.f32 $1.442695020e+00, v1  }
0xa5: {  	v2 =	vmul.f32 $1.442695020e+00, v2  }
0xa6: {  	(erf) = vpow2.f32 v1;
	v1 =	vsub.f32 v9, v7  }
0xa7: {  	[tilespmem:$0x1FE70] =	vst v8;
	v8 =	vpop (erf);
	(erf) = vpow2.f32 v2  }
0xa8: {  	v1 =	vmul.f32 $1.442695020e+00, v1;
	v2 =	vadd.f32 $0.0e+00, v8;
	v8 =	vsub.f32 v61, v7;
	_ =	sdelay $0x1  }
0xa9: {  	v63 =	vpop (erf);
	(erf) = vpow2.f32 v1;
	v1 =	vsub.f32 v62, v7;
	v8 =	vmul.f32 $1.442695020e+00, v8  }
0xaa: {  	v2 =	vadd.f32 v2, v63  }
0xab: {  	v57 =	vpop (erf);
	(erf) = vpow2.f32 v8;
	v8 =	vsub.f32 v58, v7;
	v1 =	vmul.f32 $1.442695020e+00, v1  }
0xac: {  	v2 =	vadd.f32 v2, v57  }
0xad: {  	v59 =	vpop (erf);
	(erf) = vpow2.f32 v1;
	v1 =	vsub.f32 v54, v7;
	v8 =	vmul.f32 $1.442695020e+00, v8  }
0xae: {  	v2 =	vadd.f32 v2, v59  }
0xaf: {  	v60 =	vpop (erf);
	(erf) = vpow2.f32 v8;
	v8 =	vsub.f32 v53, v7;
	v1 =	vmul.f32 $1.442695020e+00, v1  }
0xb0: {  	v2 =	vadd.f32 v2, v60  }
0xb1: {  	v61 =	vpop (erf);
	(erf) = vpow2.f32 v1;
	v1 =	vsub.f32 v52, v7;
	v8 =	vmul.f32 $1.442695020e+00, v8  }
0xb2: {  	v2 =	vadd.f32 v2, v61  }
0xb3: {  	v62 =	vpop (erf);
	(erf) = vpow2.f32 v8;
	v8 =	vsub.f32 v51, v7;
	v1 =	vmul.f32 $1.442695020e+00, v1  }
0xb4: {  	v2 =	vadd.f32 v2, v62  }
0xb5: {  	v63 =	vpop (erf);
	(erf) = vpow2.f32 v1;
	v1 =	vmul.f32 $1.442695020e+00, v8;
	v8 =	vsub.f32 v49, v7  }
0xb6: {  	v2 =	vadd.f32 v2, v63  }
0xb7: {  	v52 =	vpop (erf);
	(erf) = vpow2.f32 v1;
	v1 =	vsub.f32 v50, v7;
	v8 =	vmul.f32 $1.442695020e+00, v8  }
0xb8: {  	v2 =	vadd.f32 v2, v52  }
0xb9: {  	v53 =	vpop (erf);
	(erf) = vpow2.f32 v8;
	v8 =	vsub.f32 v48, v7;
	v1 =	vmul.f32 $1.442695020e+00, v1  }
0xba: {  	v2 =	vadd.f32 v2, v53  }
0xbb: {  	v54 =	vpop (erf);
	(erf) = vpow2.f32 v1;
	v1 =	vsub.f32 v47, v7;
	v8 =	vmul.f32 $1.442695020e+00, v8  }
0xbc: {  	v2 =	vadd.f32 v2, v54  }
0xbd: {  	v55 =	vpop (erf);
	(erf) = vpow2.f32 v8;
	v8 =	vsub.f32 v46, v7;
	v1 =	vmul.f32 $1.442695020e+00, v1  }
0xbe: {  	v2 =	vadd.f32 v2, v55  }
0xbf: {  	v56 =	vpop (erf);
	(erf) = vpow2.f32 v1;
	v1 =	vmul.f32 $1.442695020e+00, v8;
	v8 =	vsub.f32 v44, v7  }
0xc0: {  	v2 =	vadd.f32 v2, v56  }
0xc1: {  	v57 =	vpop (erf);
	(erf) = vpow2.f32 v1;
	v1 =	vsub.f32 v45, v7;
	v8 =	vmul.f32 $1.442695020e+00, v8  }
0xc2: {  	v2 =	vadd.f32 v2, v57  }
0xc3: {  	v58 =	vpop (erf);
	(erf) = vpow2.f32 v8;
	v1 =	vmul.f32 $1.442695020e+00, v1;
	v8 =	vsub.f32 v42, v7  }
0xc4: {  	v2 =	vadd.f32 v2, v58  }
0xc5: {  	v59 =	vpop (erf);
	(erf) = vpow2.f32 v1;
	v1 =	vsub.f32 v43, v7;
	v8 =	vmul.f32 $1.442695020e+00, v8  }
0xc6: {  	v2 =	vadd.f32 v2, v59  }
0xc7: {  	v60 =	vpop (erf);
	(erf) = vpow2.f32 v8;
	v1 =	vmul.f32 $1.442695020e+00, v1;
	v8 =	vsub.f32 v40, v7  }
0xc8: {  	v2 =	vadd.f32 v2, v60  }
0xc9: {  	v61 =	vpop (erf);
	(erf) = vpow2.f32 v1;
	v1 =	vsub.f32 v41, v7;
	v8 =	vmul.f32 $1.442695020e+00, v8  }
0xca: {  	v2 =	vadd.f32 v2, v61  }
0xcb: {  	v62 =	vpop (erf);
	(erf) = vpow2.f32 v8;
	v8 =	vsub.f32 v39, v7;
	v1 =	vmul.f32 $1.442695020e+00, v1  }
0xcc: {  	v2 =	vadd.f32 v2, v62  }
0xcd: {  	v63 =	vpop (erf);
	(erf) = vpow2.f32 v1;
	v1 =	vsub.f32 v10, v7;
	v8 =	vmul.f32 $1.442695020e+00, v8  }
0xce: {  	v2 =	vadd.f32 v2, v63  }
0xcf: {  	v9 =	vpop (erf);
	(erf) = vpow2.f32 v8;
	v1 =	vmul.f32 $1.442695020e+00, v1;
	v8 =	vsub.f32 v38, v7  }
0xd0: {  	v2 =	vadd.f32 v2, v9  }
0xd1: {  	v9 =	vpop (erf);
	(erf) = vpow2.f32 v1;
	v1 =	vmul.f32 $1.442695020e+00, v8;
	v8 =	vsub.f32 v11, v7  }
0xd2: {  	v2 =	vadd.f32 v2, v9  }
0xd3: {  	v9 =	vpop (erf);
	(erf) = vpow2.f32 v1;
	v1 =	vsub.f32 v37, v7;
	v8 =	vmul.f32 $1.442695020e+00, v8  }
0xd4: {  	v2 =	vadd.f32 v2, v9  }
0xd5: {  	v9 =	vpop (erf);
	(erf) = vpow2.f32 v8;
	v8 =	vsub.f32 v36, v7;
	v1 =	vmul.f32 $1.442695020e+00, v1  }
0xd6: {  	v10 =	vimm.s32 $0x0;
	v2 =	vadd.f32 v2, v9  }
0xd7: {  	v9 =	vpop (erf);
	(erf) = vpow2.f32 v1;
	v1 =	vmul.f32 $1.442695020e+00, v8;
	v8 =	vsub.f32 v35, v7  }
0xd8: {  	v10 =	vsel vm0, $0x1, v10;
	v2 =	vadd.f32 v2, v9  }
0xd9: {  	v9 =	vpop (erf);
	(erf) = vpow2.f32 v1;
	v1 =	vsub.f32 v34, v7;
	v8 =	vmul.f32 $1.442695020e+00, v8  }
0xda: {  	v10 =	vsel vm1, $0x2, v10;
	v2 =	vadd.f32 v2, v9  }
0xdb: {  	v10 =	vsel vm2, $0x3, v10;
	v9 =	vpop (erf);
	v1 =	vmul.f32 $1.442695020e+00, v1  }
0xdc: {  	v2 =	vadd.f32 v2, v9;
	v9 =	vsub.f32 v33, v7;
	(erf) = vpow2.f32 v8  }
0xdd: {  	v6 =	vld [tilespmem:$0x1FCB0];
	v10 =	vsel vm6, $0x4, v10;
	v8 =	vpop (erf);
	(erf) = vpow2.f32 v1  }
0xde: {  	v1 =	vsub.f32 v32, v7;
	v2 =	vadd.f32 v2, v8;
	v8 =	vmul.f32 $1.442695020e+00, v9  }
0xdf: {  	v9 =	vsel vm9, $0x5, v10  }
0xe0: {  	v10 =	vpop (erf);
	v1 =	vmul.f32 $1.442695020e+00, v1;
	(erf) = vpow2.f32 v8;
	v8 =	vsel vm12, $0x6, v9  }
0xe1: {  	v2 =	vadd.f32 v2, v10;
	v8 =	vsel vm10, $0x7, v8  }
0xe2: {  	v10 =	vpop (erf);
	(erf) = vpow2.f32 v1;
	v1 =	vsel vm7, $0x8, v8;
	vm7 =	vnez.u8 v6;
	v6 =	vld [tilespmem:$0x1FCC0];
	_ =	sdelay $0x4  }
0xe3: {  	v1 =	vsel vm8, $0x9, v1;
	vm8 =	vnez.u8 v6;
	v6 =	vld [tilespmem:$0x1FCD0];
	_ =	sdelay $0x4  }
0xe4: {  	vm9 =	vnez.u8 v6;
	v6 =	vld [tilespmem:$0x1FCE0];
	_ =	sdelay $0x4  }
0xe5: {  	vm10 =	vnez.u8 v6;
	v6 =	vld [tilespmem:$0x1FCF0];
	_ =	sdelay $0x4  }
0xe6: {  	vm12 =	vnez.u8 v6;
	v6 =	vld [tilespmem:$0x1FD00];
	_ =	sdelay $0x4  }
0xe7: {  	v1 =	vsel vm13, $0xA, v1;
	vm13 =	vnez.u8 v6;
	v6 =	vld [tilespmem:$0x1FD10];
	_ =	sdelay $0x4  }
0xe8: {  	v1 =	vsel vm15, $0xB, v1;
	vm15 =	vnez.u8 v6;
	v6 =	vld [tilespmem:$0x1FD20];
	_ =	sdelay $0x4  }
0xe9: {  	vm6 =	vnez.u8 v6;
	v6 =	vld [tilespmem:$0x1FD30];
	_ =	sdelay $0x4  }
0xea: {  	v1 =	vsel vm7, $0xC, v1;
	vm7 =	vnez.u8 v6;
	v6 =	vld [tilespmem:$0x1FD40];
	_ =	sdelay $0x4  }
0xeb: {  	v1 =	vsel vm8, $0xD, v1;
	vm8 =	vnez.u8 v6;
	v6 =	vld [tilespmem:$0x1FD50];
	_ =	sdelay $0x4  }
0xec: {  	v1 =	vsel vm9, $0xE, v1;
	vm9 =	vnez.u8 v6;
	v6 =	vld [tilespmem:$0x1FD60];
	_ =	sdelay $0x1  }
0xed: {  	v9 =	vsub.f32 v31, v7;
	_ =	sdelay $0x1  }
0xee: {  	v2 =	vadd.f32 v2, v10;
	v9 =	vmul.f32 $1.442695020e+00, v9  }
0xef: {  	v8 =	vsub.f32 v30, v7;
	v1 =	vsel vm10, $0xF, v1;
	vm10 =	vnez.u8 v6;
	v6 =	vld [tilespmem:$0x1FD70]  }
0xf0: {  	v10 =	vpop (erf)  }
0xf1: {  	v2 =	vadd.f32 v2, v10;
	v10 =	vsub.f32 v29, v7;
	v8 =	vmul.f32 $1.442695020e+00, v8  }
0xf2: {  	(erf) = vpow2.f32 v9;
	v9 =	vpop (erf)  }
0xf3: {  	v10 =	vmul.f32 $1.442695020e+00, v10;
	v2 =	vadd.f32 v2, v9  }
0xf4: {  	v9 =	vsub.f32 v28, v7;
	v1 =	vsel vm12, $0x10, v1;
	vm12 =	vnez.u8 v6;
	v6 =	vld [tilespmem:$0x1FD80]  }
0xf5: {  	(erf) = vpow2.f32 v8;
	v8 =	vpop (erf)  }
0xf6: {  	v2 =	vadd.f32 v2, v8;
	v8 =	vmul.f32 $1.442695020e+00, v9  }
0xf7: {  	(erf) = vpow2.f32 v10;
	v9 =	vsub.f32 v27, v7;
	v10 =	vpop (erf)  }
0xf8: {  	v2 =	vadd.f32 v2, v10;
	v10 =	vsub.f32 v26, v7  }
0xf9: {  	v9 =	vmul.f32 $1.442695020e+00, v9;
	v1 =	vsel vm13, $0x11, v1;
	vm13 =	vnez.u8 v6;
	v6 =	vld [tilespmem:$0x1FD90]  }
0xfa: {  	(erf) = vpow2.f32 v8;
	v8 =	vpop (erf)  }
0xfb: {  	(erf) = vpow2.f32 v9;
	v9 =	vmul.f32 $1.442695020e+00, v10;
	v2 =	vadd.f32 v2, v8  }
0xfc: {  	v8 =	vsub.f32 v25, v7;
	v10 =	vpop (erf)  }
0xfd: {  	(erf) = vpow2.f32 v9;
	v9 =	vsub.f32 v24, v7;
	v2 =	vadd.f32 v2, v10  }
0xfe: {  	v8 =	vmul.f32 $1.442695020e+00, v8;
	v10 =	vpop (erf);
	v1 =	vsel vm15, $0x12, v1;
	vm15 =	vnez.u8 v6;
	v6 =	vld [tilespmem:$0x1FDA0]  }
0xff: {  	v2 =	vadd.f32 v2, v10  }
0x100: {  	(erf) = vpow2.f32 v8;
	v8 =	vmul.f32 $1.442695020e+00, v9;
	v9 =	vsub.f32 v22, v7  }
0x101: {  	v10 =	vpop (erf)  }
0x102: {  	v2 =	vadd.f32 v2, v10;
	v9 =	vmul.f32 $1.442695020e+00, v9  }
0x103: {  	v10 =	vsub.f32 v23, v7;
	v1 =	vsel vm6, $0x13, v1;
	vm6 =	vnez.u8 v6;
	v6 =	vld [tilespmem:$0x1FDB0]  }
0x104: {  	(erf) = vpow2.f32 v8;
	v8 =	vpop (erf)  }
0x105: {  	v10 =	vmul.f32 $1.442695020e+00, v10;
	v2 =	vadd.f32 v2, v8;
	v8 =	vsub.f32 v21, v7  }
0x106: {  	(erf) = vpow2.f32 v9;
	v9 =	vpop (erf)  }
0x107: {  	v2 =	vadd.f32 v2, v9;
	v8 =	vmul.f32 $1.442695020e+00, v8  }
0x108: {  	v9 =	vsub.f32 v20, v7;
	v1 =	vsel vm7, $0x14, v1;
	vm7 =	vnez.u8 v6;
	v6 =	vld [tilespmem:$0x1FDC0]  }
0x109: {  	(erf) = vpow2.f32 v10;
	v10 =	vpop (erf)  }
0x10a: {  	v2 =	vadd.f32 v2, v10;
	v9 =	vmul.f32 $1.442695020e+00, v9;
	v10 =	vsub.f32 v19, v7  }
0x10b: {  	(erf) = vpow2.f32 v8;
	v8 =	vpop (erf)  }
0x10c: {  	(erf) = vpow2.f32 v9;
	v9 =	vmul.f32 $1.442695020e+00, v10;
	v2 =	vadd.f32 v2, v8  }
0x10d: {  	v8 =	vsub.f32 v18, v7;
	v1 =	vsel vm8, $0x15, v1;
	vm8 =	vnez.u8 v6;
	v6 =	vld [tilespmem:$0x1FDD0]  }
0x10e: {  	v10 =	vpop (erf);
	(erf) = vpow2.f32 v9;
	v9 =	vsub.f32 v17, v7  }
0x10f: {  	v2 =	vadd.f32 v2, v10;
	v8 =	vmul.f32 $1.442695020e+00, v8  }
0x110: {  	v10 =	vpop (erf);
	v9 =	vmul.f32 $1.442695020e+00, v9  }
0x111: {  	v2 =	vadd.f32 v2, v10;
	(erf) = vpow2.f32 v8;
	v8 =	vsub.f32 v16, v7  }
0x112: {  	v10 =	vpop (erf);
	v1 =	vsel vm9, $0x16, v1;
	vm9 =	vnez.u8 v6;
	v6 =	vld [tilespmem:$0x1FDE0]  }
0x113: {  	v2 =	vadd.f32 v2, v10;
	v8 =	vmul.f32 $1.442695020e+00, v8;
	v10 =	vsub.f32 v15, v7  }
0x114: {  	(erf) = vpow2.f32 v9;
	v9 =	vpop (erf)  }
0x115: {  	v2 =	vadd.f32 v2, v9;
	v9 =	vsub.f32 v14, v7;
	v10 =	vmul.f32 $1.442695020e+00, v10  }
0x116: {  	(erf) = vpow2.f32 v8  }
0x117: {  	v8 =	vpop (erf);
	v9 =	vmul.f32 $1.442695020e+00, v9;
	v1 =	vsel vm10, $0x17, v1;
	vm10 =	vnez.u8 v6;
	v6 =	vld [tilespmem:$0x1FDF0]  }
0x118: {  	v2 =	vadd.f32 v2, v8  }
0x119: {  	(erf) = vpow2.f32 v10;
	v10 =	vpop (erf)  }
0x11a: {  	v2 =	vadd.f32 v2, v10  }
0x11b: {  	(erf) = vpow2.f32 v9;
	v9 =	vpop (erf)  }
0x11c: {  	v2 =	vadd.f32 v2, v9;
	v9 =	vsub.f32 v6, v7;
	v6 =	vld [tilespmem:$0x1FE00];
	_ =	sdelay $0x4  }
0x11d: {  	v1 =	vsel vm12, $0x18, v1;
	vm12 =	vnez.u8 v6;
	v6 =	vld [tilespmem:$0x1FE10];
	_ =	sdelay $0x3  }
0x11e: {  	v8 =	vsub.f32 v13, v7  }
0x11f: {  	v1 =	vsel vm13, $0x19, v1;
	vm13 =	vnez.u8 v6;
	v6 =	vld [tilespmem:$0x1FE20]  }
0x120: {  	v10 =	vsub.f32 v12, v7;
	v8 =	vmul.f32 $1.442695020e+00, v8;
	_ =	sdelay $0x1  }
0x121: {  	(erf) = vpow2.f32 v8;
	v8 =	vmul.f32 $1.442695020e+00, v10;
	_ =	sdelay $0x1  }
0x122: {  	v10 =	vpop (erf);
	(erf) = vpow2.f32 v8;
	v8 =	vmul.f32 $1.442695020e+00, v9;
	v9 =	vsub.f32 v6, v7;
	v6 =	vld [tilespmem:$0x1FE30];
	_ =	sdelay $0x4  }
0x123: {  	v1 =	vsel vm15, $0x1A, v1;
	vm15 =	vnez.u8 v6;
	v6 =	vld [tilespmem:$0x1FE40];
	_ =	sdelay $0x4  }
0x124: {  	v1 =	vsel vm6, $0x1B, v1;
	vm6 =	vnez.u8 v6;
	v6 =	vld [tilespmem:$0x1FE50];
	_ =	sdelay $0x4  }
0x125: {  	v2 =	vadd.f32 v2, v10;
	v10 =	vpop (erf);
	(erf) = vpow2.f32 v8;
	v8 =	vsub.f32 v6, v7;
	v6 =	vld [tilespmem:$0x1FE60];
	_ =	sdelay $0x4  }
0x126: {  	v1 =	vsel vm7, $0x1C, v1;
	vm7 =	vnez.u8 v6;
	v6 =	vld [tilespmem:$0x1FE70];
	_ =	sdelay $0x2  }
0x127: {  	v9 =	vmul.f32 $1.442695020e+00, v9  }
0x128: {  	v2 =	vadd.f32 v2, v10  }
0x129: {  	v10 =	vpop (erf);
	v8 =	vmul.f32 $1.442695020e+00, v8;
	v6 =	vsub.f32 v6, v7  }
0x12a: {  	v5 =	vsub.f32 v5, v7;
	v2 =	vadd.f32 v2, v10  }
0x12b: {  	(erf) = vpow2.f32 v9;
	v9 =	vpop (erf);
	v6 =	vmul.f32 $1.442695020e+00, v6  }
0x12c: {  	v4 =	vsub.f32 v4, v7;
	v5 =	vmul.f32 $1.442695020e+00, v5;
	v2 =	vadd.f32 v2, v9  }
0x12d: {  	(erf) = vpow2.f32 v8;
	v8 =	vpop (erf)  }
0x12e: {  	v4 =	vmul.f32 $1.442695020e+00, v4;
	v2 =	vadd.f32 v2, v8;
	(erf) = vpow2.f32 v6  }
0x12f: {  	v6 =	vpop (erf);
	(erf) = vpow2.f32 v5  }
0x130: {  	v2 =	vadd.f32 v2, v6;
	v5 =	vpop (erf);
	(erf) = vpow2.f32 v4;
	v4 =	vld [tilespmem:$0x1FEC0];
	_ =	sdelay $0x1  }
0x131: {  	v1 =	vsel vm8, $0x1D, v1;
	v2 =	vadd.f32 v2, v5;
	v5 =	vld [tilespmem:$0x1FED0]  }
0x132: {  	v0 =	vsub.f32 v0, v7;
	v1 =	vsel vm9, $0x1E, v1  }
0x133: {  	v1 =	vsel vm10, $0x1F, v1  }
0x134: {  	v0 =	vmul.f32 $1.442695020e+00, v0;
	v1 =	vsel vm12, $0x20, v1;
	v4 =	vsub.f32 v4, v7  }
0x135: {  	v10 =	vld [tilespmem:$0x1FE80];
	v1 =	vsel vm13, $0x21, v1  }
0x136: {  	vm13 =	vnez.u8 v5;
	v5 =	vpop (erf);
	(erf) = vpow2.f32 v0;
	v0 =	vmul.f32 $1.442695020e+00, v4;
	v4 =	vld [tilespmem:$0x1FEE0]  }
0x137: {  	v9 =	vld [tilespmem:$0x1FE90]  }
0x138: {  	v1 =	vsel vm15, $0x22, v1;
	v8 =	vld [tilespmem:$0x1FEA0]  }
0x139: {  	v3 =	vsub.f32 v3, v7;
	v1 =	vsel vm6, $0x23, v1;
	v6 =	vld [tilespmem:$0x1FEB0]  }
0x13a: {  	vm8 =	vnez.u8 v10;
	v1 =	vsel vm7, $0x24, v1;
	v2 =	vadd.f32 v2, v5  }
0x13b: {  	vm15 =	vnez.u8 v4;
	v4 =	vpop (erf);
	(erf) = vpow2.f32 v0;
	v0 =	vmul.f32 $1.442695020e+00, v3;
	v3 =	vld [tilespmem:$0x1FEF0]  }
0x13c: {  	vm9 =	vnez.u8 v9;
	v1 =	vsel vm8, $0x25, v1  }
0x13d: {  	v1 =	vsel vm9, $0x26, v1;
	vm10 =	vnez.u8 v8;
	v2 =	vadd.f32 v2, v4;
	v4 =	vld [tilespmem:$0x1FF00]  }
0x13e: {  	v1 =	vsel vm10, $0x27, v1;
	vm12 =	vnez.u8 v6  }
0x13f: {  	v1 =	vsel vm12, $0x28, v1  }
0x140: {  	v1 =	vsel vm13, $0x29, v1;
	vm6 =	vnez.u8 v3;
	v3 =	vpop (erf);
	(erf) = vpow2.f32 v0;
	v0 =	vld [tilespmem:$0x1FF10]  }
0x141: {  	v1 =	vsel vm15, $0x2A, v1  }
0x142: {  	v1 =	vsel vm6, $0x2B, v1;
	vm7 =	vnez.u8 v4  }
0x143: {  	v1 =	vsel vm7, $0x2C, v1;
	_ =	sdelay $0x1  }
0x144: {  	v2 =	vadd.f32 v2, v3;
	vm8 =	vnez.u8 v0  }
0x145: {  	v0 =	vsel vm8, $0x2D, v1;
	v1 =	vpop (erf)  }
0x146: {  	v1 =	vadd.f32 v2, v1;
	v2 =	vld [tilespmem:$0x1FF30];
	_ =	sdelay $0x4  }
0x147: {  	v3 =	vld [tilespmem:$0x1FF20];
	vm10 =	vnez.u8 v2;
	v2 =	vpop (erf)  }
0x148: {  	v1 =	vadd.f32 v1, v2;
	v2 =	vld [tilespmem:$0x1FF50];
	_ =	sdelay $0x4  }
0x149: {  	vm9 =	vnez.u8 v3;
	v3 =	vld [tilespmem:$0x1FF40];
	vm13 =	vnez.u8 v2;
	v2 =	vpop (erf)  }
0x14a: {  	v1 =	vadd.f32 v1, v2;
	v2 =	vld [tilespmem:$0x1FF70];
	_ =	sdelay $0x4  }
0x14b: {  	vm12 =	vnez.u8 v3;
	v3 =	vld [tilespmem:$0x1FF60];
	vm6 =	vnez.u8 v2;
	v2 =	vpop (erf)  }
0x14c: {  	v1 =	vadd.f32 v1, v2;
	v2 =	vld [tilespmem:$0x1FF90];
	_ =	sdelay $0x3  }
0x14d: {  	vm15 =	vnez.u8 v3;
	v3 =	vld [tilespmem:$0x1FF80]  }
0x14e: {  	vm8 =	vnez.u8 v2;
	v2 =	vpop (erf)  }
0x14f: {  	v1 =	vadd.f32 v1, v2;
	v2 =	vld [tilespmem:$0x1FFB0]  }
0x150: {  	v0 =	vsel vm9, $0x2E, v0  }
0x151: {  	v0 =	vsel vm10, $0x2F, v0;
	(erf) = vrcp.f32 v1;
	v1 =	vld [tilespmem:$0x1FFD0]  }
0x152: {  	v0 =	vsel vm12, $0x30, v0;
	vm7 =	vnez.u8 v3;
	v3 =	vld [tilespmem:$0x1FFA0]  }
0x153: {  	v0 =	vsel vm13, $0x31, v0  }
0x154: {  	v0 =	vsel vm15, $0x32, v0;
	vm10 =	vnez.u8 v2;
	v2 =	vld [tilespmem:$0x1FFC0]  }
0x155: {  	v0 =	vsel vm6, $0x33, v0  }
0x156: {  	v0 =	vsel vm7, $0x34, v0;
	vm13 =	vnez.u8 v1;
	v1 =	vld [tilespmem:$0x1FFE0]  }
0x157: {  	vm9 =	vnez.u8 v3;
	v0 =	vsel vm8, $0x35, v0  }
0x158: {  	v0 =	vsel vm9, $0x36, v0  }
0x159: {  	v0 =	vsel vm10, $0x37, v0;
	vm12 =	vnez.u8 v2  }
0x15a: {  	v0 =	vsel vm12, $0x38, v0  }
0x15b: {  	v0 =	vsel vm13, $0x39, v0;
	vm15 =	vnez.u8 v1  }
0x15c: {  	v0 =	vsel vm15, $0x3A, v0  }
0x15d: {  	v0 =	vsel vm14, $0x3B, v0  }
0x15e: {  	v0 =	vsel vm11, $0x3C, v0  }
0x15f: {  	v0 =	vsel vm3, $0x3D, v0  }
0x160: {  	v0 =	vsel vm4, $0x3E, v0  }
0x161: {  	v4 =	vsel vm5, $0x3F, v0;
	v0 =	vld [tilespmem:$0x1FFF0];
	_ =	sdelay $0x1  }
0x162: {  	s11 =	simm.s32 $0x10  }
0x163: {  	v1 =	vmov s11  }
0x164: {  	v1 =	vshll.u32 v1, $0x6  }
0x165: {  	v2 =	vor.u32 v0, v1  }
0x166: {  	v0 =	vor.u32 $0x1, v2;
	v5 =	vor.u32 $0x2, v2;
	v6 =	vor.u32 $0x3, v2  }
0x167: {  	v1 =	vpop (erf);
	v7 =	vor.u32 $0x4, v2;
	v8 =	vor.u32 $0x5, v2;
	v9 =	vor.u32 $0x6, v2  }
0x168: {  	s15 =	simm.s32 $0x20;
	s12 =	simm.s32 $0x4000;
	s11 =	simm.s32 $0x4100;
	v10 =	vor.u32 $0x7, v2;
	v3 =	vor.u32 $0x8, v2;
	[tilespmem:s8+$0x0] =	vst v1;
	v1 =	vor.u32 $0x9, v2  }
.LBB2_2:
0x169: {  	v13 =	vor.u32 $0xA, v2  }
0x16a: {  	v14 =	vor.u32 $0xB, v2;
	v15 =	vor.u32 $0xC, v2;
	v16 =	vor.u32 $0xD, v2  }
0x16b: {  	v17 =	vor.u32 $0xE, v2;
	v18 =	vor.u32 $0xF, v2;
	v19 =	vor.u32 $0x10, v2  }
0x16c: {  	[tilespmem:s11+$0x0] =	vst v4;
	v4 =	vor.u32 $0x11, v2;
	v25 =	vor.u32 $0x12, v2;
	v20 =	vor.u32 $0x13, v2  }
0x16d: {  	v21 =	vor.u32 $0x14, v2;
	v22 =	vor.u32 $0x15, v2;
	v29 =	vor.u32 $0x16, v2  }
0x16e: {  	v23 =	vor.u32 $0x17, v2;
	v24 =	vor.u32 $0x18, v2;
	v26 =	vor.u32 $0x19, v2;
	v11 =	vld.idx.msk [tilespmem:v2+s2+$0x0], $0xffff  }
0x16f: {  	v33 =	vor.u32 $0x1A, v2;
	v27 =	vor.u32 $0x1B, v2;
	v28 =	vor.u32 $0x1C, v2  }
0x170: {  	v30 =	vor.u32 $0x1D, v2;
	v37 =	vor.u32 $0x1E, v2;
	v31 =	vor.u32 $0x1F, v2;
	v12 =	vld.idx.msk [tilespmem:v0+s2+$0x0], $0xffff  }
0x171: {  	v32 =	vor.u32 $0x20, v2;
	v34 =	vor.u32 $0x21, v2;
	v41 =	vor.u32 $0x22, v2  }
0x172: {  	v42 =	vimm.s32 $0x0;
	v35 =	vor.u32 $0x23, v2;
	v36 =	vor.u32 $0x24, v2;
	v39 =	vld.idx.msk [tilespmem:v5+s2+$0x0], $0xffff  }
0x173: {  	v38 =	vor.u32 $0x25, v2;
	v45 =	vor.u32 $0x26, v2;
	vm0 =	vgt.f32 v11, $-Inf  }
0x174: {  	v49 =	vor.u32 $0x2A, v2;
	v63 =	vimm.s32 $0x0;
	v0 =	vnsel vm0, $0xFF800000, v11  }
0x175: {  	v43 =	vor.u32 $0x2B, v2;
	v44 =	vor.u32 $0x2C, v2;
	v5 =	vld.idx.msk [tilespmem:v6+s2+$0x0], $0xffff;
	vm0 =	vgt.f32 v12, v0  }
0x176: {  	v46 =	vor.u32 $0x2D, v2;
	v53 =	vor.u32 $0x2E, v2;
	v0 =	vsel vm0, v12, v0  }
0x177: {  	[tilespmem:$0x1F960] =	vst v11;
	v11 =	vld.idx.msk [tilespmem:v7+s2+$0x0], $0xffff;
	v7 =	vimm.s32 $0x0;
	v40 =	vsel vm0, $0xFFFFFFFF, v42;
	vm0 =	vgt.f32 v39, v0  }
0x178: {  	v47 =	vor.u32 $0x2F, v2;
	v48 =	vor.u32 $0x30, v2;
	v6 =	vmovc v39;
	v7 =	vsel vm0, $0xFFFFFFFF, v7  }
0x179: {  	v50 =	vor.u32 $0x31, v2;
	v57 =	vor.u32 $0x32, v2;
	v0 =	vsel vm0, v6, v0;
	[tilespmem:$0x1F9C0] =	vst v7;
	v7 =	vld.idx.msk [tilespmem:v8+s2+$0x0], $0xffff  }
0x17a: {  	v51 =	vor.u32 $0x33, v2;
	v52 =	vor.u32 $0x34, v2;
	vm0 =	vgt.f32 v5, v0  }
0x17b: {  	v54 =	vor.u32 $0x35, v2;
	v61 =	vor.u32 $0x36, v2;
	v9 =	vld.idx.msk [tilespmem:v9+s2+$0x0], $0xffff;
	v0 =	vsel vm0, v5, v0  }
0x17c: {  	v55 =	vor.u32 $0x37, v2;
	v8 =	vsel vm0, $0xFFFFFFFF, v63;
	vm0 =	vgt.f32 v11, v0  }
0x17d: {  	v56 =	vor.u32 $0x38, v2;
	v10 =	vld.idx.msk [tilespmem:v10+s2+$0x0], $0xffff;
	[tilespmem:$0x1F9D0] =	vst v8;
	v8 =	vimm.s32 $0x0;
	v0 =	vsel vm0, v11, v0  }
0x17e: {  	v58 =	vor.u32 $0x39, v2;
	v8 =	vsel vm0, $0xFFFFFFFF, v8;
	vm0 =	vgt.f32 v7, v0  }
0x17f: {  	v59 =	vor.u32 $0x3B, v2;
	v6 =	vmovc v11;
	v11 =	vld.idx.msk [tilespmem:v3+s2+$0x0], $0xffff;
	[tilespmem:$0x1F9E0] =	vst v8;
	v8 =	vimm.s32 $0x0;
	v0 =	vsel vm0, v7, v0  }
0x180: {  	v60 =	vor.u32 $0x3C, v2;
	v8 =	vsel vm0, $0xFFFFFFFF, v8;
	vm0 =	vgt.f32 v9, v0  }
0x181: {  	v62 =	vor.u32 $0x3D, v2;
	[tilespmem:$0x1F970] =	vst v12;
	v3 =	vimm.s32 $0x0;
	v0 =	vsel vm0, v9, v0  }
0x182: {  	[tilespmem:$0x1F980] =	vst v39;
	v42 =	vor.u32 $0x29, v2;
	v12 =	vld.idx.msk [tilespmem:v1+s2+$0x0], $0xffff;
	v3 =	vsel vm0, $0xFFFFFFFF, v3;
	vm0 =	vgt.f32 v10, v0  }
0x183: {  	v1 =	vimm.s32 $0x0;
	v39 =	vor.u32 $0x27, v2;
	[tilespmem:$0x1FA00] =	vst v3;
	v3 =	vsel vm0, v10, v0  }
0x184: {  	v13 =	vld.idx.msk [tilespmem:v13+s2+$0x0], $0xffff;
	[tilespmem:$0x1F9B0] =	vst v40;
	v1 =	vsel vm0, $0xFFFFFFFF, v1;
	v0 =	vimm.s32 $0x0;
	vm0 =	vgt.f32 v11, v3  }
0x185: {  	v40 =	vor.u32 $0x28, v2;
	v63 =	vor.u32 $0x3A, v2;
	[tilespmem:$0x1FA10] =	vst v1;
	v0 =	vsel vm0, $0xFFFFFFFF, v0  }
0x186: {  	v14 =	vld.idx.msk [tilespmem:v14+s2+$0x0], $0xffff;
	v1 =	vor.u32 $0x3E, v2;
	[tilespmem:$0x1FA20] =	vst v0;
	v0 =	vor.u32 $0x3F, v2;
	v2 =	vsel vm0, v11, v3  }
0x187: {  	vm0 =	vgt.f32 v12, v2  }
0x188: {  	[tilespmem:$0x1F9A0] =	vst v10;
	v10 =	vld.idx.msk [tilespmem:v15+s2+$0x0], $0xffff;
	v3 =	vimm.s32 $0x0;
	v2 =	vsel vm0, v12, v2  }
0x189: {  	v3 =	vsel vm0, $0xFFFFFFFF, v3;
	vm0 =	vgt.f32 v13, v2  }
0x18a: {  	v15 =	vld.idx.msk [tilespmem:v16+s2+$0x0], $0xffff;
	[tilespmem:$0x1FA30] =	vst v3;
	v3 =	vimm.s32 $0x0;
	v2 =	vsel vm0, v13, v2  }
0x18b: {  	v3 =	vsel vm0, $0xFFFFFFFF, v3;
	vm0 =	vgt.f32 v14, v2  }
0x18c: {  	v16 =	vld.idx.msk [tilespmem:v17+s2+$0x0], $0xffff;
	[tilespmem:$0x1FA40] =	vst v3;
	v3 =	vimm.s32 $0x0;
	v2 =	vsel vm0, v14, v2  }
0x18d: {  	v3 =	vsel vm0, $0xFFFFFFFF, v3;
	vm0 =	vgt.f32 v10, v2  }
0x18e: {  	v17 =	vld.idx.msk [tilespmem:v18+s2+$0x0], $0xffff;
	[tilespmem:$0x1FA50] =	vst v3;
	v3 =	vimm.s32 $0x0;
	v2 =	vsel vm0, v10, v2  }
0x18f: {  	v3 =	vsel vm0, $0xFFFFFFFF, v3;
	vm0 =	vgt.f32 v15, v2  }
0x190: {  	v18 =	vld.idx.msk [tilespmem:v19+s2+$0x0], $0xffff;
	[tilespmem:$0x1FA60] =	vst v3;
	v3 =	vimm.s32 $0x0;
	v2 =	vsel vm0, v15, v2  }
0x191: {  	v3 =	vsel vm0, $0xFFFFFFFF, v3;
	vm0 =	vgt.f32 v16, v2  }
0x192: {  	v19 =	vld.idx.msk [tilespmem:v4+s2+$0x0], $0xffff;
	[tilespmem:$0x1FA70] =	vst v3;
	v3 =	vimm.s32 $0x0;
	v2 =	vsel vm0, v16, v2  }
0x193: {  	v3 =	vsel vm0, $0xFFFFFFFF, v3;
	vm0 =	vgt.f32 v17, v2  }
0x194: {  	v25 =	vld.idx.msk [tilespmem:v25+s2+$0x0], $0xffff;
	[tilespmem:$0x1FA80] =	vst v3;
	v3 =	vimm.s32 $0x0;
	v2 =	vsel vm0, v17, v2  }
0x195: {  	v3 =	vsel vm0, $0xFFFFFFFF, v3;
	vm0 =	vgt.f32 v18, v2  }
0x196: {  	v20 =	vld.idx.msk [tilespmem:v20+s2+$0x0], $0xffff;
	[tilespmem:$0x1FA90] =	vst v3;
	v3 =	vimm.s32 $0x0;
	v2 =	vsel vm0, v18, v2  }
0x197: {  	v3 =	vsel vm0, $0xFFFFFFFF, v3;
	vm0 =	vgt.f32 v19, v2  }
0x198: {  	v21 =	vld.idx.msk [tilespmem:v21+s2+$0x0], $0xffff;
	[tilespmem:$0x1FAA0] =	vst v3;
	v3 =	vimm.s32 $0x0;
	v2 =	vsel vm0, v19, v2  }
0x199: {  	v3 =	vsel vm0, $0xFFFFFFFF, v3;
	vm0 =	vgt.f32 v25, v2  }
0x19a: {  	v22 =	vld.idx.msk [tilespmem:v22+s2+$0x0], $0xffff;
	[tilespmem:$0x1FAB0] =	vst v3;
	v3 =	vimm.s32 $0x0;
	v2 =	vsel vm0, v25, v2  }
0x19b: {  	v3 =	vsel vm0, $0xFFFFFFFF, v3;
	vm0 =	vgt.f32 v20, v2  }
0x19c: {  	v29 =	vld.idx.msk [tilespmem:v29+s2+$0x0], $0xffff;
	[tilespmem:$0x1FAC0] =	vst v3;
	v3 =	vimm.s32 $0x0;
	v2 =	vsel vm0, v20, v2  }
0x19d: {  	v3 =	vsel vm0, $0xFFFFFFFF, v3;
	vm0 =	vgt.f32 v21, v2  }
0x19e: {  	v23 =	vld.idx.msk [tilespmem:v23+s2+$0x0], $0xffff;
	[tilespmem:$0x1FAD0] =	vst v3;
	v3 =	vimm.s32 $0x0;
	v2 =	vsel vm0, v21, v2  }
0x19f: {  	v3 =	vsel vm0, $0xFFFFFFFF, v3;
	vm0 =	vgt.f32 v22, v2  }
0x1a0: {  	v24 =	vld.idx.msk [tilespmem:v24+s2+$0x0], $0xffff;
	[tilespmem:$0x1FAE0] =	vst v3;
	v3 =	vimm.s32 $0x0;
	v2 =	vsel vm0, v22, v2  }
0x1a1: {  	v3 =	vsel vm0, $0xFFFFFFFF, v3;
	vm0 =	vgt.f32 v29, v2  }
0x1a2: {  	v26 =	vld.idx.msk [tilespmem:v26+s2+$0x0], $0xffff;
	[tilespmem:$0x1FAF0] =	vst v3;
	v3 =	vimm.s32 $0x0;
	v2 =	vsel vm0, v29, v2  }
0x1a3: {  	v3 =	vsel vm0, $0xFFFFFFFF, v3;
	vm0 =	vgt.f32 v23, v2  }
0x1a4: {  	v33 =	vld.idx.msk [tilespmem:v33+s2+$0x0], $0xffff;
	[tilespmem:$0x1FB00] =	vst v3;
	v3 =	vimm.s32 $0x0;
	v2 =	vsel vm0, v23, v2  }
0x1a5: {  	v3 =	vsel vm0, $0xFFFFFFFF, v3;
	vm0 =	vgt.f32 v24, v2  }
0x1a6: {  	v27 =	vld.idx.msk [tilespmem:v27+s2+$0x0], $0xffff;
	[tilespmem:$0x1FB10] =	vst v3;
	v3 =	vimm.s32 $0x0;
	v2 =	vsel vm0, v24, v2  }
0x1a7: {  	v3 =	vsel vm0, $0xFFFFFFFF, v3;
	vm0 =	vgt.f32 v26, v2  }
0x1a8: {  	v28 =	vld.idx.msk [tilespmem:v28+s2+$0x0], $0xffff;
	[tilespmem:$0x1FB20] =	vst v3;
	v3 =	vimm.s32 $0x0;
	v2 =	vsel vm0, v26, v2  }
0x1a9: {  	v3 =	vsel vm0, $0xFFFFFFFF, v3;
	vm0 =	vgt.f32 v33, v2  }
0x1aa: {  	v30 =	vld.idx.msk [tilespmem:v30+s2+$0x0], $0xffff;
	[tilespmem:$0x1FB30] =	vst v3;
	v3 =	vimm.s32 $0x0;
	v2 =	vsel vm0, v33, v2  }
0x1ab: {  	v3 =	vsel vm0, $0xFFFFFFFF, v3;
	vm0 =	vgt.f32 v27, v2  }
0x1ac: {  	v37 =	vld.idx.msk [tilespmem:v37+s2+$0x0], $0xffff;
	[tilespmem:$0x1FB40] =	vst v3;
	v3 =	vimm.s32 $0x0;
	v2 =	vsel vm0, v27, v2  }
0x1ad: {  	v3 =	vsel vm0, $0xFFFFFFFF, v3;
	vm0 =	vgt.f32 v28, v2  }
0x1ae: {  	v31 =	vld.idx.msk [tilespmem:v31+s2+$0x0], $0xffff;
	[tilespmem:$0x1FB50] =	vst v3;
	v3 =	vimm.s32 $0x0;
	v2 =	vsel vm0, v28, v2  }
0x1af: {  	v3 =	vsel vm0, $0xFFFFFFFF, v3;
	vm0 =	vgt.f32 v30, v2  }
0x1b0: {  	v32 =	vld.idx.msk [tilespmem:v32+s2+$0x0], $0xffff;
	[tilespmem:$0x1FB60] =	vst v3;
	v3 =	vimm.s32 $0x0;
	v2 =	vsel vm0, v30, v2  }
0x1b1: {  	v3 =	vsel vm0, $0xFFFFFFFF, v3;
	vm0 =	vgt.f32 v37, v2  }
0x1b2: {  	v34 =	vld.idx.msk [tilespmem:v34+s2+$0x0], $0xffff;
	[tilespmem:$0x1FB70] =	vst v3;
	v3 =	vimm.s32 $0x0;
	v2 =	vsel vm0, v37, v2  }
0x1b3: {  	v3 =	vsel vm0, $0xFFFFFFFF, v3;
	vm0 =	vgt.f32 v31, v2  }
0x1b4: {  	v41 =	vld.idx.msk [tilespmem:v41+s2+$0x0], $0xffff;
	[tilespmem:$0x1FB80] =	vst v3;
	v3 =	vimm.s32 $0x0;
	v2 =	vsel vm0, v31, v2  }
0x1b5: {  	v3 =	vsel vm0, $0xFFFFFFFF, v3;
	vm0 =	vgt.f32 v32, v2  }
0x1b6: {  	v35 =	vld.idx.msk [tilespmem:v35+s2+$0x0], $0xffff;
	[tilespmem:$0x1FB90] =	vst v3;
	v3 =	vimm.s32 $0x0;
	v2 =	vsel vm0, v32, v2  }
0x1b7: {  	v3 =	vsel vm0, $0xFFFFFFFF, v3;
	vm0 =	vgt.f32 v34, v2  }
0x1b8: {  	v36 =	vld.idx.msk [tilespmem:v36+s2+$0x0], $0xffff;
	[tilespmem:$0x1FBA0] =	vst v3;
	v3 =	vimm.s32 $0x0;
	v2 =	vsel vm0, v34, v2  }
0x1b9: {  	v3 =	vsel vm0, $0xFFFFFFFF, v3;
	vm0 =	vgt.f32 v41, v2  }
0x1ba: {  	v38 =	vld.idx.msk [tilespmem:v38+s2+$0x0], $0xffff;
	[tilespmem:$0x1FBB0] =	vst v3;
	v3 =	vimm.s32 $0x0;
	v2 =	vsel vm0, v41, v2  }
0x1bb: {  	v3 =	vsel vm0, $0xFFFFFFFF, v3;
	vm0 =	vgt.f32 v35, v2  }
0x1bc: {  	v45 =	vld.idx.msk [tilespmem:v45+s2+$0x0], $0xffff;
	[tilespmem:$0x1FBC0] =	vst v3;
	v3 =	vimm.s32 $0x0;
	v2 =	vsel vm0, v35, v2  }
0x1bd: {  	v3 =	vsel vm0, $0xFFFFFFFF, v3;
	vm0 =	vgt.f32 v36, v2  }
0x1be: {  	v39 =	vld.idx.msk [tilespmem:v39+s2+$0x0], $0xffff;
	[tilespmem:$0x1FBD0] =	vst v3;
	v3 =	vimm.s32 $0x0;
	v2 =	vsel vm0, v36, v2  }
0x1bf: {  	v3 =	vsel vm0, $0xFFFFFFFF, v3;
	vm0 =	vgt.f32 v38, v2  }
0x1c0: {  	v40 =	vld.idx.msk [tilespmem:v40+s2+$0x0], $0xffff;
	[tilespmem:$0x1FBE0] =	vst v3;
	v3 =	vimm.s32 $0x0;
	v2 =	vsel vm0, v38, v2  }
0x1c1: {  	v3 =	vsel vm0, $0xFFFFFFFF, v3;
	vm0 =	vgt.f32 v45, v2  }
0x1c2: {  	v42 =	vld.idx.msk [tilespmem:v42+s2+$0x0], $0xffff;
	[tilespmem:$0x1FBF0] =	vst v3;
	v3 =	vimm.s32 $0x0;
	v2 =	vsel vm0, v45, v2  }
0x1c3: {  	v3 =	vsel vm0, $0xFFFFFFFF, v3;
	vm0 =	vgt.f32 v39, v2  }
0x1c4: {  	v49 =	vld.idx.msk [tilespmem:v49+s2+$0x0], $0xffff;
	[tilespmem:$0x1FC00] =	vst v3;
	v3 =	vimm.s32 $0x0;
	v2 =	vsel vm0, v39, v2  }
0x1c5: {  	v3 =	vsel vm0, $0xFFFFFFFF, v3;
	vm0 =	vgt.f32 v40, v2  }
0x1c6: {  	v43 =	vld.idx.msk [tilespmem:v43+s2+$0x0], $0xffff;
	[tilespmem:$0x1FC10] =	vst v3;
	v3 =	vimm.s32 $0x0;
	v2 =	vsel vm0, v40, v2  }
0x1c7: {  	v3 =	vsel vm0, $0xFFFFFFFF, v3;
	vm0 =	vgt.f32 v42, v2  }
0x1c8: {  	v44 =	vld.idx.msk [tilespmem:v44+s2+$0x0], $0xffff;
	[tilespmem:$0x1FC20] =	vst v3;
	v3 =	vimm.s32 $0x0;
	v2 =	vsel vm0, v42, v2  }
0x1c9: {  	v3 =	vsel vm0, $0xFFFFFFFF, v3;
	vm0 =	vgt.f32 v49, v2  }
0x1ca: {  	v46 =	vld.idx.msk [tilespmem:v46+s2+$0x0], $0xffff;
	[tilespmem:$0x1FC30] =	vst v3;
	v3 =	vimm.s32 $0x0;
	v2 =	vsel vm0, v49, v2  }
0x1cb: {  	v3 =	vsel vm0, $0xFFFFFFFF, v3;
	vm0 =	vgt.f32 v43, v2  }
0x1cc: {  	v53 =	vld.idx.msk [tilespmem:v53+s2+$0x0], $0xffff;
	[tilespmem:$0x1FC40] =	vst v3;
	v3 =	vimm.s32 $0x0;
	v2 =	vsel vm0, v43, v2  }
0x1cd: {  	v3 =	vsel vm0, $0xFFFFFFFF, v3;
	vm0 =	vgt.f32 v44, v2  }
0x1ce: {  	v47 =	vld.idx.msk [tilespmem:v47+s2+$0x0], $0xffff;
	[tilespmem:$0x1FC50] =	vst v3;
	v3 =	vimm.s32 $0x0;
	v2 =	vsel vm0, v44, v2  }
0x1cf: {  	v3 =	vsel vm0, $0xFFFFFFFF, v3;
	vm0 =	vgt.f32 v46, v2  }
0x1d0: {  	v48 =	vld.idx.msk [tilespmem:v48+s2+$0x0], $0xffff;
	[tilespmem:$0x1FC60] =	vst v3;
	v3 =	vimm.s32 $0x0;
	v2 =	vsel vm0, v46, v2  }
0x1d1: {  	v3 =	vsel vm0, $0xFFFFFFFF, v3;
	vm0 =	vgt.f32 v53, v2  }
0x1d2: {  	v50 =	vld.idx.msk [tilespmem:v50+s2+$0x0], $0xffff;
	[tilespmem:$0x1FC70] =	vst v3;
	v3 =	vimm.s32 $0x0;
	v2 =	vsel vm0, v53, v2  }
0x1d3: {  	v3 =	vsel vm0, $0xFFFFFFFF, v3;
	vm0 =	vgt.f32 v47, v2  }
0x1d4: {  	v57 =	vld.idx.msk [tilespmem:v57+s2+$0x0], $0xffff;
	[tilespmem:$0x1FC80] =	vst v3;
	v3 =	vimm.s32 $0x0;
	v2 =	vsel vm0, v47, v2  }
0x1d5: {  	v3 =	vsel vm0, $0xFFFFFFFF, v3;
	vm0 =	vgt.f32 v48, v2  }
0x1d6: {  	v51 =	vld.idx.msk [tilespmem:v51+s2+$0x0], $0xffff;
	v2 =	vsel vm0, v48, v2  }
0x1d7: {  	vm14 =	vgt.f32 v50, v2  }
0x1d8: {  	v52 =	vld.idx.msk [tilespmem:v52+s2+$0x0], $0xffff;
	v2 =	vsel vm14, v50, v2  }
0x1d9: {  	vm13 =	vgt.f32 v57, v2  }
0x1da: {  	v54 =	vld.idx.msk [tilespmem:v54+s2+$0x0], $0xffff;
	v2 =	vsel vm13, v57, v2  }
0x1db: {  	vm12 =	vgt.f32 v51, v2  }
0x1dc: {  	v61 =	vld.idx.msk [tilespmem:v61+s2+$0x0], $0xffff;
	v2 =	vsel vm12, v51, v2  }
0x1dd: {  	vm11 =	vgt.f32 v52, v2  }
0x1de: {  	v55 =	vld.idx.msk [tilespmem:v55+s2+$0x0], $0xffff;
	v2 =	vsel vm11, v52, v2  }
0x1df: {  	vm10 =	vgt.f32 v54, v2  }
0x1e0: {  	v56 =	vld.idx.msk [tilespmem:v56+s2+$0x0], $0xffff;
	v2 =	vsel vm10, v54, v2  }
0x1e1: {  	vm9 =	vgt.f32 v61, v2  }
0x1e2: {  	v58 =	vld.idx.msk [tilespmem:v58+s2+$0x0], $0xffff;
	v4 =	vsel vm9, v61, v2  }
0x1e3: {  	vm8 =	vgt.f32 v55, v4  }
0x1e4: {  	[tilespmem:$0x1F990] =	vst v9;
	v9 =	vld.idx.msk [tilespmem:v63+s2+$0x0], $0xffff;
	v4 =	vsel vm8, v55, v4  }
0x1e5: {  	vm7 =	vgt.f32 v56, v4  }
0x1e6: {  	v59 =	vld.idx.msk [tilespmem:v59+s2+$0x0], $0xffff;
	v4 =	vsel vm7, v56, v4  }
0x1e7: {  	vm6 =	vgt.f32 v58, v4  }
0x1e8: {  	v60 =	vld.idx.msk [tilespmem:v60+s2+$0x0], $0xffff;
	v4 =	vsel vm6, v58, v4  }
0x1e9: {  	vm5 =	vgt.f32 v9, v4  }
0x1ea: {  	v62 =	vld.idx.msk [tilespmem:v62+s2+$0x0], $0xffff;
	v4 =	vsel vm5, v9, v4  }
0x1eb: {  	vm4 =	vgt.f32 v59, v4  }
0x1ec: {  	[tilespmem:$0x1F9F0] =	vst v8;
	v8 =	vld.idx.msk [tilespmem:v1+s2+$0x0], $0xffff;
	v4 =	vsel vm4, v59, v4  }
0x1ed: {  	vm3 =	vgt.f32 v60, v4  }
0x1ee: {  	v63 =	vld.idx.msk [tilespmem:v0+s2+$0x0], $0xffff;
	v0 =	vsel vm3, v60, v4  }
0x1ef: {  	vm2 =	vgt.f32 v62, v0  }
0x1f0: {  	v1 =	vld [tilespmem:$0x1F960];
	v0 =	vsel vm2, v62, v0  }
0x1f1: {  	vm1 =	vgt.f32 v8, v0  }
0x1f2: {  	[tilespmem:$0x1FC90] =	vst v3;
	v3 =	vimm.s32 $0x0;
	v0 =	vsel vm1, v8, v0  }
0x1f3: {  	v3 =	vsel vm0, $0xFFFFFFFF, v3;
	vm0 =	vgt.f32 v63, v0  }
0x1f4: {  	v0 =	vsel vm0, v63, v0  }
0x1f5: {  	v4 =	vsub.f32 v1, v0;
	v1 =	vld [tilespmem:$0x1F970];
	_ =	sdelay $0x1  }
0x1f6: {  	v2 =	vld [tilespmem:$0x1F980];
	_ =	sdelay $0x1  }
0x1f7: {  	v4 =	vmul.f32 $1.442695020e+00, v4  }
0x1f8: {  	v1 =	vsub.f32 v1, v0  }
0x1f9: {  	(erf) = vpow2.f32 v4;
	v4 =	vld [tilespmem:$0x1F9A0]  }
0x1fa: {  	[tilespmem:$0x1FCA0] =	vst v3;
	v2 =	vsub.f32 v2, v0;
	v3 =	vsub.f32 v5, v0;
	v5 =	vmul.f32 $1.442695020e+00, v1  }
0x1fb: {  	v1 =	vsub.f32 v6, v0  }
0x1fc: {  	v11 =	vsub.f32 v11, v0;
	v6 =	vmul.f32 $1.442695020e+00, v2;
	(erf) = vpow2.f32 v5  }
0x1fd: {  	v3 =	vmul.f32 $1.442695020e+00, v3;
	v2 =	vsub.f32 v7, v0;
	v7 =	vmul.f32 $1.442695020e+00, v1;
	v1 =	vld [tilespmem:$0x1F990]  }
0x1fe: {  	v4 =	vsub.f32 v4, v0;
	v5 =	vmul.f32 $1.442695020e+00, v11;
	(erf) = vpow2.f32 v6  }
0x1ff: {  	v11 =	vsub.f32 v13, v0;
	(erf) = vpow2.f32 v3;
	v3 =	vsub.f32 v17, v0  }
0x200: {  	v13 =	vsub.f32 v14, v0;
	v6 =	vsub.f32 v10, v0  }
0x201: {  	(erf) = vpow2.f32 v7;
	v7 =	vmul.f32 $1.442695020e+00, v3;
	v3 =	vsub.f32 v19, v0  }
0x202: {  	v2 =	vmul.f32 $1.442695020e+00, v2;
	v14 =	vsub.f32 v16, v0;
	v1 =	vsub.f32 v1, v0  }
0x203: {  	v16 =	vsub.f32 v25, v0;
	v10 =	vsub.f32 v15, v0;
	v15 =	vmul.f32 $1.442695020e+00, v6;
	v25 =	vpop (erf)  }
0x204: {  	(erf) = vpow2.f32 v2;
	v17 =	vadd.f32 $0.0e+00, v25;
	v1 =	vmul.f32 $1.442695020e+00, v1  }
0x205: {  	v6 =	vsub.f32 v18, v0;
	v2 =	vsub.f32 v20, v0;
	v19 =	vmul.f32 $1.442695020e+00, v3;
	v3 =	vpop (erf)  }
0x206: {  	v4 =	vmul.f32 $1.442695020e+00, v4;
	(erf) = vpow2.f32 v1;
	v3 =	vadd.f32 v17, v3  }
0x207: {  	v12 =	vsub.f32 v12, v0;
	v18 =	vmul.f32 $1.442695020e+00, v6;
	v1 =	vsub.f32 v22, v0;
	v25 =	vpop (erf)  }
0x208: {  	v6 =	vsub.f32 v21, v0;
	(erf) = vpow2.f32 v4;
	v3 =	vadd.f32 v3, v25  }
0x209: {  	v17 =	vmul.f32 $1.442695020e+00, v2;
	v21 =	vmul.f32 $1.442695020e+00, v1;
	v1 =	vsub.f32 v23, v0;
	v2 =	vpop (erf)  }
0x20a: {  	v12 =	vmul.f32 $1.442695020e+00, v12;
	(erf) = vpow2.f32 v5;
	v2 =	vadd.f32 v3, v2  }
0x20b: {  	v29 =	vsub.f32 v29, v0;
	v5 =	vmul.f32 $1.442695020e+00, v1;
	v1 =	vsub.f32 v26, v0;
	v26 =	vpop (erf)  }
0x20c: {  	v11 =	vmul.f32 $1.442695020e+00, v11;
	(erf) = vpow2.f32 v12;
	v22 =	vadd.f32 v2, v26  }
0x20d: {  	v13 =	vmul.f32 $1.442695020e+00, v13;
	v2 =	vmul.f32 $1.442695020e+00, v1;
	v1 =	vsub.f32 v27, v0;
	v27 =	vpop (erf)  }
0x20e: {  	v20 =	vmul.f32 $1.442695020e+00, v6;
	(erf) = vpow2.f32 v11;
	v12 =	vadd.f32 v22, v27  }
0x20f: {  	v6 =	vmul.f32 $1.442695020e+00, v29;
	v11 =	vsub.f32 v30, v0;
	v30 =	vsub.f32 v37, v0;
	v37 =	vpop (erf)  }
0x210: {  	v29 =	vsub.f32 v28, v0;
	(erf) = vpow2.f32 v13;
	v12 =	vadd.f32 v12, v37  }
0x211: {  	v4 =	vsub.f32 v33, v0;
	v33 =	vmul.f32 $1.442695020e+00, v11;
	v11 =	vsub.f32 v31, v0;
	v28 =	vpop (erf)  }
0x212: {  	v10 =	vmul.f32 $1.442695020e+00, v10;
	(erf) = vpow2.f32 v15;
	v12 =	vadd.f32 v12, v28  }
0x213: {  	v14 =	vmul.f32 $1.442695020e+00, v14;
	v27 =	vsub.f32 v41, v0;
	v41 =	vpop (erf)  }
0x214: {  	v37 =	vmul.f32 $1.442695020e+00, v29;
	(erf) = vpow2.f32 v10;
	v12 =	vadd.f32 v12, v41  }
0x215: {  	v29 =	vsub.f32 v32, v0;
	v32 =	vmul.f32 $1.442695020e+00, v11;
	v10 =	vsub.f32 v35, v0;
	v11 =	vpop (erf)  }
0x216: {  	v16 =	vmul.f32 $1.442695020e+00, v16;
	(erf) = vpow2.f32 v14;
	v11 =	vadd.f32 v12, v11  }
0x217: {  	v25 =	vsub.f32 v36, v0;
	v26 =	vmul.f32 $1.442695020e+00, v30;
	v35 =	vsub.f32 v38, v0;
	v38 =	vpop (erf)  }
0x218: {  	v31 =	vsub.f32 v34, v0;
	(erf) = vpow2.f32 v7;
	v11 =	vadd.f32 v11, v38  }
0x219: {  	v34 =	vmul.f32 $1.442695020e+00, v29;
	v29 =	vmul.f32 $1.442695020e+00, v10;
	v7 =	vsub.f32 v39, v0;
	v10 =	vpop (erf)  }
0x21a: {  	v30 =	vmul.f32 $1.442695020e+00, v31;
	(erf) = vpow2.f32 v18;
	v10 =	vadd.f32 v11, v10  }
0x21b: {  	v31 =	vmul.f32 $1.442695020e+00, v25;
	v25 =	vmul.f32 $1.442695020e+00, v7;
	v7 =	vsub.f32 v42, v0;
	v41 =	vpop (erf)  }
0x21c: {  	v39 =	vsub.f32 v40, v0;
	(erf) = vpow2.f32 v19;
	v10 =	vadd.f32 v10, v41  }
0x21d: {  	v3 =	vsub.f32 v24, v0;
	v24 =	vmul.f32 $1.442695020e+00, v7;
	v7 =	vsub.f32 v43, v0;
	v11 =	vpop (erf)  }
0x21e: {  	v28 =	vmul.f32 $1.442695020e+00, v39;
	(erf) = vpow2.f32 v16;
	v10 =	vadd.f32 v10, v11  }
0x21f: {  	v42 =	vsub.f32 v44, v0;
	v39 =	vmul.f32 $1.442695020e+00, v7;
	v7 =	vsub.f32 v46, v0;
	v44 =	vpop (erf)  }
0x220: {  	(erf) = vpow2.f32 v17;
	v10 =	vadd.f32 v10, v44  }
0x221: {  	v46 =	vmul.f32 $1.442695020e+00, v7;
	v7 =	vsub.f32 v47, v0;
	v11 =	vpop (erf)  }
0x222: {  	(erf) = vpow2.f32 v20;
	v10 =	vadd.f32 v10, v11  }
0x223: {  	v17 =	vmul.f32 $1.442695020e+00, v7;
	v7 =	vsub.f32 v50, v0;
	v50 =	vpop (erf)  }
0x224: {  	(erf) = vpow2.f32 v21;
	v10 =	vadd.f32 v10, v50  }
0x225: {  	v14 =	vmul.f32 $1.442695020e+00, v7;
	v7 =	vsub.f32 v51, v0;
	v51 =	vpop (erf)  }
0x226: {  	(erf) = vpow2.f32 v6;
	v10 =	vadd.f32 v10, v51  }
0x227: {  	v43 =	vsub.f32 v53, v0;
	v53 =	vsub.f32 v54, v0;
	v54 =	vpop (erf)  }
0x228: {  	v3 =	vmul.f32 $1.442695020e+00, v3;
	(erf) = vpow2.f32 v5;
	v20 =	vadd.f32 v10, v54  }
0x229: {  	v9 =	vsub.f32 v9, v0;
	v4 =	vmul.f32 $1.442695020e+00, v4;
	v6 =	vpop (erf)  }
0x22a: {  	v1 =	vmul.f32 $1.442695020e+00, v1;
	(erf) = vpow2.f32 v3;
	v6 =	vadd.f32 v20, v6  }
0x22b: {  	v23 =	vmul.f32 $1.442695020e+00, v27;
	v40 =	vsub.f32 v49, v0;
	v49 =	vsub.f32 v57, v0;
	v5 =	vpop (erf)  }
0x22c: {  	v57 =	vsub.f32 v58, v0;
	(erf) = vpow2.f32 v2;
	v58 =	vadd.f32 v6, v5  }
0x22d: {  	v27 =	vmul.f32 $1.442695020e+00, v35;
	v35 =	vmul.f32 $1.442695020e+00, v9;
	v3 =	vpop (erf)  }
0x22e: {  	v2 =	vsub.f32 v59, v0;
	(erf) = vpow2.f32 v4;
	v9 =	vadd.f32 v58, v3  }
0x22f: {  	v4 =	vpop (erf);
	(erf) = vpow2.f32 v1  }
0x230: {  	v3 =	vmul.f32 $1.442695020e+00, v2;
	v2 =	vsub.f32 v62, v0;
	v62 =	vadd.f32 v9, v4  }
0x231: {  	v13 =	vmul.f32 $1.442695020e+00, v7;
	v7 =	vsub.f32 v61, v0;
	v61 =	vsub.f32 v8, v0;
	v8 =	vpop (erf)  }
0x232: {  	(erf) = vpow2.f32 v37;
	v8 =	vadd.f32 v62, v8  }
0x233: {  	v9 =	vpop (erf)  }
0x234: {  	(erf) = vpow2.f32 v33;
	v8 =	vadd.f32 v8, v9  }
0x235: {  	v9 =	vpop (erf)  }
0x236: {  	(erf) = vpow2.f32 v26;
	v8 =	vadd.f32 v8, v9  }
0x237: {  	v9 =	vpop (erf)  }
0x238: {  	(erf) = vpow2.f32 v32;
	v8 =	vadd.f32 v8, v9  }
0x239: {  	v9 =	vpop (erf)  }
0x23a: {  	(erf) = vpow2.f32 v34;
	v8 =	vadd.f32 v8, v9  }
0x23b: {  	v9 =	vpop (erf);
	(erf) = vpow2.f32 v30  }
0x23c: {  	v8 =	vadd.f32 v8, v9  }
0x23d: {  	v9 =	vpop (erf)  }
0x23e: {  	(erf) = vpow2.f32 v23;
	v8 =	vadd.f32 v8, v9  }
0x23f: {  	v9 =	vpop (erf)  }
0x240: {  	v36 =	vsub.f32 v45, v0;
	(erf) = vpow2.f32 v29;
	v8 =	vadd.f32 v8, v9  }
0x241: {  	v9 =	vpop (erf);
	(erf) = vpow2.f32 v31  }
0x242: {  	v22 =	vmul.f32 $1.442695020e+00, v36;
	v8 =	vadd.f32 v8, v9  }
0x243: {  	v9 =	vpop (erf);
	(erf) = vpow2.f32 v27  }
0x244: {  	v52 =	vsub.f32 v52, v0;
	v8 =	vadd.f32 v8, v9;
	v9 =	vpop (erf);
	(erf) = vpow2.f32 v22;
	_ =	sdelay $0x1  }
0x245: {  	v12 =	vmul.f32 $1.442695020e+00, v52;
	v30 =	vld [tilespmem:$0x1F9B0];
	v8 =	vadd.f32 v8, v9  }
0x246: {  	v55 =	vsub.f32 v55, v0;
	v19 =	vmul.f32 $1.442695020e+00, v40;
	v9 =	vpop (erf);
	(erf) = vpow2.f32 v25  }
0x247: {  	v45 =	vmul.f32 $1.442695020e+00, v42;
	v11 =	vsub.f32 v48, v0;
	v32 =	vld [tilespmem:$0x1F9C0];
	v8 =	vadd.f32 v8, v9  }
0x248: {  	v56 =	vsub.f32 v56, v0;
	v15 =	vmul.f32 $1.442695020e+00, v43;
	v33 =	vld [tilespmem:$0x1F9D0];
	v9 =	vpop (erf);
	(erf) = vpow2.f32 v28  }
0x249: {  	v16 =	vmul.f32 $1.442695020e+00, v11;
	v8 =	vadd.f32 v8, v9;
	v9 =	vpop (erf);
	(erf) = vpow2.f32 v24  }
0x24a: {  	v11 =	vmul.f32 $1.442695020e+00, v49;
	v36 =	vmul.f32 $1.442695020e+00, v7;
	v37 =	vld [tilespmem:$0x1F9E0];
	vm15 =	vnez.u8 v30  }
0x24b: {  	v31 =	vpop (erf);
	(erf) = vpow2.f32 v19;
	v8 =	vadd.f32 v8, v9;
	v9 =	vimm.s32 $0x0  }
0x24c: {  	v9 =	vsel vm15, $0x1, v9;
	vm15 =	vnez.u8 v32;
	v34 =	vpop (erf);
	(erf) = vpow2.f32 v39;
	v39 =	vld [tilespmem:$0x1F9F0]  }
0x24d: {  	v41 =	vld [tilespmem:$0x1FA00];
	v9 =	vsel vm15, $0x2, v9;
	v8 =	vadd.f32 v8, v31;
	vm15 =	vnez.u8 v33  }
0x24e: {  	v42 =	vld [tilespmem:$0x1FA10];
	v7 =	vmul.f32 $1.442695020e+00, v55;
	v10 =	vmul.f32 $1.442695020e+00, v53;
	v9 =	vsel vm15, $0x3, v9  }
0x24f: {  	v44 =	vld [tilespmem:$0x1FA20];
	vm15 =	vnez.u8 v37;
	v40 =	vpop (erf);
	(erf) = vpow2.f32 v45;
	v8 =	vadd.f32 v8, v34  }
0x250: {  	v6 =	vmul.f32 $1.442695020e+00, v56;
	v5 =	vmul.f32 $1.442695020e+00, v57;
	v45 =	vld [tilespmem:$0x1FA30];
	v9 =	vsel vm15, $0x4, v9  }
0x251: {  	v47 =	vld [tilespmem:$0x1FA40];
	v43 =	vpop (erf);
	(erf) = vpow2.f32 v46;
	vm15 =	vnez.u8 v39;
	v8 =	vadd.f32 v8, v40  }
0x252: {  	v48 =	vld [tilespmem:$0x1FA50];
	v9 =	vsel vm15, $0x5, v9;
	vm15 =	vnez.u8 v41;
	v46 =	vpop (erf);
	(erf) = vpow2.f32 v15  }
0x253: {  	v50 =	vld [tilespmem:$0x1FA60];
	v9 =	vsel vm15, $0x6, v9;
	vm15 =	vnez.u8 v42;
	v8 =	vadd.f32 v8, v43  }
0x254: {  	v51 =	vld [tilespmem:$0x1FA70];
	v49 =	vpop (erf);
	(erf) = vpow2.f32 v17;
	v9 =	vsel vm15, $0x7, v9;
	vm15 =	vnez.u8 v44  }
0x255: {  	v53 =	vld [tilespmem:$0x1FA80];
	v9 =	vsel vm15, $0x8, v9;
	vm15 =	vnez.u8 v45;
	v8 =	vadd.f32 v8, v46  }
0x256: {  	v54 =	vld [tilespmem:$0x1FA90];
	v52 =	vpop (erf);
	(erf) = vpow2.f32 v16;
	v9 =	vsel vm15, $0x9, v9;
	vm15 =	vnez.u8 v47  }
0x257: {  	v56 =	vld [tilespmem:$0x1FAA0];
	v9 =	vsel vm15, $0xA, v9;
	vm15 =	vnez.u8 v48;
	v8 =	vadd.f32 v8, v49  }
0x258: {  	v57 =	vld [tilespmem:$0x1FAB0];
	v55 =	vpop (erf);
	(erf) = vpow2.f32 v14;
	v9 =	vsel vm15, $0xB, v9;
	vm15 =	vnez.u8 v50  }
0x259: {  	v59 =	vld [tilespmem:$0x1FAC0];
	v9 =	vsel vm15, $0xC, v9;
	vm15 =	vnez.u8 v51;
	v8 =	vadd.f32 v8, v52  }
0x25a: {  	v58 =	vpop (erf);
	(erf) = vpow2.f32 v11;
	v11 =	vld [tilespmem:$0x1FAD0];
	v9 =	vsel vm15, $0xD, v9;
	vm15 =	vnez.u8 v53  }
0x25b: {  	v9 =	vsel vm15, $0xE, v9;
	vm15 =	vnez.u8 v54  }
0x25c: {  	v8 =	vadd.f32 v8, v55;
	v9 =	vsel vm15, $0xF, v9;
	vm15 =	vnez.u8 v56  }
0x25d: {  	v60 =	vsub.f32 v60, v0;
	v9 =	vsel vm15, $0x10, v9;
	vm15 =	vnez.u8 v57  }
0x25e: {  	v8 =	vadd.f32 v8, v58;
	v9 =	vsel vm15, $0x11, v9;
	vm15 =	vnez.u8 v59  }
0x25f: {  	v4 =	vmul.f32 $1.442695020e+00, v60;
	v60 =	vld [tilespmem:$0x1FAE0];
	v9 =	vsel vm15, $0x12, v9;
	vm15 =	vnez.u8 v11;
	v11 =	vpop (erf)  }
0x260: {  	v8 =	vadd.f32 v8, v11;
	v11 =	vld [tilespmem:$0x1FAF0];
	_ =	sdelay $0x3  }
0x261: {  	v9 =	vsel vm15, $0x13, v9;
	vm15 =	vnez.u8 v60  }
0x262: {  	v1 =	vmul.f32 $1.442695020e+00, v61;
	v61 =	vld [tilespmem:$0x1FB00];
	v9 =	vsel vm15, $0x14, v9;
	vm15 =	vnez.u8 v11;
	v11 =	vpop (erf)  }
0x263: {  	v8 =	vadd.f32 v8, v11;
	v11 =	vld [tilespmem:$0x1FB10];
	_ =	sdelay $0x2  }
0x264: {  	(erf) = vpow2.f32 v13  }
0x265: {  	v62 =	vld [tilespmem:$0x1FB20];
	(erf) = vpow2.f32 v12;
	v9 =	vsel vm15, $0x15, v9;
	vm15 =	vnez.u8 v61  }
0x266: {  	v9 =	vsel vm15, $0x16, v9;
	vm15 =	vnez.u8 v11;
	v11 =	vpop (erf);
	(erf) = vpow2.f32 v10;
	v10 =	vld [tilespmem:$0x1FB30];
	_ =	sdelay $0x3  }
0x267: {  	v9 =	vsel vm15, $0x17, v9;
	vm15 =	vnez.u8 v62;
	v8 =	vadd.f32 v8, v11;
	v11 =	vld [tilespmem:$0x1FB40]  }
0x268: {  	v9 =	vsel vm15, $0x18, v9;
	vm15 =	vnez.u8 v10;
	v10 =	vpop (erf)  }
0x269: {  	v8 =	vadd.f32 v8, v10;
	v10 =	vld [tilespmem:$0x1FB50];
	_ =	sdelay $0x2  }
0x26a: {  	v9 =	vsel vm15, $0x19, v9;
	vm15 =	vnez.u8 v11  }
0x26b: {  	(erf) = vpow2.f32 v36;
	v11 =	vld [tilespmem:$0x1FB60];
	v9 =	vsel vm15, $0x1A, v9  }
0x26c: {  	vm15 =	vnez.u8 v10;
	v10 =	vpop (erf);
	(erf) = vpow2.f32 v7;
	v7 =	vld [tilespmem:$0x1FB70]  }
0x26d: {  	v8 =	vadd.f32 v8, v10;
	v10 =	vld [tilespmem:$0x1FB80]  }
0x26e: {  	v0 =	vsub.f32 v63, v0;
	v63 =	vsel vm15, $0x1B, v9;
	v9 =	vpop (erf);
	(erf) = vpow2.f32 v6;
	v6 =	vld [tilespmem:$0x1FB90];
	_ =	sdelay $0x1  }
0x26f: {  	vm15 =	vnez.u8 v11;
	v8 =	vadd.f32 v8, v9  }
0x270: {  	v11 =	vsel vm15, $0x1C, v63;
	v9 =	vld [tilespmem:$0x1FBA0];
	vm15 =	vnez.u8 v7;
	v7 =	vpop (erf);
	(erf) = vpow2.f32 v5  }
0x271: {  	v5 =	vld [tilespmem:$0x1FBB0];
	v11 =	vsel vm15, $0x1D, v11;
	vm15 =	vnez.u8 v10;
	v7 =	vadd.f32 v8, v7  }
0x272: {  	v8 =	vld [tilespmem:$0x1FBC0];
	v10 =	vsel vm15, $0x1E, v11;
	vm15 =	vnez.u8 v6;
	v6 =	vpop (erf)  }
0x273: {  	v6 =	vadd.f32 v7, v6;
	v7 =	vld [tilespmem:$0x1FBD0];
	_ =	sdelay $0x1  }
0x274: {  	v10 =	vsel vm15, $0x1F, v10;
	vm15 =	vnez.u8 v9  }
0x275: {  	v9 =	vsel vm15, $0x20, v10;
	vm15 =	vnez.u8 v5  }
0x276: {  	(erf) = vpow2.f32 v35;
	v5 =	vsel vm15, $0x21, v9;
	vm15 =	vnez.u8 v8;
	v8 =	vld [tilespmem:$0x1FBE0]  }
0x277: {  	v5 =	vsel vm15, $0x22, v5;
	vm15 =	vnez.u8 v7;
	v7 =	vpop (erf);
	(erf) = vpow2.f32 v3;
	v3 =	vld [tilespmem:$0x1FBF0]  }
0x278: {  	v6 =	vadd.f32 v6, v7;
	v7 =	vld [tilespmem:$0x1FC00];
	_ =	sdelay $0x1  }
0x279: {  	v9 =	vsel vm15, $0x23, v5;
	v5 =	vpop (erf);
	(erf) = vpow2.f32 v4;
	v4 =	vld [tilespmem:$0x1FC10]  }
0x27a: {  	vm15 =	vnez.u8 v8  }
0x27b: {  	v8 =	vsel vm15, $0x24, v9;
	vm15 =	vnez.u8 v3  }
0x27c: {  	v2 =	vmul.f32 $1.442695020e+00, v2;
	v3 =	vsel vm15, $0x25, v8;
	vm15 =	vnez.u8 v7  }
0x27d: {  	v5 =	vadd.f32 v6, v5;
	v6 =	vld [tilespmem:$0x1FC20];
	v3 =	vsel vm15, $0x26, v3  }
0x27e: {  	vm15 =	vnez.u8 v4;
	v4 =	vpop (erf);
	(erf) = vpow2.f32 v2;
	v2 =	vld [tilespmem:$0x1FC30]  }
0x27f: {  	v4 =	vadd.f32 v5, v4;
	v5 =	vld [tilespmem:$0x1FC40]  }
0x280: {  	v7 =	vsel vm15, $0x27, v3;
	v3 =	vpop (erf);
	(erf) = vpow2.f32 v1;
	v1 =	vld [tilespmem:$0x1FC50]  }
0x281: {  	v0 =	vmul.f32 $1.442695020e+00, v0  }
0x282: {  	vm15 =	vnez.u8 v6;
	v3 =	vadd.f32 v4, v3;
	v4 =	vld [tilespmem:$0x1FC60]  }
0x283: {  	v6 =	vsel vm15, $0x28, v7;
	vm15 =	vnez.u8 v2;
	v2 =	vpop (erf);
	(erf) = vpow2.f32 v0;
	v0 =	vld [tilespmem:$0x1FC70]  }
0x284: {  	v6 =	vsel vm15, $0x29, v6;
	vm15 =	vnez.u8 v5;
	v2 =	vadd.f32 v3, v2;
	v3 =	vld [tilespmem:$0x1FC80]  }
0x285: {  	v5 =	vsel vm15, $0x2A, v6;
	vm15 =	vnez.u8 v1;
	v1 =	vpop (erf)  }
0x286: {  	v1 =	vadd.f32 v2, v1;
	v2 =	vld [tilespmem:$0x1FC90]  }
0x287: {  	v5 =	vsel vm15, $0x2B, v5;
	vm15 =	vnez.u8 v4  }
0x288: {  	v4 =	vsel vm15, $0x2C, v5;
	vm15 =	vnez.u8 v0  }
0x289: {  	v0 =	vsel vm15, $0x2D, v4;
	vm15 =	vnez.u8 v3;
	v3 =	vld [tilespmem:$0x1FCA0];
	_ =	sdelay $0x1  }
0x28a: {  	v0 =	vsel vm15, $0x2E, v0;
	vm15 =	vnez.u8 v2;
	v2 =	vpop (erf)  }
0x28b: {  	v1 =	vadd.f32 v1, v2  }
0x28c: {  	v2 =	vpop (erf)  }
0x28d: {  	v0 =	vsel vm15, $0x2F, v0;
	vm15 =	vnez.u8 v3;
	v1 =	vadd.f32 v1, v2  }
0x28e: {  	v0 =	vsel vm15, $0x30, v0;
	v2 =	vpop (erf)  }
0x28f: {  	v0 =	vsel vm14, $0x31, v0;
	v1 =	vadd.f32 v1, v2  }
0x290: {  	v0 =	vsel vm13, $0x32, v0;
	v2 =	vpop (erf)  }
0x291: {  	v0 =	vsel vm12, $0x33, v0;
	v1 =	vadd.f32 v1, v2  }
0x292: {  	v0 =	vsel vm11, $0x34, v0  }
0x293: {  	v2 =	vld [tilespmem:$0x1FFF0];
	v0 =	vsel vm10, $0x35, v0;
	(erf) = vrcp.f32 v1  }
0x294: {  	v0 =	vsel vm9, $0x36, v0  }
0x295: {  	s14 =	smov.u32 s15;
	v0 =	vsel vm8, $0x37, v0  }
0x296: {  	v1 =	vmov s14;
	v0 =	vsel vm7, $0x38, v0  }
0x297: {  	v1 =	vshll.u32 v1, $0x6;
	v0 =	vsel vm6, $0x39, v0  }
0x298: {  	p0 =	sne.s32 s15, $0xF0;
	v2 =	vor.u32 v2, v1;
	v0 =	vsel vm5, $0x3A, v0  }
.Ltmp0:
0x299: {  	v5 =	vor.u32 $0x2, v2;
	v0 =	vsel vm4, $0x3B, v0;
	(pc) =	sbr.rel @p0 .LBB2_2-.Ltmp0, $4  }
0x29a: {  	v6 =	vor.u32 $0x3, v2;
	v7 =	vor.u32 $0x4, v2;
	v0 =	vsel vm3, $0x3C, v0  }
0x29b: {  	v8 =	vor.u32 $0x5, v2;
	v9 =	vor.u32 $0x6, v2;
	v0 =	vsel vm2, $0x3D, v0  }
0x29c: {  	s12 =	sadd.s32 $0x10, s12;
	s13 =	sadd.s32 $0x10, s15;
	v10 =	vor.u32 $0x7, v2;
	v3 =	vor.u32 $0x8, v2;
	v0 =	vsel vm1, $0x3E, v0;
	v11 =	vpop (erf)  }
0x29d: {  	s11 =	sadd.s32 $0x10, s11;
	s15 =	smov.u32 s13;
	v1 =	vor.u32 $0x9, v2;
	v4 =	vsel vm0, $0x3F, v0;
	v0 =	vor.u32 $0x1, v2;
	[tilespmem:s12+$0x0] =	vst v11  }
0x29e: {  	_ =	sdelay $0x2  }
0x29f: {  	[tilespmem:s11+$0x0] =	vst v4  }
0x2a0: {  	v63 =	vld.idx.msk [tilespmem:v2+s2+$0x0], $0xffff;
	_ =	sdelay $0x1  }
0x2a1: {  	v11 =	vld.idx.msk [tilespmem:v0+s2+$0x0], $0xffff;
	_ =	sdelay $0x1  }
0x2a2: {  	v62 =	vld.idx.msk [tilespmem:v5+s2+$0x0], $0xffff  }
0x2a3: {  	vm0 =	vgt.f32 v63, $-Inf  }
0x2a4: {  	v58 =	vld.idx.msk [tilespmem:v6+s2+$0x0], $0xffff;
	v43 =	vnsel vm0, $0xFF800000, v63  }
0x2a5: {  	vm6 =	vgt.f32 v11, v43  }
0x2a6: {  	v59 =	vld.idx.msk [tilespmem:v7+s2+$0x0], $0xffff;
	v4 =	vsel vm6, v11, v43  }
0x2a7: {  	vm8 =	vgt.f32 v62, v4  }
0x2a8: {  	v60 =	vld.idx.msk [tilespmem:v8+s2+$0x0], $0xffff;
	v4 =	vsel vm8, v62, v4  }
0x2a9: {  	vm12 =	vgt.f32 v58, v4  }
0x2aa: {  	v61 =	vld.idx.msk [tilespmem:v9+s2+$0x0], $0xffff;
	v4 =	vsel vm12, v58, v4  }
0x2ab: {  	vm11 =	vgt.f32 v59, v4  }
0x2ac: {  	v56 =	vld.idx.msk [tilespmem:v10+s2+$0x0], $0xffff;
	v4 =	vsel vm11, v59, v4  }
0x2ad: {  	v44 =	vor.u32 $0xA, v2;
	vm10 =	vgt.f32 v60, v4  }
0x2ae: {  	v57 =	vld.idx.msk [tilespmem:v3+s2+$0x0], $0xffff;
	v3 =	vsel vm10, v60, v4  }
0x2af: {  	v45 =	vor.u32 $0xB, v2;
	vm9 =	vgt.f32 v61, v3  }
0x2b0: {  	v55 =	vld.idx.msk [tilespmem:v1+s2+$0x0], $0xffff;
	v1 =	vsel vm9, v61, v3  }
0x2b1: {  	v3 =	vor.u32 $0xC, v2;
	vm14 =	vgt.f32 v56, v1  }
0x2b2: {  	v54 =	vld.idx.msk [tilespmem:v44+s2+$0x0], $0xffff;
	v1 =	vsel vm14, v56, v1  }
0x2b3: {  	v46 =	vor.u32 $0xD, v2;
	vm15 =	vgt.f32 v57, v1  }
0x2b4: {  	v53 =	vld.idx.msk [tilespmem:v45+s2+$0x0], $0xffff;
	v1 =	vsel vm15, v57, v1  }
0x2b5: {  	v47 =	vor.u32 $0xE, v2;
	v0 =	vimm.s32 $0x0;
	vm7 =	vgt.f32 v55, v1  }
0x2b6: {  	v52 =	vld.idx.msk [tilespmem:v3+s2+$0x0], $0xffff;
	v0 =	vsel vm7, $0xFFFFFFFF, v0;
	v1 =	vsel vm7, v55, v1  }
0x2b7: {  	v3 =	vor.u32 $0xF, v2;
	[tilespmem:$0x1F620] =	vst v0;
	vm0 =	vgt.f32 v54, v1;
	v0 =	vimm.s32 $0x0  }
0x2b8: {  	v51 =	vld.idx.msk [tilespmem:v46+s2+$0x0], $0xffff;
	v0 =	vsel vm0, $0xFFFFFFFF, v0;
	v1 =	vsel vm0, v54, v1  }
0x2b9: {  	v8 =	vor.u32 $0x10, v2;
	[tilespmem:$0x1F630] =	vst v0;
	vm0 =	vgt.f32 v53, v1;
	v0 =	vimm.s32 $0x0  }
0x2ba: {  	v49 =	vld.idx.msk [tilespmem:v47+s2+$0x0], $0xffff;
	v0 =	vsel vm0, $0xFFFFFFFF, v0;
	v1 =	vsel vm0, v53, v1  }
0x2bb: {  	v9 =	vor.u32 $0x11, v2;
	[tilespmem:$0x1F640] =	vst v0;
	vm0 =	vgt.f32 v52, v1;
	v0 =	vimm.s32 $0x0  }
0x2bc: {  	v50 =	vld.idx.msk [tilespmem:v3+s2+$0x0], $0xffff;
	v0 =	vsel vm0, $0xFFFFFFFF, v0;
	v1 =	vsel vm0, v52, v1  }
0x2bd: {  	v3 =	vor.u32 $0x12, v2;
	[tilespmem:$0x1F650] =	vst v0;
	vm0 =	vgt.f32 v51, v1;
	v0 =	vimm.s32 $0x0  }
0x2be: {  	v48 =	vld.idx.msk [tilespmem:v8+s2+$0x0], $0xffff;
	v0 =	vsel vm0, $0xFFFFFFFF, v0;
	v1 =	vsel vm0, v51, v1  }
0x2bf: {  	v10 =	vor.u32 $0x13, v2;
	[tilespmem:$0x1F660] =	vst v0;
	vm0 =	vgt.f32 v49, v1;
	v0 =	vimm.s32 $0x0  }
0x2c0: {  	v47 =	vld.idx.msk [tilespmem:v9+s2+$0x0], $0xffff;
	v0 =	vsel vm0, $0xFFFFFFFF, v0;
	v1 =	vsel vm0, v49, v1  }
0x2c1: {  	v12 =	vor.u32 $0x14, v2;
	[tilespmem:$0x1F670] =	vst v0;
	vm0 =	vgt.f32 v50, v1;
	v0 =	vimm.s32 $0x0  }
0x2c2: {  	v46 =	vld.idx.msk [tilespmem:v3+s2+$0x0], $0xffff;
	v0 =	vsel vm0, $0xFFFFFFFF, v0;
	v1 =	vsel vm0, v50, v1  }
0x2c3: {  	v3 =	vor.u32 $0x15, v2;
	[tilespmem:$0x1F680] =	vst v0;
	vm0 =	vgt.f32 v48, v1;
	v0 =	vimm.s32 $0x0  }
0x2c4: {  	v44 =	vld.idx.msk [tilespmem:v10+s2+$0x0], $0xffff;
	v0 =	vsel vm0, $0xFFFFFFFF, v0;
	v1 =	vsel vm0, v48, v1  }
0x2c5: {  	v13 =	vor.u32 $0x16, v2;
	[tilespmem:$0x1F690] =	vst v0;
	vm0 =	vgt.f32 v47, v1;
	v0 =	vimm.s32 $0x0  }
0x2c6: {  	v45 =	vld.idx.msk [tilespmem:v12+s2+$0x0], $0xffff;
	v0 =	vsel vm0, $0xFFFFFFFF, v0;
	v1 =	vsel vm0, v47, v1  }
0x2c7: {  	v14 =	vor.u32 $0x17, v2;
	[tilespmem:$0x1F6A0] =	vst v0;
	vm0 =	vgt.f32 v46, v1;
	v0 =	vimm.s32 $0x0  }
0x2c8: {  	v42 =	vld.idx.msk [tilespmem:v3+s2+$0x0], $0xffff;
	v0 =	vsel vm0, $0xFFFFFFFF, v0;
	v1 =	vsel vm0, v46, v1  }
0x2c9: {  	v3 =	vor.u32 $0x18, v2;
	[tilespmem:$0x1F6B0] =	vst v0;
	vm0 =	vgt.f32 v44, v1;
	v0 =	vimm.s32 $0x0  }
0x2ca: {  	v43 =	vld.idx.msk [tilespmem:v13+s2+$0x0], $0xffff;
	v0 =	vsel vm0, $0xFFFFFFFF, v0;
	v1 =	vsel vm0, v44, v1  }
0x2cb: {  	v15 =	vor.u32 $0x19, v2;
	[tilespmem:$0x1F6C0] =	vst v0;
	vm0 =	vgt.f32 v45, v1;
	v0 =	vimm.s32 $0x0  }
0x2cc: {  	v40 =	vld.idx.msk [tilespmem:v14+s2+$0x0], $0xffff;
	v0 =	vsel vm0, $0xFFFFFFFF, v0;
	v1 =	vsel vm0, v45, v1  }
0x2cd: {  	v16 =	vor.u32 $0x1A, v2;
	[tilespmem:$0x1F6D0] =	vst v0;
	vm0 =	vgt.f32 v42, v1;
	v0 =	vimm.s32 $0x0  }
0x2ce: {  	v41 =	vld.idx.msk [tilespmem:v3+s2+$0x0], $0xffff;
	v0 =	vsel vm0, $0xFFFFFFFF, v0;
	v1 =	vsel vm0, v42, v1  }
0x2cf: {  	v3 =	vor.u32 $0x1B, v2;
	[tilespmem:$0x1F6E0] =	vst v0;
	vm0 =	vgt.f32 v43, v1;
	v0 =	vimm.s32 $0x0  }
0x2d0: {  	v39 =	vld.idx.msk [tilespmem:v15+s2+$0x0], $0xffff;
	v0 =	vsel vm0, $0xFFFFFFFF, v0;
	v17 =	vsel vm0, v43, v1  }
0x2d1: {  	v18 =	vor.u32 $0x1C, v2;
	[tilespmem:$0x1F6F0] =	vst v0;
	vm0 =	vgt.f32 v40, v17;
	v0 =	vimm.s32 $0x0  }
0x2d2: {  	v9 =	vld.idx.msk [tilespmem:v16+s2+$0x0], $0xffff;
	v0 =	vsel vm0, $0xFFFFFFFF, v0;
	v19 =	vsel vm0, v40, v17  }
0x2d3: {  	v20 =	vor.u32 $0x1D, v2;
	[tilespmem:$0x1F700] =	vst v0;
	vm0 =	vgt.f32 v41, v19;
	v0 =	vimm.s32 $0x0  }
0x2d4: {  	v38 =	vld.idx.msk [tilespmem:v3+s2+$0x0], $0xffff;
	v0 =	vsel vm0, $0xFFFFFFFF, v0;
	v4 =	vsel vm0, v41, v19  }
0x2d5: {  	v21 =	vor.u32 $0x1E, v2;
	[tilespmem:$0x1F710] =	vst v0;
	vm0 =	vgt.f32 v39, v4;
	v0 =	vimm.s32 $0x0  }
0x2d6: {  	v10 =	vld.idx.msk [tilespmem:v18+s2+$0x0], $0xffff;
	v0 =	vsel vm0, $0xFFFFFFFF, v0;
	v4 =	vsel vm0, v39, v4  }
0x2d7: {  	v22 =	vor.u32 $0x1F, v2;
	[tilespmem:$0x1F720] =	vst v0;
	vm0 =	vgt.f32 v9, v4;
	v0 =	vimm.s32 $0x0  }
0x2d8: {  	v37 =	vld.idx.msk [tilespmem:v20+s2+$0x0], $0xffff;
	v0 =	vsel vm0, $0xFFFFFFFF, v0;
	v4 =	vsel vm0, v9, v4  }
0x2d9: {  	v23 =	vor.u32 $0x20, v2;
	[tilespmem:$0x1F730] =	vst v0;
	vm0 =	vgt.f32 v38, v4;
	v0 =	vimm.s32 $0x0  }
0x2da: {  	v36 =	vld.idx.msk [tilespmem:v21+s2+$0x0], $0xffff;
	v0 =	vsel vm0, $0xFFFFFFFF, v0;
	v4 =	vsel vm0, v38, v4  }
0x2db: {  	v24 =	vor.u32 $0x21, v2;
	[tilespmem:$0x1F740] =	vst v0;
	vm0 =	vgt.f32 v10, v4;
	v0 =	vimm.s32 $0x0  }
0x2dc: {  	v34 =	vld.idx.msk [tilespmem:v22+s2+$0x0], $0xffff;
	v0 =	vsel vm0, $0xFFFFFFFF, v0;
	v4 =	vsel vm0, v10, v4  }
0x2dd: {  	v25 =	vor.u32 $0x22, v2;
	[tilespmem:$0x1F750] =	vst v0;
	vm0 =	vgt.f32 v37, v4;
	v0 =	vimm.s32 $0x0  }
0x2de: {  	v35 =	vld.idx.msk [tilespmem:v23+s2+$0x0], $0xffff;
	v0 =	vsel vm0, $0xFFFFFFFF, v0;
	v4 =	vsel vm0, v37, v4  }
0x2df: {  	v26 =	vor.u32 $0x23, v2;
	[tilespmem:$0x1F770] =	vst v0;
	vm0 =	vgt.f32 v36, v4;
	v0 =	vimm.s32 $0x0  }
0x2e0: {  	v33 =	vld.idx.msk [tilespmem:v24+s2+$0x0], $0xffff;
	v0 =	vsel vm0, $0xFFFFFFFF, v0;
	v4 =	vsel vm0, v36, v4  }
0x2e1: {  	v27 =	vor.u32 $0x24, v2;
	[tilespmem:$0x1F780] =	vst v0;
	vm0 =	vgt.f32 v34, v4;
	v0 =	vimm.s32 $0x0  }
0x2e2: {  	v32 =	vld.idx.msk [tilespmem:v25+s2+$0x0], $0xffff;
	v0 =	vsel vm0, $0xFFFFFFFF, v0;
	v4 =	vsel vm0, v34, v4  }
0x2e3: {  	v12 =	vor.u32 $0x25, v2;
	[tilespmem:$0x1F7A0] =	vst v0;
	vm0 =	vgt.f32 v35, v4;
	v0 =	vimm.s32 $0x0  }
0x2e4: {  	v31 =	vld.idx.msk [tilespmem:v26+s2+$0x0], $0xffff;
	v0 =	vsel vm0, $0xFFFFFFFF, v0;
	v4 =	vsel vm0, v35, v4  }
0x2e5: {  	v13 =	vor.u32 $0x26, v2;
	[tilespmem:$0x1F7B0] =	vst v0;
	vm0 =	vgt.f32 v33, v4;
	v0 =	vimm.s32 $0x0  }
0x2e6: {  	v30 =	vld.idx.msk [tilespmem:v27+s2+$0x0], $0xffff;
	v0 =	vsel vm0, $0xFFFFFFFF, v0;
	v4 =	vsel vm0, v33, v4  }
0x2e7: {  	v14 =	vor.u32 $0x27, v2;
	[tilespmem:$0x1F7D0] =	vst v0;
	vm0 =	vgt.f32 v32, v4;
	v0 =	vimm.s32 $0x0  }
0x2e8: {  	v29 =	vld.idx.msk [tilespmem:v12+s2+$0x0], $0xffff;
	v0 =	vsel vm0, $0xFFFFFFFF, v0;
	v4 =	vsel vm0, v32, v4  }
0x2e9: {  	v15 =	vor.u32 $0x28, v2;
	[tilespmem:$0x1F7F0] =	vst v0;
	vm0 =	vgt.f32 v31, v4;
	v0 =	vimm.s32 $0x0  }
0x2ea: {  	v28 =	vld.idx.msk [tilespmem:v13+s2+$0x0], $0xffff;
	v0 =	vsel vm0, $0xFFFFFFFF, v0;
	v4 =	vsel vm0, v31, v4  }
0x2eb: {  	v16 =	vor.u32 $0x29, v2;
	[tilespmem:$0x1F800] =	vst v0;
	vm0 =	vgt.f32 v30, v4;
	v0 =	vimm.s32 $0x0  }
0x2ec: {  	v27 =	vld.idx.msk [tilespmem:v14+s2+$0x0], $0xffff;
	v0 =	vsel vm0, $0xFFFFFFFF, v0;
	v4 =	vsel vm0, v30, v4  }
0x2ed: {  	v17 =	vor.u32 $0x2A, v2;
	[tilespmem:$0x1F810] =	vst v0;
	vm0 =	vgt.f32 v29, v4;
	v0 =	vimm.s32 $0x0  }
0x2ee: {  	v26 =	vld.idx.msk [tilespmem:v15+s2+$0x0], $0xffff;
	v0 =	vsel vm0, $0xFFFFFFFF, v0;
	v4 =	vsel vm0, v29, v4  }
0x2ef: {  	v18 =	vor.u32 $0x2B, v2;
	[tilespmem:$0x1F820] =	vst v0;
	vm0 =	vgt.f32 v28, v4;
	v0 =	vimm.s32 $0x0  }
0x2f0: {  	v25 =	vld.idx.msk [tilespmem:v16+s2+$0x0], $0xffff;
	v0 =	vsel vm0, $0xFFFFFFFF, v0;
	v4 =	vsel vm0, v28, v4  }
0x2f1: {  	v19 =	vor.u32 $0x2C, v2;
	[tilespmem:$0x1F830] =	vst v0;
	vm0 =	vgt.f32 v27, v4;
	v0 =	vimm.s32 $0x0  }
0x2f2: {  	v24 =	vld.idx.msk [tilespmem:v17+s2+$0x0], $0xffff;
	v0 =	vsel vm0, $0xFFFFFFFF, v0;
	v4 =	vsel vm0, v27, v4  }
0x2f3: {  	v12 =	vor.u32 $0x2D, v2;
	[tilespmem:$0x1F850] =	vst v0;
	vm0 =	vgt.f32 v26, v4;
	v0 =	vimm.s32 $0x0  }
0x2f4: {  	v22 =	vld.idx.msk [tilespmem:v18+s2+$0x0], $0xffff;
	v0 =	vsel vm0, $0xFFFFFFFF, v0;
	v4 =	vsel vm0, v26, v4  }
0x2f5: {  	v13 =	vor.u32 $0x2E, v2;
	[tilespmem:$0x1F860] =	vst v0;
	vm0 =	vgt.f32 v25, v4;
	v0 =	vimm.s32 $0x0  }
0x2f6: {  	v23 =	vld.idx.msk [tilespmem:v19+s2+$0x0], $0xffff;
	v0 =	vsel vm0, $0xFFFFFFFF, v0;
	v4 =	vsel vm0, v25, v4  }
0x2f7: {  	v14 =	vor.u32 $0x2F, v2;
	[tilespmem:$0x1F870] =	vst v0;
	vm0 =	vgt.f32 v24, v4;
	v0 =	vimm.s32 $0x0  }
0x2f8: {  	v21 =	vld.idx.msk [tilespmem:v12+s2+$0x0], $0xffff;
	v0 =	vsel vm0, $0xFFFFFFFF, v0;
	v4 =	vsel vm0, v24, v4  }
0x2f9: {  	v15 =	vor.u32 $0x30, v2;
	[tilespmem:$0x1F880] =	vst v0;
	vm0 =	vgt.f32 v22, v4;
	v0 =	vimm.s32 $0x0  }
0x2fa: {  	v20 =	vld.idx.msk [tilespmem:v13+s2+$0x0], $0xffff;
	v0 =	vsel vm0, $0xFFFFFFFF, v0;
	v4 =	vsel vm0, v22, v4  }
0x2fb: {  	v12 =	vor.u32 $0x31, v2;
	[tilespmem:$0x1F890] =	vst v0;
	vm0 =	vgt.f32 v23, v4;
	v0 =	vimm.s32 $0x0  }
0x2fc: {  	v19 =	vld.idx.msk [tilespmem:v14+s2+$0x0], $0xffff;
	v0 =	vsel vm0, $0xFFFFFFFF, v0;
	v4 =	vsel vm0, v23, v4  }
0x2fd: {  	v13 =	vor.u32 $0x32, v2;
	[tilespmem:$0x1F8A0] =	vst v0;
	vm0 =	vgt.f32 v21, v4;
	v0 =	vimm.s32 $0x0  }
0x2fe: {  	v18 =	vld.idx.msk [tilespmem:v15+s2+$0x0], $0xffff;
	v0 =	vsel vm0, $0xFFFFFFFF, v0;
	v4 =	vsel vm0, v21, v4  }
0x2ff: {  	v14 =	vor.u32 $0x33, v2;
	[tilespmem:$0x1F8B0] =	vst v0;
	vm0 =	vgt.f32 v20, v4;
	v0 =	vimm.s32 $0x0  }
0x300: {  	v17 =	vld.idx.msk [tilespmem:v12+s2+$0x0], $0xffff;
	v0 =	vsel vm0, $0xFFFFFFFF, v0;
	v4 =	vsel vm0, v20, v4  }
0x301: {  	v6 =	vor.u32 $0x34, v2;
	[tilespmem:$0x1F8C0] =	vst v0;
	vm0 =	vgt.f32 v19, v4;
	v0 =	vimm.s32 $0x0  }
0x302: {  	v16 =	vld.idx.msk [tilespmem:v13+s2+$0x0], $0xffff;
	v0 =	vsel vm0, $0xFFFFFFFF, v0;
	v4 =	vsel vm0, v19, v4  }
0x303: {  	v5 =	vor.u32 $0x35, v2;
	[tilespmem:$0x1F8D0] =	vst v0;
	vm0 =	vgt.f32 v18, v4;
	v0 =	vimm.s32 $0x0  }
0x304: {  	v15 =	vld.idx.msk [tilespmem:v14+s2+$0x0], $0xffff;
	v0 =	vsel vm0, $0xFFFFFFFF, v0;
	v4 =	vsel vm0, v18, v4  }
0x305: {  	v7 =	vor.u32 $0x36, v2;
	[tilespmem:$0x1F8E0] =	vst v0;
	vm0 =	vgt.f32 v17, v4;
	v0 =	vimm.s32 $0x0  }
0x306: {  	v14 =	vld.idx.msk [tilespmem:v6+s2+$0x0], $0xffff;
	v0 =	vsel vm0, $0xFFFFFFFF, v0;
	v4 =	vsel vm0, v17, v4  }
0x307: {  	v6 =	vor.u32 $0x37, v2;
	[tilespmem:$0x1F8F0] =	vst v0;
	vm0 =	vgt.f32 v16, v4;
	v0 =	vimm.s32 $0x0  }
0x308: {  	v13 =	vld.idx.msk [tilespmem:v5+s2+$0x0], $0xffff;
	v0 =	vsel vm0, $0xFFFFFFFF, v0;
	v4 =	vsel vm0, v16, v4  }
0x309: {  	[tilespmem:$0x1F900] =	vst v0;
	vm0 =	vgt.f32 v15, v4;
	v0 =	vimm.s32 $0x0  }
0x30a: {  	v5 =	vor.u32 $0x38, v2;
	v12 =	vld.idx.msk [tilespmem:v7+s2+$0x0], $0xffff;
	v0 =	vsel vm0, $0xFFFFFFFF, v0;
	v4 =	vsel vm0, v15, v4  }
0x30b: {  	[tilespmem:$0x1F910] =	vst v0;
	vm0 =	vgt.f32 v14, v4;
	v0 =	vimm.s32 $0x0  }
0x30c: {  	v7 =	vor.u32 $0x39, v2;
	v3 =	vld.idx.msk [tilespmem:v6+s2+$0x0], $0xffff;
	v0 =	vsel vm0, $0xFFFFFFFF, v0;
	v4 =	vsel vm0, v14, v4  }
0x30d: {  	[tilespmem:$0x1F920] =	vst v0;
	vm0 =	vgt.f32 v13, v4;
	v0 =	vimm.s32 $0x0  }
0x30e: {  	v6 =	vor.u32 $0x3A, v2;
	v0 =	vsel vm0, $0xFFFFFFFF, v0;
	v4 =	vsel vm0, v13, v4  }
0x30f: {  	v5 =	vld.idx.msk [tilespmem:v5+s2+$0x0], $0xffff;
	[tilespmem:$0x1F930] =	vst v0;
	vm0 =	vgt.f32 v12, v4;
	v0 =	vimm.s32 $0x0  }
0x310: {  	v1 =	vor.u32 $0x3B, v2;
	v0 =	vsel vm0, $0xFFFFFFFF, v0;
	v4 =	vsel vm0, v12, v4  }
0x311: {  	v8 =	vimm.s32 $0x0;
	[tilespmem:$0x1F940] =	vst v0;
	v0 =	vld.idx.msk [tilespmem:v7+s2+$0x0], $0xffff;
	vm0 =	vgt.f32 v3, v4  }
0x312: {  	v7 =	vor.u32 $0x3C, v2;
	v8 =	vsel vm0, $0xFFFFFFFF, v8  }
0x313: {  	v4 =	vsel vm0, v3, v4;
	[tilespmem:$0x1F950] =	vst v8;
	v8 =	vld.idx.msk [tilespmem:v6+s2+$0x0], $0xffff  }
0x314: {  	[tilespmem:$0x1F760] =	vst v3;
	v3 =	vor.u32 $0x3D, v2;
	vm13 =	vgt.f32 v5, v4  }
0x315: {  	v6 =	vld.idx.msk [tilespmem:v1+s2+$0x0], $0xffff;
	v1 =	vsel vm13, v5, v4  }
0x316: {  	[tilespmem:$0x1F790] =	vst v5;
	v5 =	vor.u32 $0x3E, v2;
	vm7 =	vgt.f32 v0, v1  }
0x317: {  	v4 =	vld.idx.msk [tilespmem:v7+s2+$0x0], $0xffff;
	v7 =	vsel vm7, v0, v1  }
0x318: {  	v2 =	vor.u32 $0x3F, v2;
	vm5 =	vgt.f32 v8, v7  }
0x319: {  	[tilespmem:$0x1F7C0] =	vst v0;
	v0 =	vld.idx.msk [tilespmem:v3+s2+$0x0], $0xffff;
	v3 =	vsel vm5, v8, v7  }
0x31a: {  	vm4 =	vgt.f32 v6, v3  }
0x31b: {  	v1 =	vld.idx.msk [tilespmem:v5+s2+$0x0], $0xffff;
	v3 =	vsel vm4, v6, v3  }
0x31c: {  	vm3 =	vgt.f32 v4, v3  }
0x31d: {  	v7 =	vld.idx.msk [tilespmem:v2+s2+$0x0], $0xffff;
	v2 =	vsel vm3, v4, v3  }
0x31e: {  	vm2 =	vgt.f32 v0, v2  }
0x31f: {  	v2 =	vsel vm2, v0, v2  }
0x320: {  	vm0 =	vgt.f32 v1, v2  }
0x321: {  	v2 =	vsel vm0, v1, v2  }
0x322: {  	vm1 =	vgt.f32 v7, v2  }
0x323: {  	[tilespmem:$0x1F840] =	vst v7;
	v7 =	vsel vm1, v7, v2  }
0x324: {  	v2 =	vsub.f32 v63, v7;
	_ =	sdelay $0x1  }
0x325: {  	v3 =	vsub.f32 v11, v7;
	v2 =	vmul.f32 $1.442695020e+00, v2;
	_ =	sdelay $0x1  }
0x326: {  	v3 =	vmul.f32 $1.442695020e+00, v3;
	(erf) = vpow2.f32 v2;
	v2 =	vsub.f32 v62, v7;
	_ =	sdelay $0x1  }
0x327: {  	(erf) = vpow2.f32 v3;
	v3 =	vsub.f32 v58, v7;
	v2 =	vmul.f32 $1.442695020e+00, v2;
	_ =	sdelay $0x1  }
0x328: {  	v3 =	vmul.f32 $1.442695020e+00, v3;
	(erf) = vpow2.f32 v2;
	v2 =	vsub.f32 v59, v7;
	_ =	sdelay $0x1  }
0x329: {  	(erf) = vpow2.f32 v3;
	v3 =	vsub.f32 v60, v7;
	v2 =	vmul.f32 $1.442695020e+00, v2;
	_ =	sdelay $0x1  }
0x32a: {  	v3 =	vmul.f32 $1.442695020e+00, v3;
	(erf) = vpow2.f32 v2;
	v2 =	vsub.f32 v61, v7  }
0x32b: {  	v60 =	vsub.f32 v56, v7;
	v59 =	vpop (erf)  }
0x32c: {  	(erf) = vpow2.f32 v3;
	v2 =	vmul.f32 $1.442695020e+00, v2;
	v3 =	vadd.f32 $0.0e+00, v59  }
0x32d: {  	v11 =	vmul.f32 $1.442695020e+00, v60;
	v61 =	vpop (erf)  }
0x32e: {  	v3 =	vadd.f32 v3, v61;
	(erf) = vpow2.f32 v2;
	v2 =	vsub.f32 v57, v7  }
0x32f: {  	v63 =	vsub.f32 v55, v7;
	v62 =	vpop (erf)  }
0x330: {  	(erf) = vpow2.f32 v11;
	v3 =	vadd.f32 v3, v62;
	v2 =	vmul.f32 $1.442695020e+00, v2  }
0x331: {  	v5 =	vmov v6;
	v11 =	vmul.f32 $1.442695020e+00, v63;
	v6 =	vpop (erf)  }
0x332: {  	v3 =	vadd.f32 v3, v6;
	(erf) = vpow2.f32 v2;
	v2 =	vsub.f32 v54, v7  }
0x333: {  	[tilespmem:$0x1F7E0] =	vst v8;
	v56 =	vsub.f32 v53, v7;
	v8 =	vpop (erf)  }
0x334: {  	(erf) = vpow2.f32 v11;
	v3 =	vadd.f32 v3, v8;
	v2 =	vmul.f32 $1.442695020e+00, v2  }
0x335: {  	v11 =	vmul.f32 $1.442695020e+00, v56;
	v57 =	vpop (erf)  }
0x336: {  	v3 =	vadd.f32 v3, v57;
	(erf) = vpow2.f32 v2;
	v2 =	vsub.f32 v52, v7  }
0x337: {  	v59 =	vsub.f32 v51, v7;
	v58 =	vpop (erf)  }
0x338: {  	(erf) = vpow2.f32 v11;
	v3 =	vadd.f32 v3, v58;
	v2 =	vmul.f32 $1.442695020e+00, v2  }
0x339: {  	v61 =	vsub.f32 v49, v7;
	v60 =	vpop (erf)  }
0x33a: {  	v3 =	vadd.f32 v3, v60;
	(erf) = vpow2.f32 v2;
	v2 =	vmul.f32 $1.442695020e+00, v59  }
0x33b: {  	v11 =	vmul.f32 $1.442695020e+00, v61;
	v62 =	vpop (erf)  }
0x33c: {  	v3 =	vadd.f32 v3, v62;
	(erf) = vpow2.f32 v2;
	v2 =	vsub.f32 v50, v7  }
0x33d: {  	v6 =	vsub.f32 v48, v7;
	v63 =	vpop (erf)  }
0x33e: {  	(erf) = vpow2.f32 v11;
	v3 =	vadd.f32 v3, v63;
	v2 =	vmul.f32 $1.442695020e+00, v2  }
0x33f: {  	v11 =	vmul.f32 $1.442695020e+00, v6;
	v8 =	vpop (erf)  }
0x340: {  	v3 =	vadd.f32 v3, v8;
	(erf) = vpow2.f32 v2;
	v2 =	vsub.f32 v47, v7  }
0x341: {  	v50 =	vsub.f32 v46, v7;
	v49 =	vpop (erf)  }
0x342: {  	(erf) = vpow2.f32 v11;
	v3 =	vadd.f32 v3, v49;
	v2 =	vmul.f32 $1.442695020e+00, v2  }
0x343: {  	v52 =	vsub.f32 v44, v7;
	v51 =	vpop (erf)  }
0x344: {  	v3 =	vadd.f32 v3, v51;
	(erf) = vpow2.f32 v2;
	v2 =	vmul.f32 $1.442695020e+00, v50  }
0x345: {  	v11 =	vmul.f32 $1.442695020e+00, v52;
	v53 =	vpop (erf)  }
0x346: {  	v3 =	vadd.f32 v3, v53;
	(erf) = vpow2.f32 v2;
	v2 =	vsub.f32 v45, v7  }
0x347: {  	v55 =	vsub.f32 v42, v7;
	v54 =	vpop (erf)  }
0x348: {  	(erf) = vpow2.f32 v11;
	v3 =	vadd.f32 v3, v54;
	v2 =	vmul.f32 $1.442695020e+00, v2  }
0x349: {  	v11 =	vmul.f32 $1.442695020e+00, v55;
	v56 =	vpop (erf)  }
0x34a: {  	v3 =	vadd.f32 v3, v56;
	(erf) = vpow2.f32 v2;
	v2 =	vsub.f32 v43, v7  }
0x34b: {  	v58 =	vsub.f32 v40, v7;
	v57 =	vpop (erf)  }
0x34c: {  	(erf) = vpow2.f32 v11;
	v3 =	vadd.f32 v3, v57;
	v2 =	vmul.f32 $1.442695020e+00, v2  }
0x34d: {  	v11 =	vmul.f32 $1.442695020e+00, v58;
	v59 =	vpop (erf)  }
0x34e: {  	v3 =	vadd.f32 v3, v59;
	(erf) = vpow2.f32 v2;
	v2 =	vsub.f32 v41, v7  }
0x34f: {  	v27 =	vsub.f32 v27, v7;
	v61 =	vsub.f32 v39, v7;
	v60 =	vpop (erf)  }
0x350: {  	(erf) = vpow2.f32 v11;
	v3 =	vadd.f32 v3, v60;
	v2 =	vmul.f32 $1.442695020e+00, v2  }
0x351: {  	v5 =	vsub.f32 v5, v7;
	v4 =	vsub.f32 v4, v7;
	v63 =	vmul.f32 $1.442695020e+00, v61;
	v62 =	vpop (erf)  }
0x352: {  	v3 =	vadd.f32 v3, v62;
	(erf) = vpow2.f32 v2;
	v2 =	vsub.f32 v9, v7  }
0x353: {  	v0 =	vsub.f32 v0, v7;
	v39 =	vsub.f32 v38, v7;
	v6 =	vpop (erf)  }
0x354: {  	(erf) = vpow2.f32 v63;
	v3 =	vadd.f32 v3, v6;
	v2 =	vmul.f32 $1.442695020e+00, v2  }
0x355: {  	v1 =	vsub.f32 v1, v7;
	v41 =	vsub.f32 v10, v7;
	v40 =	vpop (erf)  }
0x356: {  	v3 =	vadd.f32 v3, v40;
	(erf) = vpow2.f32 v2;
	v2 =	vmul.f32 $1.442695020e+00, v39  }
0x357: {  	v5 =	vmul.f32 $1.442695020e+00, v5;
	v44 =	vsub.f32 v36, v7;
	v8 =	vmul.f32 $1.442695020e+00, v41;
	v42 =	vpop (erf)  }
0x358: {  	v3 =	vadd.f32 v3, v42;
	(erf) = vpow2.f32 v2;
	v2 =	vsub.f32 v37, v7  }
0x359: {  	v4 =	vmul.f32 $1.442695020e+00, v4;
	v38 =	vsub.f32 v24, v7;
	v46 =	vsub.f32 v34, v7;
	v43 =	vpop (erf)  }
0x35a: {  	(erf) = vpow2.f32 v8;
	v3 =	vadd.f32 v3, v43;
	v2 =	vmul.f32 $1.442695020e+00, v2  }
0x35b: {  	v0 =	vmul.f32 $1.442695020e+00, v0;
	v61 =	vsub.f32 v28, v7;
	v49 =	vsub.f32 v33, v7;
	v45 =	vpop (erf)  }
0x35c: {  	v3 =	vadd.f32 v3, v45;
	(erf) = vpow2.f32 v2;
	v2 =	vmul.f32 $1.442695020e+00, v44  }
0x35d: {  	v33 =	vsub.f32 v25, v7;
	v55 =	vsub.f32 v31, v7;
	v8 =	vmul.f32 $1.442695020e+00, v46;
	v47 =	vpop (erf)  }
0x35e: {  	v3 =	vadd.f32 v3, v47;
	(erf) = vpow2.f32 v2;
	v2 =	vsub.f32 v35, v7  }
0x35f: {  	v51 =	vimm.s32 $0x0;
	v57 =	vsub.f32 v30, v7;
	v30 =	vsub.f32 v26, v7;
	v48 =	vpop (erf)  }
0x360: {  	(erf) = vpow2.f32 v8;
	v3 =	vadd.f32 v3, v48;
	v2 =	vmul.f32 $1.442695020e+00, v2  }
0x361: {  	v26 =	vsub.f32 v14, v7;
	v11 =	vsel vm6, $0x1, v51;
	v8 =	vmul.f32 $1.442695020e+00, v49;
	v50 =	vpop (erf)  }
0x362: {  	v3 =	vadd.f32 v3, v50;
	(erf) = vpow2.f32 v2;
	v2 =	vsub.f32 v32, v7  }
0x363: {  	v59 =	vsub.f32 v29, v7;
	v34 =	vmul.f32 $1.442695020e+00, v30;
	v52 =	vsel vm8, $0x2, v11;
	v53 =	vpop (erf)  }
0x364: {  	(erf) = vpow2.f32 v8;
	v3 =	vadd.f32 v3, v53;
	v2 =	vmul.f32 $1.442695020e+00, v2  }
0x365: {  	v11 =	vmul.f32 $1.442695020e+00, v59;
	v54 =	vsel vm12, $0x3, v52;
	v9 =	vmul.f32 $1.442695020e+00, v55;
	v56 =	vpop (erf)  }
0x366: {  	v8 =	vsel vm11, $0x4, v54;
	v3 =	vadd.f32 v3, v56;
	(erf) = vpow2.f32 v2  }
0x367: {  	v29 =	vld [tilespmem:$0x1F620];
	v52 =	vsub.f32 v20, v7;
	v55 =	vsub.f32 v19, v7;
	v2 =	vsel vm10, $0x5, v8;
	v58 =	vpop (erf)  }
0x368: {  	v35 =	vld [tilespmem:$0x1F640];
	v8 =	vmul.f32 $1.442695020e+00, v57;
	(erf) = vpow2.f32 v9;
	v3 =	vadd.f32 v3, v58  }
0x369: {  	v41 =	vld [tilespmem:$0x1F670];
	v20 =	vsub.f32 v16, v7;
	v63 =	vmul.f32 $1.442695020e+00, v61;
	v59 =	vmul.f32 $1.442695020e+00, v55;
	v60 =	vpop (erf)  }
0x36a: {  	v46 =	vsub.f32 v23, v7;
	v32 =	vld [tilespmem:$0x1F630];
	(erf) = vpow2.f32 v8;
	v3 =	vadd.f32 v3, v60  }
0x36b: {  	v42 =	vmul.f32 $1.442695020e+00, v38;
	v23 =	vsub.f32 v15, v7;
	v43 =	vsub.f32 v22, v7;
	v62 =	vpop (erf)  }
0x36c: {  	v37 =	vld [tilespmem:$0x1F650];
	v49 =	vsub.f32 v21, v7;
	(erf) = vpow2.f32 v11;
	v3 =	vadd.f32 v3, v62  }
0x36d: {  	vm12 =	vnez.u8 v35;
	vm10 =	vnez.u8 v29;
	v29 =	vsub.f32 v13, v7;
	v28 =	vpop (erf)  }
0x36e: {  	v40 =	vld [tilespmem:$0x1F660];
	v9 =	vmul.f32 $1.442695020e+00, v27;
	(erf) = vpow2.f32 v63;
	v3 =	vadd.f32 v3, v28  }
0x36f: {  	v45 =	vld [tilespmem:$0x1F680];
	v2 =	vsel vm9, $0x6, v2;
	vm11 =	vnez.u8 v32;
	vm9 =	vnez.u8 v41;
	v31 =	vpop (erf)  }
0x370: {  	v48 =	vld [tilespmem:$0x1F690];
	v32 =	vsub.f32 v12, v7;
	(erf) = vpow2.f32 v9;
	v3 =	vadd.f32 v3, v31  }
0x371: {  	v2 =	vsel vm14, $0x7, v2;
	v8 =	vmul.f32 $1.442695020e+00, v33;
	vm14 =	vnez.u8 v37;
	v36 =	vpop (erf)  }
0x372: {  	v51 =	vld [tilespmem:$0x1F6A0];
	v58 =	vsub.f32 v18, v7;
	(erf) = vpow2.f32 v34;
	v3 =	vadd.f32 v3, v36  }
0x373: {  	v2 =	vsel vm15, $0x8, v2;
	vm15 =	vnez.u8 v40;
	v39 =	vpop (erf);
	(erf) = vpow2.f32 v8  }
0x374: {  	v19 =	vld [tilespmem:$0x1F700];
	v35 =	vmul.f32 $1.442695020e+00, v32;
	v2 =	vsel vm10, $0x9, v2;
	v3 =	vadd.f32 v3, v39  }
0x375: {  	v54 =	vld [tilespmem:$0x1F6B0];
	vm10 =	vnez.u8 v45;
	v2 =	vsel vm11, $0xA, v2;
	vm11 =	vnez.u8 v48;
	v44 =	vpop (erf)  }
0x376: {  	v57 =	vld [tilespmem:$0x1F6C0];
	v9 =	vmul.f32 $1.442695020e+00, v43;
	(erf) = vpow2.f32 v42;
	v3 =	vadd.f32 v3, v44  }
0x377: {  	v18 =	vld [tilespmem:$0x1F6F0];
	v11 =	vmul.f32 $1.442695020e+00, v46;
	v2 =	vsel vm12, $0xB, v2;
	vm12 =	vnez.u8 v51;
	v47 =	vpop (erf)  }
0x378: {  	v60 =	vld [tilespmem:$0x1F6D0];
	v2 =	vsel vm14, $0xC, v2;
	(erf) = vpow2.f32 v9;
	v3 =	vadd.f32 v3, v47  }
0x379: {  	v62 =	vld [tilespmem:$0x1F6E0];
	v63 =	vsub.f32 v17, v7;
	v2 =	vsel vm15, $0xD, v2;
	v8 =	vmul.f32 $1.442695020e+00, v49;
	v50 =	vpop (erf)  }
0x37a: {  	v51 =	vld [tilespmem:$0x1F7E0];
	v9 =	vmul.f32 $1.442695020e+00, v52;
	(erf) = vpow2.f32 v11;
	v3 =	vadd.f32 v3, v50  }
0x37b: {  	vm14 =	vnez.u8 v54;
	v2 =	vsel vm9, $0xE, v2;
	v53 =	vpop (erf);
	(erf) = vpow2.f32 v8  }
0x37c: {  	v2 =	vsel vm10, $0xF, v2;
	v56 =	vpop (erf);
	(erf) = vpow2.f32 v9;
	v3 =	vadd.f32 v3, v53  }
0x37d: {  	vm15 =	vnez.u8 v57;
	vm9 =	vnez.u8 v60;
	v2 =	vsel vm11, $0x10, v2  }
0x37e: {  	v22 =	vld [tilespmem:$0x1F710];
	vm10 =	vnez.u8 v62;
	vm11 =	vnez.u8 v18;
	v3 =	vadd.f32 v3, v56  }
0x37f: {  	v25 =	vld [tilespmem:$0x1F720];
	v6 =	vsub.f32 v51, v7;
	v2 =	vsel vm12, $0x11, v2;
	vm12 =	vnez.u8 v19;
	v61 =	vpop (erf)  }
0x380: {  	v28 =	vld [tilespmem:$0x1F730];
	v8 =	vmul.f32 $1.442695020e+00, v58;
	(erf) = vpow2.f32 v59;
	v3 =	vadd.f32 v3, v61  }
0x381: {  	v31 =	vld [tilespmem:$0x1F740];
	v2 =	vsel vm14, $0x12, v2;
	v6 =	vmul.f32 $1.442695020e+00, v6;
	v9 =	vmul.f32 $1.442695020e+00, v63;
	v17 =	vpop (erf)  }
0x382: {  	v34 =	vld [tilespmem:$0x1F750];
	(erf) = vpow2.f32 v8;
	v8 =	vmul.f32 $1.442695020e+00, v20;
	v3 =	vadd.f32 v3, v17  }
0x383: {  	v36 =	vld [tilespmem:$0x1F760];
	vm14 =	vnez.u8 v22;
	v11 =	vmul.f32 $1.442695020e+00, v23;
	v21 =	vpop (erf);
	(erf) = vpow2.f32 v9  }
0x384: {  	v38 =	vld [tilespmem:$0x1F770];
	v2 =	vsel vm15, $0x13, v2;
	v24 =	vpop (erf);
	(erf) = vpow2.f32 v8;
	v3 =	vadd.f32 v3, v21  }
0x385: {  	vm15 =	vnez.u8 v25;
	v42 =	vld [tilespmem:$0x1F790];
	v2 =	vsel vm9, $0x14, v2;
	v27 =	vpop (erf);
	(erf) = vpow2.f32 v11  }
0x386: {  	vm9 =	vnez.u8 v28;
	v2 =	vsel vm10, $0x15, v2;
	v3 =	vadd.f32 v3, v24  }
0x387: {  	vm10 =	vnez.u8 v31;
	v2 =	vsel vm11, $0x16, v2;
	vm11 =	vnez.u8 v34  }
0x388: {  	v41 =	vld [tilespmem:$0x1F780];
	v37 =	vsub.f32 v36, v7;
	v9 =	vmul.f32 $1.442695020e+00, v26;
	v3 =	vadd.f32 v3, v27  }
0x389: {  	v45 =	vld [tilespmem:$0x1F7A0];
	v2 =	vsel vm12, $0x17, v2;
	vm12 =	vnez.u8 v38;
	v8 =	vmul.f32 $1.442695020e+00, v29;
	v30 =	vpop (erf)  }
0x38a: {  	v47 =	vld [tilespmem:$0x1F7C0];
	v43 =	vsub.f32 v42, v7;
	(erf) = vpow2.f32 v9;
	v3 =	vadd.f32 v3, v30  }
0x38b: {  	v46 =	vld [tilespmem:$0x1F7B0];
	v2 =	vsel vm14, $0x18, v2;
	v40 =	vmul.f32 $1.442695020e+00, v37;
	v33 =	vpop (erf);
	(erf) = vpow2.f32 v8  }
0x38c: {  	v55 =	vld [tilespmem:$0x1F800];
	v9 =	vmul.f32 $1.442695020e+00, v43;
	v39 =	vpop (erf);
	(erf) = vpow2.f32 v35;
	v3 =	vadd.f32 v3, v33  }
0x38d: {  	vm14 =	vnez.u8 v41;
	v2 =	vsel vm15, $0x19, v2;
	v50 =	vld [tilespmem:$0x1F7D0];
	v44 =	vpop (erf);
	(erf) = vpow2.f32 v40  }
0x38e: {  	v57 =	vld [tilespmem:$0x1F810];
	v2 =	vsel vm9, $0x1A, v2;
	v49 =	vpop (erf);
	(erf) = vpow2.f32 v9;
	v3 =	vadd.f32 v3, v39  }
0x38f: {  	vm15 =	vnez.u8 v45;
	v2 =	vsel vm10, $0x1B, v2;
	v48 =	vsub.f32 v47, v7  }
0x390: {  	vm9 =	vnez.u8 v46;
	v53 =	vld [tilespmem:$0x1F7F0];
	v2 =	vsel vm11, $0x1C, v2;
	v3 =	vadd.f32 v3, v44  }
0x391: {  	v2 =	vsel vm12, $0x1D, v2;
	vm12 =	vnez.u8 v55;
	v8 =	vmul.f32 $1.442695020e+00, v48  }
0x392: {  	v2 =	vsel vm14, $0x1E, v2;
	vm10 =	vnez.u8 v50;
	v3 =	vadd.f32 v3, v49  }
0x393: {  	v59 =	vld [tilespmem:$0x1F820];
	vm14 =	vnez.u8 v57;
	v2 =	vsel vm15, $0x1F, v2;
	v52 =	vpop (erf);
	(erf) = vpow2.f32 v8  }
0x394: {  	v60 =	vld [tilespmem:$0x1F830];
	v2 =	vsel vm9, $0x20, v2;
	v54 =	vpop (erf);
	(erf) = vpow2.f32 v6;
	v3 =	vadd.f32 v3, v52  }
0x395: {  	vm11 =	vnez.u8 v53;
	v2 =	vsel vm10, $0x21, v2;
	v56 =	vpop (erf);
	(erf) = vpow2.f32 v5  }
0x396: {  	v2 =	vsel vm11, $0x22, v2;
	v58 =	vpop (erf);
	(erf) = vpow2.f32 v4;
	v3 =	vadd.f32 v3, v54  }
0x397: {  	v2 =	vsel vm12, $0x23, v2;
	v62 =	vpop (erf);
	(erf) = vpow2.f32 v0;
	v0 =	vmul.f32 $1.442695020e+00, v1;
	v1 =	vld [tilespmem:$0x1F850]  }
0x398: {  	vm15 =	vnez.u8 v59;
	v2 =	vsel vm14, $0x24, v2;
	v3 =	vadd.f32 v3, v56  }
0x399: {  	vm9 =	vnez.u8 v60;
	v2 =	vsel vm15, $0x25, v2  }
0x39a: {  	v61 =	vld [tilespmem:$0x1F840];
	v2 =	vsel vm9, $0x26, v2;
	v3 =	vadd.f32 v3, v58;
	_ =	sdelay $0x1  }
0x39b: {  	vm10 =	vnez.u8 v1;
	v3 =	vadd.f32 v3, v62  }
0x39c: {  	v1 =	vsel vm10, $0x27, v2;
	v2 =	vpop (erf)  }
0x39d: {  	v2 =	vadd.f32 v3, v2;
	v3 =	vld [tilespmem:$0x1F860]  }
0x39e: {  	v4 =	vsub.f32 v61, v7  }
0x39f: {  	v63 =	vld [tilespmem:$0x1F870]  }
0x3a0: {  	(erf) = vpow2.f32 v0;
	v0 =	vmul.f32 $1.442695020e+00, v4;
	_ =	sdelay $0x1  }
0x3a1: {  	vm11 =	vnez.u8 v3;
	v3 =	vpop (erf);
	(erf) = vpow2.f32 v0;
	v0 =	vld [tilespmem:$0x1F880];
	_ =	sdelay $0x1  }
0x3a2: {  	vm12 =	vnez.u8 v63;
	v1 =	vsel vm11, $0x28, v1  }
0x3a3: {  	v1 =	vsel vm12, $0x29, v1;
	_ =	sdelay $0x1  }
0x3a4: {  	v2 =	vadd.f32 v2, v3;
	vm14 =	vnez.u8 v0  }
0x3a5: {  	v0 =	vsel vm14, $0x2A, v1;
	v1 =	vpop (erf)  }
0x3a6: {  	v1 =	vadd.f32 v2, v1;
	v2 =	vld [tilespmem:$0x1F8A0];
	_ =	sdelay $0x4  }
0x3a7: {  	v3 =	vld [tilespmem:$0x1F890];
	vm9 =	vnez.u8 v2;
	v2 =	vpop (erf)  }
0x3a8: {  	v1 =	vadd.f32 v1, v2;
	v2 =	vld [tilespmem:$0x1F8C0];
	_ =	sdelay $0x4  }
0x3a9: {  	vm15 =	vnez.u8 v3;
	v3 =	vld [tilespmem:$0x1F8B0];
	vm11 =	vnez.u8 v2;
	v2 =	vpop (erf)  }
0x3aa: {  	v1 =	vadd.f32 v1, v2;
	v2 =	vld [tilespmem:$0x1F8E0];
	_ =	sdelay $0x4  }
0x3ab: {  	vm10 =	vnez.u8 v3;
	v3 =	vld [tilespmem:$0x1F8D0];
	vm14 =	vnez.u8 v2;
	v2 =	vpop (erf)  }
0x3ac: {  	v1 =	vadd.f32 v1, v2;
	v2 =	vld [tilespmem:$0x1F900];
	_ =	sdelay $0x3  }
0x3ad: {  	v0 =	vsel vm15, $0x2B, v0;
	vm12 =	vnez.u8 v3;
	v3 =	vld [tilespmem:$0x1F8F0]  }
0x3ae: {  	v0 =	vsel vm9, $0x2C, v0;
	vm9 =	vnez.u8 v2;
	v2 =	vpop (erf)  }
0x3af: {  	v1 =	vadd.f32 v1, v2;
	v2 =	vld [tilespmem:$0x1F920];
	_ =	sdelay $0x1  }
0x3b0: {  	(erf) = vrcp.f32 v1;
	v1 =	vld [tilespmem:$0x1F940]  }
0x3b1: {  	v0 =	vsel vm10, $0x2D, v0;
	vm15 =	vnez.u8 v3;
	v3 =	vld [tilespmem:$0x1F910]  }
0x3b2: {  	v0 =	vsel vm11, $0x2E, v0  }
0x3b3: {  	v0 =	vsel vm12, $0x2F, v0;
	vm11 =	vnez.u8 v2;
	v2 =	vld [tilespmem:$0x1F930]  }
0x3b4: {  	v0 =	vsel vm14, $0x30, v0  }
0x3b5: {  	v0 =	vsel vm15, $0x31, v0;
	vm14 =	vnez.u8 v1;
	v1 =	vld [tilespmem:$0x1F950]  }
0x3b6: {  	vm10 =	vnez.u8 v3;
	v0 =	vsel vm9, $0x32, v0  }
0x3b7: {  	v0 =	vsel vm10, $0x33, v0  }
0x3b8: {  	v0 =	vsel vm11, $0x34, v0;
	vm12 =	vnez.u8 v2  }
0x3b9: {  	v0 =	vsel vm12, $0x35, v0  }
0x3ba: {  	v0 =	vsel vm14, $0x36, v0;
	vm15 =	vnez.u8 v1  }
0x3bb: {  	v0 =	vsel vm15, $0x37, v0  }
0x3bc: {  	v0 =	vsel vm13, $0x38, v0  }
0x3bd: {  	v0 =	vsel vm7, $0x39, v0  }
0x3be: {  	v0 =	vsel vm5, $0x3A, v0  }
0x3bf: {  	v0 =	vsel vm4, $0x3B, v0  }
0x3c0: {  	v0 =	vsel vm3, $0x3C, v0  }
0x3c1: {  	v0 =	vsel vm2, $0x3D, v0  }
0x3c2: {  	s12 =	sadd.s32 $0x10, s12;
	v1 =	vpop (erf);
	v0 =	vsel vm0, $0x3E, v0  }
0x3c3: {  	s31 =	sadd.s32 $0x10, s11;
	[tilespmem:s12+$0x0] =	vst v1;
	v0 =	vsel vm1, $0x3F, v0  }
0x3c4: {  	[tilespmem:s31+$0x0] =	vst v0  }
0x3c5: {  	[hbm4b:s4+s2] =	stream.linear.scatter [tilespmem:s8], [sflag:$0x1], $0x100, $0x38;
	[tilespmem:$0x4200] =	vst v63  }
0x3c6: {  	_ =	swait.ge [sflag:s7], $0x100  }
0x3c7: {  	s10 =	sadd.s32 $0x1, s10;
	[sflag:s7] =	ssyncset.done $0x0  }
0x3c8: {  	p0 =	sne.s32 s10, s6;
	[sflag:s7] =	ssyncadd.s32 $0xFFFFFF00  }
0x3c9: {  	[hbm4b:s5+s2] =	stream.linear.scatter [tilespmem:s9], [sflag:$0x1], $0x100, $0x38;
	[tilespmem:$0x4200] =	vst v63  }
.Ltmp1:
0x3ca: {  	_ = 	snop;
	(pc) =	sbr.rel @p0 .LBB2_1-.Ltmp1, $4  }
0x3cb: {  	_ =	swait.ge [sflag:s7], $0x100  }
0x3cc: {  	v1 =	vld [tilespmem:$0x1FFF0]  }
0x3cd: {  	[sflag:s7] =	ssyncset.done $0x0  }
0x3ce: {  	[sflag:s7] =	ssyncadd.s32 $0xFFFFFF00  }
0x3cf: {  	_ =	sfence.sel $0x180000  }
0x3d0: {  	[bflag:$0x0] =	sbarrier.arrive $0xFFFF  }
0x3d1: {  	p0 =	sne.s32 s1, $0x0;
	_ =	strace $0x90000047  }
0x3d2: {  	s0 =	sadd.s32 @!p0 $0x100000, s0;
	[bflag:$0x2] =	sbarrier.arrive $0xFFFF  }
0x3d3: {  	[sflag:s0] =	ssyncadd.tile.s32 @!p0 $0x1;
	_ =	shalt  }
.Lfunc_end2:
_tile_overlayer_lowered:
.L_overlay_start_2:
0x3d4: {  	(tag) =	ssettag $0x2  }
0x3d5: {  	s0 =	rddreg [dreg:$0x0];
	s2 =	stileid.u32  }
0x3d6: {  	s1 =	rddreg [dreg:$0x1];
	p0 =	sne.s32 s2, $0x0  }
0x3d7: {  	s3 =	rddreg [dreg:$0x2];
	[bflag:$0x3] =	sbarrier.arrive $0xFFFF;
	s2 =	simm.s32 @!p0 $0x1C01  }
0x3d8: {  	[timem:s3], [sflag:s2] =	dma.local @!p0 [hbm:s0], s1  }
0x3d9: {  	s0 =	simm.s32 @!p0 $0x1  }
0x3da: {  	_ =	swait.ge @!p0 [sflag:s0], s1  }
0x3db: {  	s1 =	ssub.s32 @!p0 $0x0, s1;
	[sflag:s0] =	ssyncset.done @!p0 $0x0  }
0x3dc: {  	[sflag:s0] =	ssyncadd.s32 @!p0 s1  }
0x3dd: {  	[bflag:$0x3] =	sbarrier.arrive $0xFFFF  }
0x3de: {  	_ =	shalt  }

</sc_bundles>
